<compile_context>
chip_gen: v7x
topology: tpu7x:2x2x1
jax: 0.10.2.dev20260603
libtpu: 0.0.44.dev20260713+nightly
codegen_flags: <defaults>
</compile_context>

<pallas_src>
import functools

import jax
import jax.numpy as jnp
from jax import lax
from jax.experimental import pallas as pl
from jax.experimental.pallas import tpu as pltpu
from jax.experimental.pallas import tpu_sc as plsc

B = 4
N = 4096
NC = 2
NS = 16
NW = NC * NS
SC_ROWS = 4096
SC_CHUNK = SC_ROWS // NW
TC_SKIP = 4
IB = 32
NT = IB // 16
SUBACC = 2
LANES = 16
SLICE = N // NS
TN = 1024


def _sc_body(
    x1x, x1y, x1z, x2x, x2y, x2z, rowparts, colparts,
    qx, qy, qz, rx, ry, rz, colacc, dtile, idxcols, redbuf, mslice, ovec, shared,
):
    c = lax.axis_index("c")
    s = lax.axis_index("s")
    wid = s * 2 + c
    base = wid * SC_CHUNK

    iota = lax.iota(jnp.int32, LANES)
    for h in range(2):
        for t in range(NT):
            for i in range(LANES):
                idxcols[pl.ds(((h * NT + t) * LANES + i) * LANES, LANES)] = (
                    iota * LANES + ((h * NT + t) * LANES * LANES + i)
                )

    inf = jnp.full((LANES,), jnp.inf, jnp.float32)

    def initbody(v, _):
        colacc[pl.ds(v * LANES, LANES)] = inf
        return 0

    lax.fori_loop(0, N // LANES, initbody, 0)

    for src, dst in zip((x1x, x1y, x1z), (qx, qy, qz)):
        pltpu.sync_copy(src.at[pl.ds(base, SC_CHUNK)], dst)
    for src, dst in zip((x2x, x2y, x2z), (rx, ry, rz)):
        pltpu.sync_copy(src, dst)

    def ibody(ib, vtotal):
        qxv = [qx[pl.ds(ib * IB + t * LANES, LANES)] for t in range(NT)]
        qyv = [qy[pl.ds(ib * IB + t * LANES, LANES)] for t in range(NT)]
        qzv = [qz[pl.ds(ib * IB + t * LANES, LANES)] for t in range(NT)]

        def compute_tile(jv, h, accs):
            rxv = rx[pl.ds(jv * LANES, LANES)]
            ryv = ry[pl.ds(jv * LANES, LANES)]
            rzv = rz[pl.ds(jv * LANES, LANES)]
            for l in range(LANES):
                sx = rxv[l]
                sy = ryv[l]
                sz = rzv[l]
                for t in range(NT):
                    dx = qxv[t] - sx
                    dy = qyv[t] - sy
                    dz = qzv[t] - sz
                    d = dx * dx + dy * dy + dz * dz
                    k = (l % SUBACC) * NT + t
                    accs[k] = jnp.minimum(accs[k], d)
                    dtile[pl.ds(((h * NT + t) * LANES + l) * LANES, LANES)] = d
            return accs

        def gather_tile(jv, h):
            g = []
            for t in range(NT):
                for i in range(LANES):
                    idxv = idxcols[pl.ds(((h * NT + t) * LANES + i) * LANES, LANES)]
                    g.append(plsc.load_gather(dtile, [idxv]))
            while len(g) > 1:
                g = [jnp.minimum(g[2 * k], g[2 * k + 1]) for k in range(len(g) // 2)]
            cv = colacc[pl.ds(jv * LANES, LANES)]
            colacc[pl.ds(jv * LANES, LANES)] = jnp.minimum(cv, g[0])

        def jbody(jv, accs):
            accs = list(accs)
            accs = compute_tile(jv, 0, accs)
            gather_tile(jv, 0)
            return tuple(accs)

        accs = lax.fori_loop(0, N // LANES, jbody, (inf,) * (SUBACC * NT))
        blocksum = None
        for t in range(NT):
            m = accs[t]
            for k in range(1, SUBACC):
                m = jnp.minimum(m, accs[k * NT + t])
            blocksum = m if blocksum is None else blocksum + m
        return vtotal + blocksum

    vtotal = lax.fori_loop(0, SC_CHUNK // IB, ibody, jnp.zeros((LANES,), jnp.float32))
    ovec[...] = vtotal * jnp.float32(1.0 / N)
    pltpu.sync_copy(ovec, rowparts.at[wid])

    pltpu.sync_copy(colacc, shared.at[s])
    plsc.subcore_barrier()
    pltpu.sync_copy(shared.at[pl.ds(0, NS), pl.ds(s * SLICE, SLICE)], redbuf)

    def redbody(v, _):
        m = redbuf[0, pl.ds(v * LANES, LANES)]
        for r in range(1, NS):
            m = jnp.minimum(m, redbuf[r, pl.ds(v * LANES, LANES)])
        mslice[pl.ds(v * LANES, LANES)] = m
        return 0

    lax.fori_loop(0, SLICE // LANES, redbody, 0)
    pltpu.sync_copy(mslice, colparts.at[c, pl.ds(s * SLICE, SLICE)])


def _tc_main_body(x1_ref, x2_ref, colmin_ref, rowagg_ref):
    k = pl.program_id(0)
    i = (k + TC_SKIP) % (N // TN)
    a = x1_ref[0]
    b = x2_ref[0]
    qn = a[0] * a[0] + a[1] * a[1] + a[2] * a[2]
    rn = b[0] * b[0] + b[1] * b[1] + b[2] * b[2]
    am2 = a * jnp.float32(-2.0)
    lhs = jnp.concatenate(
        [am2, qn[None, :], jnp.ones((1, TN), jnp.float32)], axis=0
    )
    rhs = jnp.concatenate(
        [b, jnp.ones((1, N), jnp.float32), rn[None, :]], axis=0
    )
    d = lax.dot_general(
        lhs, rhs, (((0,), (0,)), ((), ())),
        precision=lax.Precision.HIGHEST,
        preferred_element_type=jnp.float32,
    )
    rowpart = jnp.sum(jnp.min(d, axis=1)) * jnp.float32(1.0 / N)
    cmin = jnp.min(d, axis=0, keepdims=True)

    first = jnp.logical_or(i == 0, k == 0)

    @pl.when(first)
    def _():
        rowagg_ref[...] = jnp.full((1, 1, 128), rowpart, jnp.float32)
        colmin_ref[...] = cmin[None]

    @pl.when(jnp.logical_not(first))
    def _():
        rowagg_ref[...] = rowagg_ref[...] + rowpart
        colmin_ref[...] = jnp.minimum(colmin_ref[...], cmin[None])


def _tc_merge_body(colmin_ref, rowagg_ref, sccol_ref, scrow_ref, out_ref):
    colmean = jnp.mean(colmin_ref[:, 0, :], axis=1)
    tc_out = rowagg_ref[:, 0, 0] + colmean
    sc_col = jnp.minimum(sccol_ref[0, :], sccol_ref[1, :])
    sc_out = jnp.sum(scrow_ref[...])
    if TC_SKIP < N // TN:
        sc_col = jnp.minimum(sc_col, colmin_ref[0, 0, :])
        sc_out = sc_out + rowagg_ref[0, 0, 0]
    sc_out = sc_out + jnp.mean(sc_col)
    res = jnp.where(lax.iota(jnp.int32, B) == 0, sc_out, tc_out)
    out_ref[...] = jnp.broadcast_to(res[:, None], (B, 128))


def kernel(xyz1, xyz2):
    x1 = jnp.transpose(xyz1, (2, 0, 1))
    x2 = jnp.transpose(xyz2, (2, 0, 1))
    x1t = jnp.transpose(xyz1, (0, 2, 1))
    x2t = jnp.transpose(xyz2, (0, 2, 1))

    sc_run = functools.partial(
        pl.kernel,
        mesh=plsc.VectorSubcoreMesh(core_axis_name="c", subcore_axis_name="s"),
        compiler_params=pltpu.CompilerParams(needs_layout_passes=False),
        out_type=(
            jax.ShapeDtypeStruct((NW, LANES), jnp.float32),
            jax.ShapeDtypeStruct((NC, N), jnp.float32),
        ),
        scratch_types=[
            pltpu.VMEM((SC_CHUNK,), jnp.float32),
            pltpu.VMEM((SC_CHUNK,), jnp.float32),
            pltpu.VMEM((SC_CHUNK,), jnp.float32),
            pltpu.VMEM((N,), jnp.float32),
            pltpu.VMEM((N,), jnp.float32),
            pltpu.VMEM((N,), jnp.float32),
            pltpu.VMEM((N,), jnp.float32),
            pltpu.VMEM((2 * NT * LANES * LANES,), jnp.float32),
            pltpu.VMEM((2 * NT * LANES * LANES,), jnp.int32),
            pltpu.VMEM((NS, SLICE), jnp.float32),
            pltpu.VMEM((SLICE,), jnp.float32),
            pltpu.VMEM((LANES,), jnp.float32),
            pltpu.VMEM_SHARED((NS, N), jnp.float32),
        ],
    )(_sc_body)
    rowparts, colparts = sc_run(
        x1[0][0], x1[1][0], x1[2][0], x2[0][0], x2[1][0], x2[2][0]
    )

    ntiles = N // TN
    colmin, rowagg = pl.pallas_call(
        _tc_main_body,
        grid=(B * ntiles - TC_SKIP,),
        in_specs=[
            pl.BlockSpec(
                (1, 3, TN), lambda k: ((k + TC_SKIP) // ntiles, 0, (k + TC_SKIP) % ntiles)
            ),
            pl.BlockSpec((1, 3, N), lambda k: ((k + TC_SKIP) // ntiles, 0, 0)),
        ],
        out_specs=[
            pl.BlockSpec((1, 1, N), lambda k: ((k + TC_SKIP) // ntiles, 0, 0)),
            pl.BlockSpec((1, 1, 128), lambda k: ((k + TC_SKIP) // ntiles, 0, 0)),
        ],
        out_shape=[
            jax.ShapeDtypeStruct((B, 1, N), jnp.float32),
            jax.ShapeDtypeStruct((B, 1, 128), jnp.float32),
        ],
    )(x1t, x2t)

    out = pl.pallas_call(
        _tc_merge_body,
        out_shape=jax.ShapeDtypeStruct((B, 128), jnp.float32),
    )(colmin, rowagg, colparts, rowparts)
    return out[:, 0]

# --- scband reference (transcript-rebuilt; emitter-appended) ---
"""Pipeline reference for scband-chamfer-distance-l2-5248450036647 (READ-ONLY COPY).

The authoritative reference and input builder live on the scoring server;
editing this copy changes nothing except your own understanding.
"""

import jax, jax.numpy as jnp
import numpy as np


def setup_inputs(seed: int = 0) -> dict:
    key = jax.random.key(seed)
    k1, k2 = jax.random.split(key)
    xyz1 = jax.random.normal(k1, (4, 4096, 3), dtype=jnp.float32)
    xyz2 = jax.random.normal(k2, (4, 4096, 3), dtype=jnp.float32)
    return {"xyz1": xyz1, "xyz2": xyz2}


def reference(xyz1, xyz2):
    # Pairwise squared L2 distances: [B, N, M]
    d = jnp.sum((xyz1[:, :, None, :] - xyz2[:, None, :, :]) ** 2, axis=-1)
    # Nearest-neighbor squared distance in each direction
    dist1 = jnp.min(d, axis=2)  # [B, N] : for each point in xyz1, nearest in xyz2
    dist2 = jnp.min(d, axis=1)  # [B, M] : for each point in xyz2, nearest in xyz1
    return jnp.mean(dist1, axis=-1) + jnp.mean(dist2, axis=-1)

if __name__ == "__main__":
    import jax
    _d = setup_inputs()
    print(jax.jit(kernel)(*tuple(_d.values())))

</pallas_src>

<mosaic_0001>
#map = affine_map<(d0, d1) -> (0)>
#map1 = affine_map<(d0, d1) -> (0, 0)>
module attributes {stable_mosaic.version = 14 : i64} {
  func.func @_sc_body(%arg0: i32, %arg1: i32, %arg2: memref<4096xf32, #tpu.memory_space<hbm>>, %arg3: memref<4096xf32, #tpu.memory_space<hbm>>, %arg4: memref<4096xf32, #tpu.memory_space<hbm>>, %arg5: memref<4096xf32, #tpu.memory_space<hbm>>, %arg6: memref<4096xf32, #tpu.memory_space<hbm>>, %arg7: memref<4096xf32, #tpu.memory_space<hbm>>, %arg8: memref<32x16xf32, #tpu.memory_space<hbm>>, %arg9: memref<2x4096xf32, #tpu.memory_space<hbm>>, %arg10: memref<128xf32, #tpu.memory_space<vmem>>, %arg11: memref<128xf32, #tpu.memory_space<vmem>>, %arg12: memref<128xf32, #tpu.memory_space<vmem>>, %arg13: memref<4096xf32, #tpu.memory_space<vmem>>, %arg14: memref<4096xf32, #tpu.memory_space<vmem>>, %arg15: memref<4096xf32, #tpu.memory_space<vmem>>, %arg16: memref<4096xf32, #tpu.memory_space<vmem>>, %arg17: memref<1024xf32, #tpu.memory_space<vmem>>, %arg18: memref<1024xi32, #tpu.memory_space<vmem>>, %arg19: memref<16x256xf32, #tpu.memory_space<vmem>>, %arg20: memref<256xf32, #tpu.memory_space<vmem>>, %arg21: memref<16xf32, #tpu.memory_space<vmem>>, %arg22: memref<16x4096xf32, #tpu.memory_space<vmem_shared>>) attributes {dimension_semantics = [#tpu.dimension_semantics<core_parallel>, #tpu.dimension_semantics<subcore_parallel>], iteration_bounds = array<i64: 2, 16>, scalar_prefetch = 0 : i64, scratch_operands = 13 : i64, tpu.core_type = #tpu.core_type<sc_vector_subcore>, window_params = [{transform_indices = #map}, {transform_indices = #map}, {transform_indices = #map}, {transform_indices = #map}, {transform_indices = #map}, {transform_indices = #map}, {transform_indices = #map1}, {transform_indices = #map1}]} {
    %mul3A = arith.constant 2 : i32
    %mul3A_0 = arith.muli %arg1, %mul3A : i32
    %add3A = arith.addi %mul3A_0, %arg0 : i32
    %mul3A_1 = arith.constant 128 : i32
    %mul3A_2 = arith.muli %add3A, %mul3A_1 : i32
    %iota3A = tpu.iota {dimensions = array<i32: 0>} : vector<16xi32>
    %mul3A_3 = arith.constant 16 : i32
    %mul3A_4 = vector.broadcast %mul3A_3 : i32 to vector<16xi32>
    %mul3A_5 = arith.muli %iota3A, %mul3A_4 : vector<16xi32>
    %add3A_6 = arith.constant 0 : i32
    %add3A_7 = vector.broadcast %add3A_6 : i32 to vector<16xi32>
    %add3A_8 = arith.addi %mul3A_5, %add3A_7 : vector<16xi32>
    %swap3A = arith.constant 0 : index
    %swap3A_9 = tpu.vector_load %arg18[%swap3A] {strides = array<i32>} : memref<1024xi32, #tpu.memory_space<vmem>>, vector<16xi32>,
    tpu.vector_store %arg18[%swap3A], %add3A_8 {strides = array<i32>} : memref<1024xi32, #tpu.memory_space<vmem>>, vector<16xi32>,
    %mul3A_10 = arith.constant 16 : i32
    %mul3A_11 = vector.broadcast %mul3A_10 : i32 to vector<16xi32>
    %mul3A_12 = arith.muli %iota3A, %mul3A_11 : vector<16xi32>
    %add3A_13 = arith.constant 1 : i32
    %add3A_14 = vector.broadcast %add3A_13 : i32 to vector<16xi32>
    %add3A_15 = arith.addi %mul3A_12, %add3A_14 : vector<16xi32>
    %swap3A_16 = arith.constant 16 : index
    %swap3A_17 = tpu.vector_load %arg18[%swap3A_16] {strides = array<i32>} : memref<1024xi32, #tpu.memory_space<vmem>>, vector<16xi32>,
    tpu.vector_store %arg18[%swap3A_16], %add3A_15 {strides = array<i32>} : memref<1024xi32, #tpu.memory_space<vmem>>, vector<16xi32>,
    %mul3A_18 = arith.constant 16 : i32
    %mul3A_19 = vector.broadcast %mul3A_18 : i32 to vector<16xi32>
    %mul3A_20 = arith.muli %iota3A, %mul3A_19 : vector<16xi32>
    %add3A_21 = arith.constant 2 : i32
    %add3A_22 = vector.broadcast %add3A_21 : i32 to vector<16xi32>
    %add3A_23 = arith.addi %mul3A_20, %add3A_22 : vector<16xi32>
    %swap3A_24 = arith.constant 32 : index
    %swap3A_25 = tpu.vector_load %arg18[%swap3A_24] {strides = array<i32>} : memref<1024xi32, #tpu.memory_space<vmem>>, vector<16xi32>,
    tpu.vector_store %arg18[%swap3A_24], %add3A_23 {strides = array<i32>} : memref<1024xi32, #tpu.memory_space<vmem>>, vector<16xi32>,
    %mul3A_26 = arith.constant 16 : i32
    %mul3A_27 = vector.broadcast %mul3A_26 : i32 to vector<16xi32>
    %mul3A_28 = arith.muli %iota3A, %mul3A_27 : vector<16xi32>
    %add3A_29 = arith.constant 3 : i32
    %add3A_30 = vector.broadcast %add3A_29 : i32 to vector<16xi32>
    %add3A_31 = arith.addi %mul3A_28, %add3A_30 : vector<16xi32>
    %swap3A_32 = arith.constant 48 : index
    %swap3A_33 = tpu.vector_load %arg18[%swap3A_32] {strides = array<i32>} : memref<1024xi32, #tpu.memory_space<vmem>>, vector<16xi32>,
    tpu.vector_store %arg18[%swap3A_32], %add3A_31 {strides = array<i32>} : memref<1024xi32, #tpu.memory_space<vmem>>, vector<16xi32>,
    %mul3A_34 = arith.constant 16 : i32
    %mul3A_35 = vector.broadcast %mul3A_34 : i32 to vector<16xi32>
    %mul3A_36 = arith.muli %iota3A, %mul3A_35 : vector<16xi32>
    %add3A_37 = arith.constant 4 : i32
    %add3A_38 = vector.broadcast %add3A_37 : i32 to vector<16xi32>
    %add3A_39 = arith.addi %mul3A_36, %add3A_38 : vector<16xi32>
    %swap3A_40 = arith.constant 64 : index
    %swap3A_41 = tpu.vector_load %arg18[%swap3A_40] {strides = array<i32>} : memref<1024xi32, #tpu.memory_space<vmem>>, vector<16xi32>,
    tpu.vector_store %arg18[%swap3A_40], %add3A_39 {strides = array<i32>} : memref<1024xi32, #tpu.memory_space<vmem>>, vector<16xi32>,
    %mul3A_42 = arith.constant 16 : i32
    %mul3A_43 = vector.broadcast %mul3A_42 : i32 to vector<16xi32>
    %mul3A_44 = arith.muli %iota3A, %mul3A_43 : vector<16xi32>
    %add3A_45 = arith.constant 5 : i32
    %add3A_46 = vector.broadcast %add3A_45 : i32 to vector<16xi32>
    %add3A_47 = arith.addi %mul3A_44, %add3A_46 : vector<16xi32>
    %swap3A_48 = arith.constant 80 : index
    %swap3A_49 = tpu.vector_load %arg18[%swap3A_48] {strides = array<i32>} : memref<1024xi32, #tpu.memory_space<vmem>>, vector<16xi32>,
    tpu.vector_store %arg18[%swap3A_48], %add3A_47 {strides = array<i32>} : memref<1024xi32, #tpu.memory_space<vmem>>, vector<16xi32>,
    %mul3A_50 = arith.constant 16 : i32
    %mul3A_51 = vector.broadcast %mul3A_50 : i32 to vector<16xi32>
    %mul3A_52 = arith.muli %iota3A, %mul3A_51 : vector<16xi32>
    %add3A_53 = arith.constant 6 : i32
    %add3A_54 = vector.broadcast %add3A_53 : i32 to vector<16xi32>
    %add3A_55 = arith.addi %mul3A_52, %add3A_54 : vector<16xi32>
    %swap3A_56 = arith.constant 96 : index
    %swap3A_57 = tpu.vector_load %arg18[%swap3A_56] {strides = array<i32>} : memref<1024xi32, #tpu.memory_space<vmem>>, vector<16xi32>,
    tpu.vector_store %arg18[%swap3A_56], %add3A_55 {strides = array<i32>} : memref<1024xi32, #tpu.memory_space<vmem>>, vector<16xi32>,
    %mul3A_58 = arith.constant 16 : i32
    %mul3A_59 = vector.broadcast %mul3A_58 : i32 to vector<16xi32>
    %mul3A_60 = arith.muli %iota3A, %mul3A_59 : vector<16xi32>
    %add3A_61 = arith.constant 7 : i32
    %add3A_62 = vector.broadcast %add3A_61 : i32 to vector<16xi32>
    %add3A_63 = arith.addi %mul3A_60, %add3A_62 : vector<16xi32>
    %swap3A_64 = arith.constant 112 : index
    %swap3A_65 = tpu.vector_load %arg18[%swap3A_64] {strides = array<i32>} : memref<1024xi32, #tpu.memory_space<vmem>>, vector<16xi32>,
    tpu.vector_store %arg18[%swap3A_64], %add3A_63 {strides = array<i32>} : memref<1024xi32, #tpu.memory_space<vmem>>, vector<16xi32>,
    %mul3A_66 = arith.constant 16 : i32
    %mul3A_67 = vector.broadcast %mul3A_66 : i32 to vector<16xi32>
    %mul3A_68 = arith.muli %iota3A, %mul3A_67 : vector<16xi32>
    %add3A_69 = arith.constant 8 : i32
    %add3A_70 = vector.broadcast %add3A_69 : i32 to vector<16xi32>
    %add3A_71 = arith.addi %mul3A_68, %add3A_70 : vector<16xi32>
    %swap3A_72 = arith.constant 128 : index
    %swap3A_73 = tpu.vector_load %arg18[%swap3A_72] {strides = array<i32>} : memref<1024xi32, #tpu.memory_space<vmem>>, vector<16xi32>,
    tpu.vector_store %arg18[%swap3A_72], %add3A_71 {strides = array<i32>} : memref<1024xi32, #tpu.memory_space<vmem>>, vector<16xi32>,
    %mul3A_74 = arith.constant 16 : i32
    %mul3A_75 = vector.broadcast %mul3A_74 : i32 to vector<16xi32>
    %mul3A_76 = arith.muli %iota3A, %mul3A_75 : vector<16xi32>
    %add3A_77 = arith.constant 9 : i32
    %add3A_78 = vector.broadcast %add3A_77 : i32 to vector<16xi32>
    %add3A_79 = arith.addi %mul3A_76, %add3A_78 : vector<16xi32>
    %swap3A_80 = arith.constant 144 : index
    %swap3A_81 = tpu.vector_load %arg18[%swap3A_80] {strides = array<i32>} : memref<1024xi32, #tpu.memory_space<vmem>>, vector<16xi32>,
    tpu.vector_store %arg18[%swap3A_80], %add3A_79 {strides = array<i32>} : memref<1024xi32, #tpu.memory_space<vmem>>, vector<16xi32>,
    %mul3A_82 = arith.constant 16 : i32
    %mul3A_83 = vector.broadcast %mul3A_82 : i32 to vector<16xi32>
    %mul3A_84 = arith.muli %iota3A, %mul3A_83 : vector<16xi32>
    %add3A_85 = arith.constant 10 : i32
    %add3A_86 = vector.broadcast %add3A_85 : i32 to vector<16xi32>
    %add3A_87 = arith.addi %mul3A_84, %add3A_86 : vector<16xi32>
    %swap3A_88 = arith.constant 160 : index
    %swap3A_89 = tpu.vector_load %arg18[%swap3A_88] {strides = array<i32>} : memref<1024xi32, #tpu.memory_space<vmem>>, vector<16xi32>,
    tpu.vector_store %arg18[%swap3A_88], %add3A_87 {strides = array<i32>} : memref<1024xi32, #tpu.memory_space<vmem>>, vector<16xi32>,
    %mul3A_90 = arith.constant 16 : i32
    %mul3A_91 = vector.broadcast %mul3A_90 : i32 to vector<16xi32>
    %mul3A_92 = arith.muli %iota3A, %mul3A_91 : vector<16xi32>
    %add3A_93 = arith.constant 11 : i32
    %add3A_94 = vector.broadcast %add3A_93 : i32 to vector<16xi32>
    %add3A_95 = arith.addi %mul3A_92, %add3A_94 : vector<16xi32>
    %swap3A_96 = arith.constant 176 : index
    %swap3A_97 = tpu.vector_load %arg18[%swap3A_96] {strides = array<i32>} : memref<1024xi32, #tpu.memory_space<vmem>>, vector<16xi32>,
    tpu.vector_store %arg18[%swap3A_96], %add3A_95 {strides = array<i32>} : memref<1024xi32, #tpu.memory_space<vmem>>, vector<16xi32>,
    %mul3A_98 = arith.constant 16 : i32
    %mul3A_99 = vector.broadcast %mul3A_98 : i32 to vector<16xi32>
    %mul3A_100 = arith.muli %iota3A, %mul3A_99 : vector<16xi32>
    %add3A_101 = arith.constant 12 : i32
    %add3A_102 = vector.broadcast %add3A_101 : i32 to vector<16xi32>
    %add3A_103 = arith.addi %mul3A_100, %add3A_102 : vector<16xi32>
    %swap3A_104 = arith.constant 192 : index
    %swap3A_105 = tpu.vector_load %arg18[%swap3A_104] {strides = array<i32>} : memref<1024xi32, #tpu.memory_space<vmem>>, vector<16xi32>,
    tpu.vector_store %arg18[%swap3A_104], %add3A_103 {strides = array<i32>} : memref<1024xi32, #tpu.memory_space<vmem>>, vector<16xi32>,
    %mul3A_106 = arith.constant 16 : i32
    %mul3A_107 = vector.broadcast %mul3A_106 : i32 to vector<16xi32>
    %mul3A_108 = arith.muli %iota3A, %mul3A_107 : vector<16xi32>
    %add3A_109 = arith.constant 13 : i32
    %add3A_110 = vector.broadcast %add3A_109 : i32 to vector<16xi32>
    %add3A_111 = arith.addi %mul3A_108, %add3A_110 : vector<16xi32>
    %swap3A_112 = arith.constant 208 : index
    %swap3A_113 = tpu.vector_load %arg18[%swap3A_112] {strides = array<i32>} : memref<1024xi32, #tpu.memory_space<vmem>>, vector<16xi32>,
    tpu.vector_store %arg18[%swap3A_112], %add3A_111 {strides = array<i32>} : memref<1024xi32, #tpu.memory_space<vmem>>, vector<16xi32>,
    %mul3A_114 = arith.constant 16 : i32
    %mul3A_115 = vector.broadcast %mul3A_114 : i32 to vector<16xi32>
    %mul3A_116 = arith.muli %iota3A, %mul3A_115 : vector<16xi32>
    %add3A_117 = arith.constant 14 : i32
    %add3A_118 = vector.broadcast %add3A_117 : i32 to vector<16xi32>
    %add3A_119 = arith.addi %mul3A_116, %add3A_118 : vector<16xi32>
    %swap3A_120 = arith.constant 224 : index
    %swap3A_121 = tpu.vector_load %arg18[%swap3A_120] {strides = array<i32>} : memref<1024xi32, #tpu.memory_space<vmem>>, vector<16xi32>,
    tpu.vector_store %arg18[%swap3A_120], %add3A_119 {strides = array<i32>} : memref<1024xi32, #tpu.memory_space<vmem>>, vector<16xi32>,
    %mul3A_122 = arith.constant 16 : i32
    %mul3A_123 = vector.broadcast %mul3A_122 : i32 to vector<16xi32>
    %mul3A_124 = arith.muli %iota3A, %mul3A_123 : vector<16xi32>
    %add3A_125 = arith.constant 15 : i32
    %add3A_126 = vector.broadcast %add3A_125 : i32 to vector<16xi32>
    %add3A_127 = arith.addi %mul3A_124, %add3A_126 : vector<16xi32>
    %swap3A_128 = arith.constant 240 : index
    %swap3A_129 = tpu.vector_load %arg18[%swap3A_128] {strides = array<i32>} : memref<1024xi32, #tpu.memory_space<vmem>>, vector<16xi32>,
    tpu.vector_store %arg18[%swap3A_128], %add3A_127 {strides = array<i32>} : memref<1024xi32, #tpu.memory_space<vmem>>, vector<16xi32>,
    %mul3A_130 = arith.constant 16 : i32
    %mul3A_131 = vector.broadcast %mul3A_130 : i32 to vector<16xi32>
    %mul3A_132 = arith.muli %iota3A, %mul3A_131 : vector<16xi32>
    %add3A_133 = arith.constant 256 : i32
    %add3A_134 = vector.broadcast %add3A_133 : i32 to vector<16xi32>
    %add3A_135 = arith.addi %mul3A_132, %add3A_134 : vector<16xi32>
    %swap3A_136 = arith.constant 256 : index
    %swap3A_137 = tpu.vector_load %arg18[%swap3A_136] {strides = array<i32>} : memref<1024xi32, #tpu.memory_space<vmem>>, vector<16xi32>,
    tpu.vector_store %arg18[%swap3A_136], %add3A_135 {strides = array<i32>} : memref<1024xi32, #tpu.memory_space<vmem>>, vector<16xi32>,
    %mul3A_138 = arith.constant 16 : i32
    %mul3A_139 = vector.broadcast %mul3A_138 : i32 to vector<16xi32>
    %mul3A_140 = arith.muli %iota3A, %mul3A_139 : vector<16xi32>
    %add3A_141 = arith.constant 257 : i32
    %add3A_142 = vector.broadcast %add3A_141 : i32 to vector<16xi32>
    %add3A_143 = arith.addi %mul3A_140, %add3A_142 : vector<16xi32>
    %swap3A_144 = arith.constant 272 : index
    %swap3A_145 = tpu.vector_load %arg18[%swap3A_144] {strides = array<i32>} : memref<1024xi32, #tpu.memory_space<vmem>>, vector<16xi32>,
    tpu.vector_store %arg18[%swap3A_144], %add3A_143 {strides = array<i32>} : memref<1024xi32, #tpu.memory_space<vmem>>, vector<16xi32>,
    %mul3A_146 = arith.constant 16 : i32
    %mul3A_147 = vector.broadcast %mul3A_146 : i32 to vector<16xi32>
    %mul3A_148 = arith.muli %iota3A, %mul3A_147 : vector<16xi32>
    %add3A_149 = arith.constant 258 : i32
    %add3A_150 = vector.broadcast %add3A_149 : i32 to vector<16xi32>
    %add3A_151 = arith.addi %mul3A_148, %add3A_150 : vector<16xi32>
    %swap3A_152 = arith.constant 288 : index
    %swap3A_153 = tpu.vector_load %arg18[%swap3A_152] {strides = array<i32>} : memref<1024xi32, #tpu.memory_space<vmem>>, vector<16xi32>,
    tpu.vector_store %arg18[%swap3A_152], %add3A_151 {strides = array<i32>} : memref<1024xi32, #tpu.memory_space<vmem>>, vector<16xi32>,
    %mul3A_154 = arith.constant 16 : i32
    %mul3A_155 = vector.broadcast %mul3A_154 : i32 to vector<16xi32>
    %mul3A_156 = arith.muli %iota3A, %mul3A_155 : vector<16xi32>
    %add3A_157 = arith.constant 259 : i32
    %add3A_158 = vector.broadcast %add3A_157 : i32 to vector<16xi32>
    %add3A_159 = arith.addi %mul3A_156, %add3A_158 : vector<16xi32>
    %swap3A_160 = arith.constant 304 : index
    %swap3A_161 = tpu.vector_load %arg18[%swap3A_160] {strides = array<i32>} : memref<1024xi32, #tpu.memory_space<vmem>>, vector<16xi32>,
    tpu.vector_store %arg18[%swap3A_160], %add3A_159 {strides = array<i32>} : memref<1024xi32, #tpu.memory_space<vmem>>, vector<16xi32>,
    %mul3A_162 = arith.constant 16 : i32
    %mul3A_163 = vector.broadcast %mul3A_162 : i32 to vector<16xi32>
    %mul3A_164 = arith.muli %iota3A, %mul3A_163 : vector<16xi32>
    %add3A_165 = arith.constant 260 : i32
    %add3A_166 = vector.broadcast %add3A_165 : i32 to vector<16xi32>
    %add3A_167 = arith.addi %mul3A_164, %add3A_166 : vector<16xi32>
    %swap3A_168 = arith.constant 320 : index
    %swap3A_169 = tpu.vector_load %arg18[%swap3A_168] {strides = array<i32>} : memref<1024xi32, #tpu.memory_space<vmem>>, vector<16xi32>,
    tpu.vector_store %arg18[%swap3A_168], %add3A_167 {strides = array<i32>} : memref<1024xi32, #tpu.memory_space<vmem>>, vector<16xi32>,
    %mul3A_170 = arith.constant 16 : i32
    %mul3A_171 = vector.broadcast %mul3A_170 : i32 to vector<16xi32>
    %mul3A_172 = arith.muli %iota3A, %mul3A_171 : vector<16xi32>
    %add3A_173 = arith.constant 261 : i32
    %add3A_174 = vector.broadcast %add3A_173 : i32 to vector<16xi32>
    %add3A_175 = arith.addi %mul3A_172, %add3A_174 : vector<16xi32>
    %swap3A_176 = arith.constant 336 : index
    %swap3A_177 = tpu.vector_load %arg18[%swap3A_176] {strides = array<i32>} : memref<1024xi32, #tpu.memory_space<vmem>>, vector<16xi32>,
    tpu.vector_store %arg18[%swap3A_176], %add3A_175 {strides = array<i32>} : memref<1024xi32, #tpu.memory_space<vmem>>, vector<16xi32>,
    %mul3A_178 = arith.constant 16 : i32
    %mul3A_179 = vector.broadcast %mul3A_178 : i32 to vector<16xi32>
    %mul3A_180 = arith.muli %iota3A, %mul3A_179 : vector<16xi32>
    %add3A_181 = arith.constant 262 : i32
    %add3A_182 = vector.broadcast %add3A_181 : i32 to vector<16xi32>
    %add3A_183 = arith.addi %mul3A_180, %add3A_182 : vector<16xi32>
    %swap3A_184 = arith.constant 352 : index
    %swap3A_185 = tpu.vector_load %arg18[%swap3A_184] {strides = array<i32>} : memref<1024xi32, #tpu.memory_space<vmem>>, vector<16xi32>,
    tpu.vector_store %arg18[%swap3A_184], %add3A_183 {strides = array<i32>} : memref<1024xi32, #tpu.memory_space<vmem>>, vector<16xi32>,
    %mul3A_186 = arith.constant 16 : i32
    %mul3A_187 = vector.broadcast %mul3A_186 : i32 to vector<16xi32>
    %mul3A_188 = arith.muli %iota3A, %mul3A_187 : vector<16xi32>
    %add3A_189 = arith.constant 263 : i32
    %add3A_190 = vector.broadcast %add3A_189 : i32 to vector<16xi32>
    %add3A_191 = arith.addi %mul3A_188, %add3A_190 : vector<16xi32>
    %swap3A_192 = arith.constant 368 : index
    %swap3A_193 = tpu.vector_load %arg18[%swap3A_192] {strides = array<i32>} : memref<1024xi32, #tpu.memory_space<vmem>>, vector<16xi32>,
    tpu.vector_store %arg18[%swap3A_192], %add3A_191 {strides = array<i32>} : memref<1024xi32, #tpu.memory_space<vmem>>, vector<16xi32>,
    %mul3A_194 = arith.constant 16 : i32
    %mul3A_195 = vector.broadcast %mul3A_194 : i32 to vector<16xi32>
    %mul3A_196 = arith.muli %iota3A, %mul3A_195 : vector<16xi32>
    %add3A_197 = arith.constant 264 : i32
    %add3A_198 = vector.broadcast %add3A_197 : i32 to vector<16xi32>
    %add3A_199 = arith.addi %mul3A_196, %add3A_198 : vector<16xi32>
    %swap3A_200 = arith.constant 384 : index
    %swap3A_201 = tpu.vector_load %arg18[%swap3A_200] {strides = array<i32>} : memref<1024xi32, #tpu.memory_space<vmem>>, vector<16xi32>,
    tpu.vector_store %arg18[%swap3A_200], %add3A_199 {strides = array<i32>} : memref<1024xi32, #tpu.memory_space<vmem>>, vector<16xi32>,
    %mul3A_202 = arith.constant 16 : i32
    %mul3A_203 = vector.broadcast %mul3A_202 : i32 to vector<16xi32>
    %mul3A_204 = arith.muli %iota3A, %mul3A_203 : vector<16xi32>
    %add3A_205 = arith.constant 265 : i32
    %add3A_206 = vector.broadcast %add3A_205 : i32 to vector<16xi32>
    %add3A_207 = arith.addi %mul3A_204, %add3A_206 : vector<16xi32>
    %swap3A_208 = arith.constant 400 : index
    %swap3A_209 = tpu.vector_load %arg18[%swap3A_208] {strides = array<i32>} : memref<1024xi32, #tpu.memory_space<vmem>>, vector<16xi32>,
    tpu.vector_store %arg18[%swap3A_208], %add3A_207 {strides = array<i32>} : memref<1024xi32, #tpu.memory_space<vmem>>, vector<16xi32>,
    %mul3A_210 = arith.constant 16 : i32
    %mul3A_211 = vector.broadcast %mul3A_210 : i32 to vector<16xi32>
    %mul3A_212 = arith.muli %iota3A, %mul3A_211 : vector<16xi32>
    %add3A_213 = arith.constant 266 : i32
    %add3A_214 = vector.broadcast %add3A_213 : i32 to vector<16xi32>
    %add3A_215 = arith.addi %mul3A_212, %add3A_214 : vector<16xi32>
    %swap3A_216 = arith.constant 416 : index
    %swap3A_217 = tpu.vector_load %arg18[%swap3A_216] {strides = array<i32>} : memref<1024xi32, #tpu.memory_space<vmem>>, vector<16xi32>,
    tpu.vector_store %arg18[%swap3A_216], %add3A_215 {strides = array<i32>} : memref<1024xi32, #tpu.memory_space<vmem>>, vector<16xi32>,
    %mul3A_218 = arith.constant 16 : i32
    %mul3A_219 = vector.broadcast %mul3A_218 : i32 to vector<16xi32>
    %mul3A_220 = arith.muli %iota3A, %mul3A_219 : vector<16xi32>
    %add3A_221 = arith.constant 267 : i32
    %add3A_222 = vector.broadcast %add3A_221 : i32 to vector<16xi32>
    %add3A_223 = arith.addi %mul3A_220, %add3A_222 : vector<16xi32>
    %swap3A_224 = arith.constant 432 : index
    %swap3A_225 = tpu.vector_load %arg18[%swap3A_224] {strides = array<i32>} : memref<1024xi32, #tpu.memory_space<vmem>>, vector<16xi32>,
    tpu.vector_store %arg18[%swap3A_224], %add3A_223 {strides = array<i32>} : memref<1024xi32, #tpu.memory_space<vmem>>, vector<16xi32>,
    %mul3A_226 = arith.constant 16 : i32
    %mul3A_227 = vector.broadcast %mul3A_226 : i32 to vector<16xi32>
    %mul3A_228 = arith.muli %iota3A, %mul3A_227 : vector<16xi32>
    %add3A_229 = arith.constant 268 : i32
    %add3A_230 = vector.broadcast %add3A_229 : i32 to vector<16xi32>
    %add3A_231 = arith.addi %mul3A_228, %add3A_230 : vector<16xi32>
    %swap3A_232 = arith.constant 448 : index
    %swap3A_233 = tpu.vector_load %arg18[%swap3A_232] {strides = array<i32>} : memref<1024xi32, #tpu.memory_space<vmem>>, vector<16xi32>,
    tpu.vector_store %arg18[%swap3A_232], %add3A_231 {strides = array<i32>} : memref<1024xi32, #tpu.memory_space<vmem>>, vector<16xi32>,
    %mul3A_234 = arith.constant 16 : i32
    %mul3A_235 = vector.broadcast %mul3A_234 : i32 to vector<16xi32>
    %mul3A_236 = arith.muli %iota3A, %mul3A_235 : vector<16xi32>
    %add3A_237 = arith.constant 269 : i32
    %add3A_238 = vector.broadcast %add3A_237 : i32 to vector<16xi32>
    %add3A_239 = arith.addi %mul3A_236, %add3A_238 : vector<16xi32>
    %swap3A_240 = arith.constant 464 : index
    %swap3A_241 = tpu.vector_load %arg18[%swap3A_240] {strides = array<i32>} : memref<1024xi32, #tpu.memory_space<vmem>>, vector<16xi32>,
    tpu.vector_store %arg18[%swap3A_240], %add3A_239 {strides = array<i32>} : memref<1024xi32, #tpu.memory_space<vmem>>, vector<16xi32>,
    %mul3A_242 = arith.constant 16 : i32
    %mul3A_243 = vector.broadcast %mul3A_242 : i32 to vector<16xi32>
    %mul3A_244 = arith.muli %iota3A, %mul3A_243 : vector<16xi32>
    %add3A_245 = arith.constant 270 : i32
    %add3A_246 = vector.broadcast %add3A_245 : i32 to vector<16xi32>
    %add3A_247 = arith.addi %mul3A_244, %add3A_246 : vector<16xi32>
    %swap3A_248 = arith.constant 480 : index
    %swap3A_249 = tpu.vector_load %arg18[%swap3A_248] {strides = array<i32>} : memref<1024xi32, #tpu.memory_space<vmem>>, vector<16xi32>,
    tpu.vector_store %arg18[%swap3A_248], %add3A_247 {strides = array<i32>} : memref<1024xi32, #tpu.memory_space<vmem>>, vector<16xi32>,
    %mul3A_250 = arith.constant 16 : i32
    %mul3A_251 = vector.broadcast %mul3A_250 : i32 to vector<16xi32>
    %mul3A_252 = arith.muli %iota3A, %mul3A_251 : vector<16xi32>
    %add3A_253 = arith.constant 271 : i32
    %add3A_254 = vector.broadcast %add3A_253 : i32 to vector<16xi32>
    %add3A_255 = arith.addi %mul3A_252, %add3A_254 : vector<16xi32>
    %swap3A_256 = arith.constant 496 : index
    %swap3A_257 = tpu.vector_load %arg18[%swap3A_256] {strides = array<i32>} : memref<1024xi32, #tpu.memory_space<vmem>>, vector<16xi32>,
    tpu.vector_store %arg18[%swap3A_256], %add3A_255 {strides = array<i32>} : memref<1024xi32, #tpu.memory_space<vmem>>, vector<16xi32>,
    %mul3A_258 = arith.constant 16 : i32
    %mul3A_259 = vector.broadcast %mul3A_258 : i32 to vector<16xi32>
    %mul3A_260 = arith.muli %iota3A, %mul3A_259 : vector<16xi32>
    %add3A_261 = arith.constant 512 : i32
    %add3A_262 = vector.broadcast %add3A_261 : i32 to vector<16xi32>
    %add3A_263 = arith.addi %mul3A_260, %add3A_262 : vector<16xi32>
    %swap3A_264 = arith.constant 512 : index
    %swap3A_265 = tpu.vector_load %arg18[%swap3A_264] {strides = array<i32>} : memref<1024xi32, #tpu.memory_space<vmem>>, vector<16xi32>,
    tpu.vector_store %arg18[%swap3A_264], %add3A_263 {strides = array<i32>} : memref<1024xi32, #tpu.memory_space<vmem>>, vector<16xi32>,
    %mul3A_266 = arith.constant 16 : i32
    %mul3A_267 = vector.broadcast %mul3A_266 : i32 to vector<16xi32>
    %mul3A_268 = arith.muli %iota3A, %mul3A_267 : vector<16xi32>
    %add3A_269 = arith.constant 513 : i32
    %add3A_270 = vector.broadcast %add3A_269 : i32 to vector<16xi32>
    %add3A_271 = arith.addi %mul3A_268, %add3A_270 : vector<16xi32>
    %swap3A_272 = arith.constant 528 : index
    %swap3A_273 = tpu.vector_load %arg18[%swap3A_272] {strides = array<i32>} : memref<1024xi32, #tpu.memory_space<vmem>>, vector<16xi32>,
    tpu.vector_store %arg18[%swap3A_272], %add3A_271 {strides = array<i32>} : memref<1024xi32, #tpu.memory_space<vmem>>, vector<16xi32>,
    %mul3A_274 = arith.constant 16 : i32
    %mul3A_275 = vector.broadcast %mul3A_274 : i32 to vector<16xi32>
    %mul3A_276 = arith.muli %iota3A, %mul3A_275 : vector<16xi32>
    %add3A_277 = arith.constant 514 : i32
    %add3A_278 = vector.broadcast %add3A_277 : i32 to vector<16xi32>
    %add3A_279 = arith.addi %mul3A_276, %add3A_278 : vector<16xi32>
    %swap3A_280 = arith.constant 544 : index
    %swap3A_281 = tpu.vector_load %arg18[%swap3A_280] {strides = array<i32>} : memref<1024xi32, #tpu.memory_space<vmem>>, vector<16xi32>,
    tpu.vector_store %arg18[%swap3A_280], %add3A_279 {strides = array<i32>} : memref<1024xi32, #tpu.memory_space<vmem>>, vector<16xi32>,
    %mul3A_282 = arith.constant 16 : i32
    %mul3A_283 = vector.broadcast %mul3A_282 : i32 to vector<16xi32>
    %mul3A_284 = arith.muli %iota3A, %mul3A_283 : vector<16xi32>
    %add3A_285 = arith.constant 515 : i32
    %add3A_286 = vector.broadcast %add3A_285 : i32 to vector<16xi32>
    %add3A_287 = arith.addi %mul3A_284, %add3A_286 : vector<16xi32>
    %swap3A_288 = arith.constant 560 : index
    %swap3A_289 = tpu.vector_load %arg18[%swap3A_288] {strides = array<i32>} : memref<1024xi32, #tpu.memory_space<vmem>>, vector<16xi32>,
    tpu.vector_store %arg18[%swap3A_288], %add3A_287 {strides = array<i32>} : memref<1024xi32, #tpu.memory_space<vmem>>, vector<16xi32>,
    %mul3A_290 = arith.constant 16 : i32
    %mul3A_291 = vector.broadcast %mul3A_290 : i32 to vector<16xi32>
    %mul3A_292 = arith.muli %iota3A, %mul3A_291 : vector<16xi32>
    %add3A_293 = arith.constant 516 : i32
    %add3A_294 = vector.broadcast %add3A_293 : i32 to vector<16xi32>
    %add3A_295 = arith.addi %mul3A_292, %add3A_294 : vector<16xi32>
    %swap3A_296 = arith.constant 576 : index
    %swap3A_297 = tpu.vector_load %arg18[%swap3A_296] {strides = array<i32>} : memref<1024xi32, #tpu.memory_space<vmem>>, vector<16xi32>,
    tpu.vector_store %arg18[%swap3A_296], %add3A_295 {strides = array<i32>} : memref<1024xi32, #tpu.memory_space<vmem>>, vector<16xi32>,
    %mul3A_298 = arith.constant 16 : i32
    %mul3A_299 = vector.broadcast %mul3A_298 : i32 to vector<16xi32>
    %mul3A_300 = arith.muli %iota3A, %mul3A_299 : vector<16xi32>
    %add3A_301 = arith.constant 517 : i32
    %add3A_302 = vector.broadcast %add3A_301 : i32 to vector<16xi32>
    %add3A_303 = arith.addi %mul3A_300, %add3A_302 : vector<16xi32>
    %swap3A_304 = arith.constant 592 : index
    %swap3A_305 = tpu.vector_load %arg18[%swap3A_304] {strides = array<i32>} : memref<1024xi32, #tpu.memory_space<vmem>>, vector<16xi32>,
    tpu.vector_store %arg18[%swap3A_304], %add3A_303 {strides = array<i32>} : memref<1024xi32, #tpu.memory_space<vmem>>, vector<16xi32>,
    %mul3A_306 = arith.constant 16 : i32
    %mul3A_307 = vector.broadcast %mul3A_306 : i32 to vector<16xi32>
    %mul3A_308 = arith.muli %iota3A, %mul3A_307 : vector<16xi32>
    %add3A_309 = arith.constant 518 : i32
    %add3A_310 = vector.broadcast %add3A_309 : i32 to vector<16xi32>
    %add3A_311 = arith.addi %mul3A_308, %add3A_310 : vector<16xi32>
    %swap3A_312 = arith.constant 608 : index
    %swap3A_313 = tpu.vector_load %arg18[%swap3A_312] {strides = array<i32>} : memref<1024xi32, #tpu.memory_space<vmem>>, vector<16xi32>,
    tpu.vector_store %arg18[%swap3A_312], %add3A_311 {strides = array<i32>} : memref<1024xi32, #tpu.memory_space<vmem>>, vector<16xi32>,
    %mul3A_314 = arith.constant 16 : i32
    %mul3A_315 = vector.broadcast %mul3A_314 : i32 to vector<16xi32>
    %mul3A_316 = arith.muli %iota3A, %mul3A_315 : vector<16xi32>
    %add3A_317 = arith.constant 519 : i32
    %add3A_318 = vector.broadcast %add3A_317 : i32 to vector<16xi32>
    %add3A_319 = arith.addi %mul3A_316, %add3A_318 : vector<16xi32>
    %swap3A_320 = arith.constant 624 : index
    %swap3A_321 = tpu.vector_load %arg18[%swap3A_320] {strides = array<i32>} : memref<1024xi32, #tpu.memory_space<vmem>>, vector<16xi32>,
    tpu.vector_store %arg18[%swap3A_320], %add3A_319 {strides = array<i32>} : memref<1024xi32, #tpu.memory_space<vmem>>, vector<16xi32>,
    %mul3A_322 = arith.constant 16 : i32
    %mul3A_323 = vector.broadcast %mul3A_322 : i32 to vector<16xi32>
    %mul3A_324 = arith.muli %iota3A, %mul3A_323 : vector<16xi32>
    %add3A_325 = arith.constant 520 : i32
    %add3A_326 = vector.broadcast %add3A_325 : i32 to vector<16xi32>
    %add3A_327 = arith.addi %mul3A_324, %add3A_326 : vector<16xi32>
    %swap3A_328 = arith.constant 640 : index
    %swap3A_329 = tpu.vector_load %arg18[%swap3A_328] {strides = array<i32>} : memref<1024xi32, #tpu.memory_space<vmem>>, vector<16xi32>,
    tpu.vector_store %arg18[%swap3A_328], %add3A_327 {strides = array<i32>} : memref<1024xi32, #tpu.memory_space<vmem>>, vector<16xi32>,
    %mul3A_330 = arith.constant 16 : i32
    %mul3A_331 = vector.broadcast %mul3A_330 : i32 to vector<16xi32>
    %mul3A_332 = arith.muli %iota3A, %mul3A_331 : vector<16xi32>
    %add3A_333 = arith.constant 521 : i32
    %add3A_334 = vector.broadcast %add3A_333 : i32 to vector<16xi32>
    %add3A_335 = arith.addi %mul3A_332, %add3A_334 : vector<16xi32>
    %swap3A_336 = arith.constant 656 : index
    %swap3A_337 = tpu.vector_load %arg18[%swap3A_336] {strides = array<i32>} : memref<1024xi32, #tpu.memory_space<vmem>>, vector<16xi32>,
    tpu.vector_store %arg18[%swap3A_336], %add3A_335 {strides = array<i32>} : memref<1024xi32, #tpu.memory_space<vmem>>, vector<16xi32>,
    %mul3A_338 = arith.constant 16 : i32
    %mul3A_339 = vector.broadcast %mul3A_338 : i32 to vector<16xi32>
    %mul3A_340 = arith.muli %iota3A, %mul3A_339 : vector<16xi32>
    %add3A_341 = arith.constant 522 : i32
    %add3A_342 = vector.broadcast %add3A_341 : i32 to vector<16xi32>
    %add3A_343 = arith.addi %mul3A_340, %add3A_342 : vector<16xi32>
    %swap3A_344 = arith.constant 672 : index
    %swap3A_345 = tpu.vector_load %arg18[%swap3A_344] {strides = array<i32>} : memref<1024xi32, #tpu.memory_space<vmem>>, vector<16xi32>,
    tpu.vector_store %arg18[%swap3A_344], %add3A_343 {strides = array<i32>} : memref<1024xi32, #tpu.memory_space<vmem>>, vector<16xi32>,
    %mul3A_346 = arith.constant 16 : i32
    %mul3A_347 = vector.broadcast %mul3A_346 : i32 to vector<16xi32>
    %mul3A_348 = arith.muli %iota3A, %mul3A_347 : vector<16xi32>
    %add3A_349 = arith.constant 523 : i32
    %add3A_350 = vector.broadcast %add3A_349 : i32 to vector<16xi32>
    %add3A_351 = arith.addi %mul3A_348, %add3A_350 : vector<16xi32>
    %swap3A_352 = arith.constant 688 : index
    %swap3A_353 = tpu.vector_load %arg18[%swap3A_352] {strides = array<i32>} : memref<1024xi32, #tpu.memory_space<vmem>>, vector<16xi32>,
    tpu.vector_store %arg18[%swap3A_352], %add3A_351 {strides = array<i32>} : memref<1024xi32, #tpu.memory_space<vmem>>, vector<16xi32>,
    %mul3A_354 = arith.constant 16 : i32
    %mul3A_355 = vector.broadcast %mul3A_354 : i32 to vector<16xi32>
    %mul3A_356 = arith.muli %iota3A, %mul3A_355 : vector<16xi32>
    %add3A_357 = arith.constant 524 : i32
    %add3A_358 = vector.broadcast %add3A_357 : i32 to vector<16xi32>
    %add3A_359 = arith.addi %mul3A_356, %add3A_358 : vector<16xi32>
    %swap3A_360 = arith.constant 704 : index
    %swap3A_361 = tpu.vector_load %arg18[%swap3A_360] {strides = array<i32>} : memref<1024xi32, #tpu.memory_space<vmem>>, vector<16xi32>,
    tpu.vector_store %arg18[%swap3A_360], %add3A_359 {strides = array<i32>} : memref<1024xi32, #tpu.memory_space<vmem>>, vector<16xi32>,
    %mul3A_362 = arith.constant 16 : i32
    %mul3A_363 = vector.broadcast %mul3A_362 : i32 to vector<16xi32>
    %mul3A_364 = arith.muli %iota3A, %mul3A_363 : vector<16xi32>
    %add3A_365 = arith.constant 525 : i32
    %add3A_366 = vector.broadcast %add3A_365 : i32 to vector<16xi32>
    %add3A_367 = arith.addi %mul3A_364, %add3A_366 : vector<16xi32>
    %swap3A_368 = arith.constant 720 : index
    %swap3A_369 = tpu.vector_load %arg18[%swap3A_368] {strides = array<i32>} : memref<1024xi32, #tpu.memory_space<vmem>>, vector<16xi32>,
    tpu.vector_store %arg18[%swap3A_368], %add3A_367 {strides = array<i32>} : memref<1024xi32, #tpu.memory_space<vmem>>, vector<16xi32>,
    %mul3A_370 = arith.constant 16 : i32
    %mul3A_371 = vector.broadcast %mul3A_370 : i32 to vector<16xi32>
    %mul3A_372 = arith.muli %iota3A, %mul3A_371 : vector<16xi32>
    %add3A_373 = arith.constant 526 : i32
    %add3A_374 = vector.broadcast %add3A_373 : i32 to vector<16xi32>
    %add3A_375 = arith.addi %mul3A_372, %add3A_374 : vector<16xi32>
    %swap3A_376 = arith.constant 736 : index
    %swap3A_377 = tpu.vector_load %arg18[%swap3A_376] {strides = array<i32>} : memref<1024xi32, #tpu.memory_space<vmem>>, vector<16xi32>,
    tpu.vector_store %arg18[%swap3A_376], %add3A_375 {strides = array<i32>} : memref<1024xi32, #tpu.memory_space<vmem>>, vector<16xi32>,
    %mul3A_378 = arith.constant 16 : i32
    %mul3A_379 = vector.broadcast %mul3A_378 : i32 to vector<16xi32>
    %mul3A_380 = arith.muli %iota3A, %mul3A_379 : vector<16xi32>
    %add3A_381 = arith.constant 527 : i32
    %add3A_382 = vector.broadcast %add3A_381 : i32 to vector<16xi32>
    %add3A_383 = arith.addi %mul3A_380, %add3A_382 : vector<16xi32>
    %swap3A_384 = arith.constant 752 : index
    %swap3A_385 = tpu.vector_load %arg18[%swap3A_384] {strides = array<i32>} : memref<1024xi32, #tpu.memory_space<vmem>>, vector<16xi32>,
    tpu.vector_store %arg18[%swap3A_384], %add3A_383 {strides = array<i32>} : memref<1024xi32, #tpu.memory_space<vmem>>, vector<16xi32>,
    %mul3A_386 = arith.constant 16 : i32
    %mul3A_387 = vector.broadcast %mul3A_386 : i32 to vector<16xi32>
    %mul3A_388 = arith.muli %iota3A, %mul3A_387 : vector<16xi32>
    %add3A_389 = arith.constant 768 : i32
    %add3A_390 = vector.broadcast %add3A_389 : i32 to vector<16xi32>
    %add3A_391 = arith.addi %mul3A_388, %add3A_390 : vector<16xi32>
    %swap3A_392 = arith.constant 768 : index
    %swap3A_393 = tpu.vector_load %arg18[%swap3A_392] {strides = array<i32>} : memref<1024xi32, #tpu.memory_space<vmem>>, vector<16xi32>,
    tpu.vector_store %arg18[%swap3A_392], %add3A_391 {strides = array<i32>} : memref<1024xi32, #tpu.memory_space<vmem>>, vector<16xi32>,
    %mul3A_394 = arith.constant 16 : i32
    %mul3A_395 = vector.broadcast %mul3A_394 : i32 to vector<16xi32>
    %mul3A_396 = arith.muli %iota3A, %mul3A_395 : vector<16xi32>
    %add3A_397 = arith.constant 769 : i32
    %add3A_398 = vector.broadcast %add3A_397 : i32 to vector<16xi32>
    %add3A_399 = arith.addi %mul3A_396, %add3A_398 : vector<16xi32>
    %swap3A_400 = arith.constant 784 : index
    %swap3A_401 = tpu.vector_load %arg18[%swap3A_400] {strides = array<i32>} : memref<1024xi32, #tpu.memory_space<vmem>>, vector<16xi32>,
    tpu.vector_store %arg18[%swap3A_400], %add3A_399 {strides = array<i32>} : memref<1024xi32, #tpu.memory_space<vmem>>, vector<16xi32>,
    %mul3A_402 = arith.constant 16 : i32
    %mul3A_403 = vector.broadcast %mul3A_402 : i32 to vector<16xi32>
    %mul3A_404 = arith.muli %iota3A, %mul3A_403 : vector<16xi32>
    %add3A_405 = arith.constant 770 : i32
    %add3A_406 = vector.broadcast %add3A_405 : i32 to vector<16xi32>
    %add3A_407 = arith.addi %mul3A_404, %add3A_406 : vector<16xi32>
    %swap3A_408 = arith.constant 800 : index
    %swap3A_409 = tpu.vector_load %arg18[%swap3A_408] {strides = array<i32>} : memref<1024xi32, #tpu.memory_space<vmem>>, vector<16xi32>,
    tpu.vector_store %arg18[%swap3A_408], %add3A_407 {strides = array<i32>} : memref<1024xi32, #tpu.memory_space<vmem>>, vector<16xi32>,
    %mul3A_410 = arith.constant 16 : i32
    %mul3A_411 = vector.broadcast %mul3A_410 : i32 to vector<16xi32>
    %mul3A_412 = arith.muli %iota3A, %mul3A_411 : vector<16xi32>
    %add3A_413 = arith.constant 771 : i32
    %add3A_414 = vector.broadcast %add3A_413 : i32 to vector<16xi32>
    %add3A_415 = arith.addi %mul3A_412, %add3A_414 : vector<16xi32>
    %swap3A_416 = arith.constant 816 : index
    %swap3A_417 = tpu.vector_load %arg18[%swap3A_416] {strides = array<i32>} : memref<1024xi32, #tpu.memory_space<vmem>>, vector<16xi32>,
    tpu.vector_store %arg18[%swap3A_416], %add3A_415 {strides = array<i32>} : memref<1024xi32, #tpu.memory_space<vmem>>, vector<16xi32>,
    %mul3A_418 = arith.constant 16 : i32
    %mul3A_419 = vector.broadcast %mul3A_418 : i32 to vector<16xi32>
    %mul3A_420 = arith.muli %iota3A, %mul3A_419 : vector<16xi32>
    %add3A_421 = arith.constant 772 : i32
    %add3A_422 = vector.broadcast %add3A_421 : i32 to vector<16xi32>
    %add3A_423 = arith.addi %mul3A_420, %add3A_422 : vector<16xi32>
    %swap3A_424 = arith.constant 832 : index
    %swap3A_425 = tpu.vector_load %arg18[%swap3A_424] {strides = array<i32>} : memref<1024xi32, #tpu.memory_space<vmem>>, vector<16xi32>,
    tpu.vector_store %arg18[%swap3A_424], %add3A_423 {strides = array<i32>} : memref<1024xi32, #tpu.memory_space<vmem>>, vector<16xi32>,
    %mul3A_426 = arith.constant 16 : i32
    %mul3A_427 = vector.broadcast %mul3A_426 : i32 to vector<16xi32>
    %mul3A_428 = arith.muli %iota3A, %mul3A_427 : vector<16xi32>
    %add3A_429 = arith.constant 773 : i32
    %add3A_430 = vector.broadcast %add3A_429 : i32 to vector<16xi32>
    %add3A_431 = arith.addi %mul3A_428, %add3A_430 : vector<16xi32>
    %swap3A_432 = arith.constant 848 : index
    %swap3A_433 = tpu.vector_load %arg18[%swap3A_432] {strides = array<i32>} : memref<1024xi32, #tpu.memory_space<vmem>>, vector<16xi32>,
    tpu.vector_store %arg18[%swap3A_432], %add3A_431 {strides = array<i32>} : memref<1024xi32, #tpu.memory_space<vmem>>, vector<16xi32>,
    %mul3A_434 = arith.constant 16 : i32
    %mul3A_435 = vector.broadcast %mul3A_434 : i32 to vector<16xi32>
    %mul3A_436 = arith.muli %iota3A, %mul3A_435 : vector<16xi32>
    %add3A_437 = arith.constant 774 : i32
    %add3A_438 = vector.broadcast %add3A_437 : i32 to vector<16xi32>
    %add3A_439 = arith.addi %mul3A_436, %add3A_438 : vector<16xi32>
    %swap3A_440 = arith.constant 864 : index
    %swap3A_441 = tpu.vector_load %arg18[%swap3A_440] {strides = array<i32>} : memref<1024xi32, #tpu.memory_space<vmem>>, vector<16xi32>,
    tpu.vector_store %arg18[%swap3A_440], %add3A_439 {strides = array<i32>} : memref<1024xi32, #tpu.memory_space<vmem>>, vector<16xi32>,
    %mul3A_442 = arith.constant 16 : i32
    %mul3A_443 = vector.broadcast %mul3A_442 : i32 to vector<16xi32>
    %mul3A_444 = arith.muli %iota3A, %mul3A_443 : vector<16xi32>
    %add3A_445 = arith.constant 775 : i32
    %add3A_446 = vector.broadcast %add3A_445 : i32 to vector<16xi32>
    %add3A_447 = arith.addi %mul3A_444, %add3A_446 : vector<16xi32>
    %swap3A_448 = arith.constant 880 : index
    %swap3A_449 = tpu.vector_load %arg18[%swap3A_448] {strides = array<i32>} : memref<1024xi32, #tpu.memory_space<vmem>>, vector<16xi32>,
    tpu.vector_store %arg18[%swap3A_448], %add3A_447 {strides = array<i32>} : memref<1024xi32, #tpu.memory_space<vmem>>, vector<16xi32>,
    %mul3A_450 = arith.constant 16 : i32
    %mul3A_451 = vector.broadcast %mul3A_450 : i32 to vector<16xi32>
    %mul3A_452 = arith.muli %iota3A, %mul3A_451 : vector<16xi32>
    %add3A_453 = arith.constant 776 : i32
    %add3A_454 = vector.broadcast %add3A_453 : i32 to vector<16xi32>
    %add3A_455 = arith.addi %mul3A_452, %add3A_454 : vector<16xi32>
    %swap3A_456 = arith.constant 896 : index
    %swap3A_457 = tpu.vector_load %arg18[%swap3A_456] {strides = array<i32>} : memref<1024xi32, #tpu.memory_space<vmem>>, vector<16xi32>,
    tpu.vector_store %arg18[%swap3A_456], %add3A_455 {strides = array<i32>} : memref<1024xi32, #tpu.memory_space<vmem>>, vector<16xi32>,
    %mul3A_458 = arith.constant 16 : i32
    %mul3A_459 = vector.broadcast %mul3A_458 : i32 to vector<16xi32>
    %mul3A_460 = arith.muli %iota3A, %mul3A_459 : vector<16xi32>
    %add3A_461 = arith.constant 777 : i32
    %add3A_462 = vector.broadcast %add3A_461 : i32 to vector<16xi32>
    %add3A_463 = arith.addi %mul3A_460, %add3A_462 : vector<16xi32>
    %swap3A_464 = arith.constant 912 : index
    %swap3A_465 = tpu.vector_load %arg18[%swap3A_464] {strides = array<i32>} : memref<1024xi32, #tpu.memory_space<vmem>>, vector<16xi32>,
    tpu.vector_store %arg18[%swap3A_464], %add3A_463 {strides = array<i32>} : memref<1024xi32, #tpu.memory_space<vmem>>, vector<16xi32>,
    %mul3A_466 = arith.constant 16 : i32
    %mul3A_467 = vector.broadcast %mul3A_466 : i32 to vector<16xi32>
    %mul3A_468 = arith.muli %iota3A, %mul3A_467 : vector<16xi32>
    %add3A_469 = arith.constant 778 : i32
    %add3A_470 = vector.broadcast %add3A_469 : i32 to vector<16xi32>
    %add3A_471 = arith.addi %mul3A_468, %add3A_470 : vector<16xi32>
    %swap3A_472 = arith.constant 928 : index
    %swap3A_473 = tpu.vector_load %arg18[%swap3A_472] {strides = array<i32>} : memref<1024xi32, #tpu.memory_space<vmem>>, vector<16xi32>,
    tpu.vector_store %arg18[%swap3A_472], %add3A_471 {strides = array<i32>} : memref<1024xi32, #tpu.memory_space<vmem>>, vector<16xi32>,
    %mul3A_474 = arith.constant 16 : i32
    %mul3A_475 = vector.broadcast %mul3A_474 : i32 to vector<16xi32>
    %mul3A_476 = arith.muli %iota3A, %mul3A_475 : vector<16xi32>
    %add3A_477 = arith.constant 779 : i32
    %add3A_478 = vector.broadcast %add3A_477 : i32 to vector<16xi32>
    %add3A_479 = arith.addi %mul3A_476, %add3A_478 : vector<16xi32>
    %swap3A_480 = arith.constant 944 : index
    %swap3A_481 = tpu.vector_load %arg18[%swap3A_480] {strides = array<i32>} : memref<1024xi32, #tpu.memory_space<vmem>>, vector<16xi32>,
    tpu.vector_store %arg18[%swap3A_480], %add3A_479 {strides = array<i32>} : memref<1024xi32, #tpu.memory_space<vmem>>, vector<16xi32>,
    %mul3A_482 = arith.constant 16 : i32
    %mul3A_483 = vector.broadcast %mul3A_482 : i32 to vector<16xi32>
    %mul3A_484 = arith.muli %iota3A, %mul3A_483 : vector<16xi32>
    %add3A_485 = arith.constant 780 : i32
    %add3A_486 = vector.broadcast %add3A_485 : i32 to vector<16xi32>
    %add3A_487 = arith.addi %mul3A_484, %add3A_486 : vector<16xi32>
    %swap3A_488 = arith.constant 960 : index
    %swap3A_489 = tpu.vector_load %arg18[%swap3A_488] {strides = array<i32>} : memref<1024xi32, #tpu.memory_space<vmem>>, vector<16xi32>,
    tpu.vector_store %arg18[%swap3A_488], %add3A_487 {strides = array<i32>} : memref<1024xi32, #tpu.memory_space<vmem>>, vector<16xi32>,
    %mul3A_490 = arith.constant 16 : i32
    %mul3A_491 = vector.broadcast %mul3A_490 : i32 to vector<16xi32>
    %mul3A_492 = arith.muli %iota3A, %mul3A_491 : vector<16xi32>
    %add3A_493 = arith.constant 781 : i32
    %add3A_494 = vector.broadcast %add3A_493 : i32 to vector<16xi32>
    %add3A_495 = arith.addi %mul3A_492, %add3A_494 : vector<16xi32>
    %swap3A_496 = arith.constant 976 : index
    %swap3A_497 = tpu.vector_load %arg18[%swap3A_496] {strides = array<i32>} : memref<1024xi32, #tpu.memory_space<vmem>>, vector<16xi32>,
    tpu.vector_store %arg18[%swap3A_496], %add3A_495 {strides = array<i32>} : memref<1024xi32, #tpu.memory_space<vmem>>, vector<16xi32>,
    %mul3A_498 = arith.constant 16 : i32
    %mul3A_499 = vector.broadcast %mul3A_498 : i32 to vector<16xi32>
    %mul3A_500 = arith.muli %iota3A, %mul3A_499 : vector<16xi32>
    %add3A_501 = arith.constant 782 : i32
    %add3A_502 = vector.broadcast %add3A_501 : i32 to vector<16xi32>
    %add3A_503 = arith.addi %mul3A_500, %add3A_502 : vector<16xi32>
    %swap3A_504 = arith.constant 992 : index
    %swap3A_505 = tpu.vector_load %arg18[%swap3A_504] {strides = array<i32>} : memref<1024xi32, #tpu.memory_space<vmem>>, vector<16xi32>,
    tpu.vector_store %arg18[%swap3A_504], %add3A_503 {strides = array<i32>} : memref<1024xi32, #tpu.memory_space<vmem>>, vector<16xi32>,
    %mul3A_506 = arith.constant 16 : i32
    %mul3A_507 = vector.broadcast %mul3A_506 : i32 to vector<16xi32>
    %mul3A_508 = arith.muli %iota3A, %mul3A_507 : vector<16xi32>
    %add3A_509 = arith.constant 783 : i32
    %add3A_510 = vector.broadcast %add3A_509 : i32 to vector<16xi32>
    %add3A_511 = arith.addi %mul3A_508, %add3A_510 : vector<16xi32>
    %swap3A_512 = arith.constant 1008 : index
    %swap3A_513 = tpu.vector_load %arg18[%swap3A_512] {strides = array<i32>} : memref<1024xi32, #tpu.memory_space<vmem>>, vector<16xi32>,
    tpu.vector_store %arg18[%swap3A_512], %add3A_511 {strides = array<i32>} : memref<1024xi32, #tpu.memory_space<vmem>>, vector<16xi32>,
    %broadcast_in_dim3A = arith.constant 0x7F800000 : f32
    %broadcast_in_dim3A_514 = vector.broadcast %broadcast_in_dim3A : f32 to vector<16xf32>
    %scan3A = arith.constant 0 : i32
    %scan3A_515 = arith.constant 0 : i32
    %scan3A_516 = arith.constant 256 : i32
    %scan3A_517 = arith.addi %scan3A_515, %scan3A_516 : i32
    %scan3A_518 = arith.constant 1 : i32
    %scan3A_519 = scf.for %scan3A_545 = %scan3A_515 to %scan3A_517 step %scan3A_518 iter_args(%scan3A_546 = %scan3A) -> (i32)  : i32 {
      %mul3A_547 = arith.constant 16 : i32
      %mul3A_548 = arith.muli %scan3A_545, %mul3A_547 : i32
      %swap3A_549 = arith.index_cast %mul3A_548 : i32 to index
      %swap3A_550 = tpu.vector_load %arg16[%swap3A_549] {strides = array<i32>} : memref<4096xf32, #tpu.memory_space<vmem>>, vector<16xf32>,
      tpu.vector_store %arg16[%swap3A_549], %broadcast_in_dim3A_514 {strides = array<i32>} : memref<4096xf32, #tpu.memory_space<vmem>>, vector<16xf32>,
      %scan3A_551 = arith.constant 0 : i32
      scf.yield %scan3A_551 : i32
    }
    %scan3A_520 = arith.constant 256 : i32
    "tpu.region"() ({
      %run_scoped3A = tpu.sem_alloc : memref<!tpu.dma_semaphore, #tpu.memory_space<semaphore_mem>>
      %dma_start3A = tpu.memref_slice %arg2[%mul3A_2] : memref<4096xf32, #tpu.memory_space<hbm>> -> memref<128xf32, #tpu.memory_space<hbm>>
      %dma_start3A_545 = tpu.memref_slice %arg2[%mul3A_2] : memref<4096xf32, #tpu.memory_space<hbm>> -> memref<128xf32, #tpu.memory_space<hbm>>
      tpu.enqueue_dma source(%dma_start3A_545 : memref<128xf32, #tpu.memory_space<hbm>>) target(%arg10 : memref<128xf32, #tpu.memory_space<vmem>>) target_semaphore(%run_scoped3A : memref<!tpu.dma_semaphore, #tpu.memory_space<semaphore_mem>>)
      %dma_wait3A = tpu.memref_slice %arg2[%mul3A_2] : memref<4096xf32, #tpu.memory_space<hbm>> -> memref<128xf32, #tpu.memory_space<hbm>>
      %dma_wait3A_546 = tpu.memref_slice %arg2[%mul3A_2] : memref<4096xf32, #tpu.memory_space<hbm>> -> memref<128xf32, #tpu.memory_space<hbm>>
      tpu.wait_dma2 semaphore(%run_scoped3A : memref<!tpu.dma_semaphore, #tpu.memory_space<semaphore_mem>>) src(%dma_wait3A_546 : memref<128xf32, #tpu.memory_space<hbm>>) dst(%arg10 : memref<128xf32, #tpu.memory_space<vmem>>)
      tpu.yield
    }) : () -> ()
    "tpu.region"() ({
      %run_scoped3A = tpu.sem_alloc : memref<!tpu.dma_semaphore, #tpu.memory_space<semaphore_mem>>
      %dma_start3A = tpu.memref_slice %arg3[%mul3A_2] : memref<4096xf32, #tpu.memory_space<hbm>> -> memref<128xf32, #tpu.memory_space<hbm>>
      %dma_start3A_545 = tpu.memref_slice %arg3[%mul3A_2] : memref<4096xf32, #tpu.memory_space<hbm>> -> memref<128xf32, #tpu.memory_space<hbm>>
      tpu.enqueue_dma source(%dma_start3A_545 : memref<128xf32, #tpu.memory_space<hbm>>) target(%arg11 : memref<128xf32, #tpu.memory_space<vmem>>) target_semaphore(%run_scoped3A : memref<!tpu.dma_semaphore, #tpu.memory_space<semaphore_mem>>)
      %dma_wait3A = tpu.memref_slice %arg3[%mul3A_2] : memref<4096xf32, #tpu.memory_space<hbm>> -> memref<128xf32, #tpu.memory_space<hbm>>
      %dma_wait3A_546 = tpu.memref_slice %arg3[%mul3A_2] : memref<4096xf32, #tpu.memory_space<hbm>> -> memref<128xf32, #tpu.memory_space<hbm>>
      tpu.wait_dma2 semaphore(%run_scoped3A : memref<!tpu.dma_semaphore, #tpu.memory_space<semaphore_mem>>) src(%dma_wait3A_546 : memref<128xf32, #tpu.memory_space<hbm>>) dst(%arg11 : memref<128xf32, #tpu.memory_space<vmem>>)
      tpu.yield
    }) : () -> ()
    "tpu.region"() ({
      %run_scoped3A = tpu.sem_alloc : memref<!tpu.dma_semaphore, #tpu.memory_space<semaphore_mem>>
      %dma_start3A = tpu.memref_slice %arg4[%mul3A_2] : memref<4096xf32, #tpu.memory_space<hbm>> -> memref<128xf32, #tpu.memory_space<hbm>>
      %dma_start3A_545 = tpu.memref_slice %arg4[%mul3A_2] : memref<4096xf32, #tpu.memory_space<hbm>> -> memref<128xf32, #tpu.memory_space<hbm>>
      tpu.enqueue_dma source(%dma_start3A_545 : memref<128xf32, #tpu.memory_space<hbm>>) target(%arg12 : memref<128xf32, #tpu.memory_space<vmem>>) target_semaphore(%run_scoped3A : memref<!tpu.dma_semaphore, #tpu.memory_space<semaphore_mem>>)
      %dma_wait3A = tpu.memref_slice %arg4[%mul3A_2] : memref<4096xf32, #tpu.memory_space<hbm>> -> memref<128xf32, #tpu.memory_space<hbm>>
      %dma_wait3A_546 = tpu.memref_slice %arg4[%mul3A_2] : memref<4096xf32, #tpu.memory_space<hbm>> -> memref<128xf32, #tpu.memory_space<hbm>>
      tpu.wait_dma2 semaphore(%run_scoped3A : memref<!tpu.dma_semaphore, #tpu.memory_space<semaphore_mem>>) src(%dma_wait3A_546 : memref<128xf32, #tpu.memory_space<hbm>>) dst(%arg12 : memref<128xf32, #tpu.memory_space<vmem>>)
      tpu.yield
    }) : () -> ()
    "tpu.region"() ({
      %run_scoped3A = tpu.sem_alloc : memref<!tpu.dma_semaphore, #tpu.memory_space<semaphore_mem>>
      tpu.enqueue_dma source(%arg5 : memref<4096xf32, #tpu.memory_space<hbm>>) target(%arg13 : memref<4096xf32, #tpu.memory_space<vmem>>) target_semaphore(%run_scoped3A : memref<!tpu.dma_semaphore, #tpu.memory_space<semaphore_mem>>)
      tpu.wait_dma2 semaphore(%run_scoped3A : memref<!tpu.dma_semaphore, #tpu.memory_space<semaphore_mem>>) src(%arg5 : memref<4096xf32, #tpu.memory_space<hbm>>) dst(%arg13 : memref<4096xf32, #tpu.memory_space<vmem>>)
      tpu.yield
    }) : () -> ()
    "tpu.region"() ({
      %run_scoped3A = tpu.sem_alloc : memref<!tpu.dma_semaphore, #tpu.memory_space<semaphore_mem>>
      tpu.enqueue_dma source(%arg6 : memref<4096xf32, #tpu.memory_space<hbm>>) target(%arg14 : memref<4096xf32, #tpu.memory_space<vmem>>) target_semaphore(%run_scoped3A : memref<!tpu.dma_semaphore, #tpu.memory_space<semaphore_mem>>)
      tpu.wait_dma2 semaphore(%run_scoped3A : memref<!tpu.dma_semaphore, #tpu.memory_space<semaphore_mem>>) src(%arg6 : memref<4096xf32, #tpu.memory_space<hbm>>) dst(%arg14 : memref<4096xf32, #tpu.memory_space<vmem>>)
      tpu.yield
    }) : () -> ()
    "tpu.region"() ({
      %run_scoped3A = tpu.sem_alloc : memref<!tpu.dma_semaphore, #tpu.memory_space<semaphore_mem>>
      tpu.enqueue_dma source(%arg7 : memref<4096xf32, #tpu.memory_space<hbm>>) target(%arg15 : memref<4096xf32, #tpu.memory_space<vmem>>) target_semaphore(%run_scoped3A : memref<!tpu.dma_semaphore, #tpu.memory_space<semaphore_mem>>)
      tpu.wait_dma2 semaphore(%run_scoped3A : memref<!tpu.dma_semaphore, #tpu.memory_space<semaphore_mem>>) src(%arg7 : memref<4096xf32, #tpu.memory_space<hbm>>) dst(%arg15 : memref<4096xf32, #tpu.memory_space<vmem>>)
      tpu.yield
    }) : () -> ()
    %broadcast_in_dim3A_521 = arith.constant 0.000000e+00 : f32
    %broadcast_in_dim3A_522 = vector.broadcast %broadcast_in_dim3A_521 : f32 to vector<16xf32>
    %scan3A_523 = arith.constant 0 : i32
    %scan3A_524 = arith.constant 4 : i32
    %scan3A_525 = arith.addi %scan3A_523, %scan3A_524 : i32
    %scan3A_526 = arith.constant 1 : i32
    %scan3A_527 = scf.for %scan3A_545 = %scan3A_523 to %scan3A_525 step %scan3A_526 iter_args(%scan3A_546 = %broadcast_in_dim3A_522) -> (vector<16xf32>)  : i32 {
      %mul3A_547 = arith.constant 32 : i32
      %mul3A_548 = arith.muli %scan3A_545, %mul3A_547 : i32
      %add3A_549 = arith.constant 0 : i32
      %add3A_550 = arith.addi %mul3A_548, %add3A_549 : i32
      %get3A = arith.index_cast %add3A_550 : i32 to index
      %get3A_551 = tpu.vector_load %arg10[%get3A] {strides = array<i32>} : memref<128xf32, #tpu.memory_space<vmem>>, vector<16xf32>,
      %mul3A_552 = arith.constant 32 : i32
      %mul3A_553 = arith.muli %scan3A_545, %mul3A_552 : i32
      %add3A_554 = arith.constant 16 : i32
      %add3A_555 = arith.addi %mul3A_553, %add3A_554 : i32
      %get3A_556 = arith.index_cast %add3A_555 : i32 to index
      %get3A_557 = tpu.vector_load %arg10[%get3A_556] {strides = array<i32>} : memref<128xf32, #tpu.memory_space<vmem>>, vector<16xf32>,
      %mul3A_558 = arith.constant 32 : i32
      %mul3A_559 = arith.muli %scan3A_545, %mul3A_558 : i32
      %add3A_560 = arith.constant 0 : i32
      %add3A_561 = arith.addi %mul3A_559, %add3A_560 : i32
      %get3A_562 = arith.index_cast %add3A_561 : i32 to index
      %get3A_563 = tpu.vector_load %arg11[%get3A_562] {strides = array<i32>} : memref<128xf32, #tpu.memory_space<vmem>>, vector<16xf32>,
      %mul3A_564 = arith.constant 32 : i32
      %mul3A_565 = arith.muli %scan3A_545, %mul3A_564 : i32
      %add3A_566 = arith.constant 16 : i32
      %add3A_567 = arith.addi %mul3A_565, %add3A_566 : i32
      %get3A_568 = arith.index_cast %add3A_567 : i32 to index
      %get3A_569 = tpu.vector_load %arg11[%get3A_568] {strides = array<i32>} : memref<128xf32, #tpu.memory_space<vmem>>, vector<16xf32>,
      %mul3A_570 = arith.constant 32 : i32
      %mul3A_571 = arith.muli %scan3A_545, %mul3A_570 : i32
      %add3A_572 = arith.constant 0 : i32
      %add3A_573 = arith.addi %mul3A_571, %add3A_572 : i32
      %get3A_574 = arith.index_cast %add3A_573 : i32 to index
      %get3A_575 = tpu.vector_load %arg12[%get3A_574] {strides = array<i32>} : memref<128xf32, #tpu.memory_space<vmem>>, vector<16xf32>,
      %mul3A_576 = arith.constant 32 : i32
      %mul3A_577 = arith.muli %scan3A_545, %mul3A_576 : i32
      %add3A_578 = arith.constant 16 : i32
      %add3A_579 = arith.addi %mul3A_577, %add3A_578 : i32
      %get3A_580 = arith.index_cast %add3A_579 : i32 to index
      %get3A_581 = tpu.vector_load %arg12[%get3A_580] {strides = array<i32>} : memref<128xf32, #tpu.memory_space<vmem>>, vector<16xf32>,
      %scan3A_582 = arith.constant 0 : i32
      %scan3A_583 = arith.constant 256 : i32
      %scan3A_584 = arith.addi %scan3A_582, %scan3A_583 : i32
      %scan3A_585 = arith.constant 1 : i32
      %scan3A_586:4 = scf.for %scan3A_591 = %scan3A_582 to %scan3A_584 step %scan3A_585 iter_args(%scan3A_592 = %broadcast_in_dim3A_514, %scan3A_593 = %broadcast_in_dim3A_514, %scan3A_594 = %broadcast_in_dim3A_514, %scan3A_595 = %broadcast_in_dim3A_514) -> (vector<16xf32>, vector<16xf32>, vector<16xf32>, vector<16xf32>)  : i32 {
        %mul3A_596 = arith.constant 16 : i32
        %mul3A_597 = arith.muli %scan3A_591, %mul3A_596 : i32
        %get3A_598 = arith.index_cast %mul3A_597 : i32 to index
        %get3A_599 = tpu.vector_load %arg13[%get3A_598] {strides = array<i32>} : memref<4096xf32, #tpu.memory_space<vmem>>, vector<16xf32>,
        %mul3A_600 = arith.constant 16 : i32
        %mul3A_601 = arith.muli %scan3A_591, %mul3A_600 : i32
        %get3A_602 = arith.index_cast %mul3A_601 : i32 to index
        %get3A_603 = tpu.vector_load %arg14[%get3A_602] {strides = array<i32>} : memref<4096xf32, #tpu.memory_space<vmem>>, vector<16xf32>,
        %mul3A_604 = arith.constant 16 : i32
        %mul3A_605 = arith.muli %scan3A_591, %mul3A_604 : i32
        %get3A_606 = arith.index_cast %mul3A_605 : i32 to index
        %get3A_607 = tpu.vector_load %arg15[%get3A_606] {strides = array<i32>} : memref<4096xf32, #tpu.memory_space<vmem>>, vector<16xf32>,
        %slice3A = vector.extract_strided_slice %get3A_599 {offsets = [0], sizes = [1], strides = [1]} : vector<16xf32> to vector<1xf32>
        %squeeze3A = vector.extract %slice3A[0] : f32 from vector<1xf32>
        %slice3A_608 = vector.extract_strided_slice %get3A_603 {offsets = [0], sizes = [1], strides = [1]} : vector<16xf32> to vector<1xf32>
        %squeeze3A_609 = vector.extract %slice3A_608[0] : f32 from vector<1xf32>
        %slice3A_610 = vector.extract_strided_slice %get3A_607 {offsets = [0], sizes = [1], strides = [1]} : vector<16xf32> to vector<1xf32>
        %squeeze3A_611 = vector.extract %slice3A_610[0] : f32 from vector<1xf32>
        %sub3A = vector.broadcast %squeeze3A : f32 to vector<16xf32>
        %sub3A_612 = arith.subf %get3A_551, %sub3A : vector<16xf32>
        %sub3A_613 = vector.broadcast %squeeze3A_609 : f32 to vector<16xf32>
        %sub3A_614 = arith.subf %get3A_563, %sub3A_613 : vector<16xf32>
        %sub3A_615 = vector.broadcast %squeeze3A_611 : f32 to vector<16xf32>
        %sub3A_616 = arith.subf %get3A_575, %sub3A_615 : vector<16xf32>
        %mul3A_617 = arith.mulf %sub3A_612, %sub3A_612 : vector<16xf32>
        %mul3A_618 = arith.mulf %sub3A_614, %sub3A_614 : vector<16xf32>
        %add3A_619 = arith.addf %mul3A_617, %mul3A_618 : vector<16xf32>
        %mul3A_620 = arith.mulf %sub3A_616, %sub3A_616 : vector<16xf32>
        %add3A_621 = arith.addf %add3A_619, %mul3A_620 : vector<16xf32>
        %min3A_622 = arith.minimumf %scan3A_592, %add3A_621 : vector<16xf32>
        %swap3A_623 = arith.constant 0 : index
        %swap3A_624 = tpu.vector_load %arg17[%swap3A_623] {strides = array<i32>} : memref<1024xf32, #tpu.memory_space<vmem>>, vector<16xf32>,
        tpu.vector_store %arg17[%swap3A_623], %add3A_621 {strides = array<i32>} : memref<1024xf32, #tpu.memory_space<vmem>>, vector<16xf32>,
        %sub3A_625 = vector.broadcast %squeeze3A : f32 to vector<16xf32>
        %sub3A_626 = arith.subf %get3A_557, %sub3A_625 : vector<16xf32>
        %sub3A_627 = vector.broadcast %squeeze3A_609 : f32 to vector<16xf32>
        %sub3A_628 = arith.subf %get3A_569, %sub3A_627 : vector<16xf32>
        %sub3A_629 = vector.broadcast %squeeze3A_611 : f32 to vector<16xf32>
        %sub3A_630 = arith.subf %get3A_581, %sub3A_629 : vector<16xf32>
        %mul3A_631 = arith.mulf %sub3A_626, %sub3A_626 : vector<16xf32>
        %mul3A_632 = arith.mulf %sub3A_628, %sub3A_628 : vector<16xf32>
        %add3A_633 = arith.addf %mul3A_631, %mul3A_632 : vector<16xf32>
        %mul3A_634 = arith.mulf %sub3A_630, %sub3A_630 : vector<16xf32>
        %add3A_635 = arith.addf %add3A_633, %mul3A_634 : vector<16xf32>
        %min3A_636 = arith.minimumf %scan3A_593, %add3A_635 : vector<16xf32>
        %swap3A_637 = arith.constant 256 : index
        %swap3A_638 = tpu.vector_load %arg17[%swap3A_637] {strides = array<i32>} : memref<1024xf32, #tpu.memory_space<vmem>>, vector<16xf32>,
        tpu.vector_store %arg17[%swap3A_637], %add3A_635 {strides = array<i32>} : memref<1024xf32, #tpu.memory_space<vmem>>, vector<16xf32>,
        %slice3A_639 = vector.extract_strided_slice %get3A_599 {offsets = [1], sizes = [1], strides = [1]} : vector<16xf32> to vector<1xf32>
        %squeeze3A_640 = vector.extract %slice3A_639[0] : f32 from vector<1xf32>
        %slice3A_641 = vector.extract_strided_slice %get3A_603 {offsets = [1], sizes = [1], strides = [1]} : vector<16xf32> to vector<1xf32>
        %squeeze3A_642 = vector.extract %slice3A_641[0] : f32 from vector<1xf32>
        %slice3A_643 = vector.extract_strided_slice %get3A_607 {offsets = [1], sizes = [1], strides = [1]} : vector<16xf32> to vector<1xf32>
        %squeeze3A_644 = vector.extract %slice3A_643[0] : f32 from vector<1xf32>
        %sub3A_645 = vector.broadcast %squeeze3A_640 : f32 to vector<16xf32>
        %sub3A_646 = arith.subf %get3A_551, %sub3A_645 : vector<16xf32>
        %sub3A_647 = vector.broadcast %squeeze3A_642 : f32 to vector<16xf32>
        %sub3A_648 = arith.subf %get3A_563, %sub3A_647 : vector<16xf32>
        %sub3A_649 = vector.broadcast %squeeze3A_644 : f32 to vector<16xf32>
        %sub3A_650 = arith.subf %get3A_575, %sub3A_649 : vector<16xf32>
        %mul3A_651 = arith.mulf %sub3A_646, %sub3A_646 : vector<16xf32>
        %mul3A_652 = arith.mulf %sub3A_648, %sub3A_648 : vector<16xf32>
        %add3A_653 = arith.addf %mul3A_651, %mul3A_652 : vector<16xf32>
        %mul3A_654 = arith.mulf %sub3A_650, %sub3A_650 : vector<16xf32>
        %add3A_655 = arith.addf %add3A_653, %mul3A_654 : vector<16xf32>
        %min3A_656 = arith.minimumf %scan3A_594, %add3A_655 : vector<16xf32>
        %swap3A_657 = arith.constant 16 : index
        %swap3A_658 = tpu.vector_load %arg17[%swap3A_657] {strides = array<i32>} : memref<1024xf32, #tpu.memory_space<vmem>>, vector<16xf32>,
        tpu.vector_store %arg17[%swap3A_657], %add3A_655 {strides = array<i32>} : memref<1024xf32, #tpu.memory_space<vmem>>, vector<16xf32>,
        %sub3A_659 = vector.broadcast %squeeze3A_640 : f32 to vector<16xf32>
        %sub3A_660 = arith.subf %get3A_557, %sub3A_659 : vector<16xf32>
        %sub3A_661 = vector.broadcast %squeeze3A_642 : f32 to vector<16xf32>
        %sub3A_662 = arith.subf %get3A_569, %sub3A_661 : vector<16xf32>
        %sub3A_663 = vector.broadcast %squeeze3A_644 : f32 to vector<16xf32>
        %sub3A_664 = arith.subf %get3A_581, %sub3A_663 : vector<16xf32>
        %mul3A_665 = arith.mulf %sub3A_660, %sub3A_660 : vector<16xf32>
        %mul3A_666 = arith.mulf %sub3A_662, %sub3A_662 : vector<16xf32>
        %add3A_667 = arith.addf %mul3A_665, %mul3A_666 : vector<16xf32>
        %mul3A_668 = arith.mulf %sub3A_664, %sub3A_664 : vector<16xf32>
        %add3A_669 = arith.addf %add3A_667, %mul3A_668 : vector<16xf32>
        %min3A_670 = arith.minimumf %scan3A_595, %add3A_669 : vector<16xf32>
        %swap3A_671 = arith.constant 272 : index
        %swap3A_672 = tpu.vector_load %arg17[%swap3A_671] {strides = array<i32>} : memref<1024xf32, #tpu.memory_space<vmem>>, vector<16xf32>,
        tpu.vector_store %arg17[%swap3A_671], %add3A_669 {strides = array<i32>} : memref<1024xf32, #tpu.memory_space<vmem>>, vector<16xf32>,
        %slice3A_673 = vector.extract_strided_slice %get3A_599 {offsets = [2], sizes = [1], strides = [1]} : vector<16xf32> to vector<1xf32>
        %squeeze3A_674 = vector.extract %slice3A_673[0] : f32 from vector<1xf32>
        %slice3A_675 = vector.extract_strided_slice %get3A_603 {offsets = [2], sizes = [1], strides = [1]} : vector<16xf32> to vector<1xf32>
        %squeeze3A_676 = vector.extract %slice3A_675[0] : f32 from vector<1xf32>
        %slice3A_677 = vector.extract_strided_slice %get3A_607 {offsets = [2], sizes = [1], strides = [1]} : vector<16xf32> to vector<1xf32>
        %squeeze3A_678 = vector.extract %slice3A_677[0] : f32 from vector<1xf32>
        %sub3A_679 = vector.broadcast %squeeze3A_674 : f32 to vector<16xf32>
        %sub3A_680 = arith.subf %get3A_551, %sub3A_679 : vector<16xf32>
        %sub3A_681 = vector.broadcast %squeeze3A_676 : f32 to vector<16xf32>
        %sub3A_682 = arith.subf %get3A_563, %sub3A_681 : vector<16xf32>
        %sub3A_683 = vector.broadcast %squeeze3A_678 : f32 to vector<16xf32>
        %sub3A_684 = arith.subf %get3A_575, %sub3A_683 : vector<16xf32>
        %mul3A_685 = arith.mulf %sub3A_680, %sub3A_680 : vector<16xf32>
        %mul3A_686 = arith.mulf %sub3A_682, %sub3A_682 : vector<16xf32>
        %add3A_687 = arith.addf %mul3A_685, %mul3A_686 : vector<16xf32>
        %mul3A_688 = arith.mulf %sub3A_684, %sub3A_684 : vector<16xf32>
        %add3A_689 = arith.addf %add3A_687, %mul3A_688 : vector<16xf32>
        %min3A_690 = arith.minimumf %min3A_622, %add3A_689 : vector<16xf32>
        %swap3A_691 = arith.constant 32 : index
        %swap3A_692 = tpu.vector_load %arg17[%swap3A_691] {strides = array<i32>} : memref<1024xf32, #tpu.memory_space<vmem>>, vector<16xf32>,
        tpu.vector_store %arg17[%swap3A_691], %add3A_689 {strides = array<i32>} : memref<1024xf32, #tpu.memory_space<vmem>>, vector<16xf32>,
        %sub3A_693 = vector.broadcast %squeeze3A_674 : f32 to vector<16xf32>
        %sub3A_694 = arith.subf %get3A_557, %sub3A_693 : vector<16xf32>
        %sub3A_695 = vector.broadcast %squeeze3A_676 : f32 to vector<16xf32>
        %sub3A_696 = arith.subf %get3A_569, %sub3A_695 : vector<16xf32>
        %sub3A_697 = vector.broadcast %squeeze3A_678 : f32 to vector<16xf32>
        %sub3A_698 = arith.subf %get3A_581, %sub3A_697 : vector<16xf32>
        %mul3A_699 = arith.mulf %sub3A_694, %sub3A_694 : vector<16xf32>
        %mul3A_700 = arith.mulf %sub3A_696, %sub3A_696 : vector<16xf32>
        %add3A_701 = arith.addf %mul3A_699, %mul3A_700 : vector<16xf32>
        %mul3A_702 = arith.mulf %sub3A_698, %sub3A_698 : vector<16xf32>
        %add3A_703 = arith.addf %add3A_701, %mul3A_702 : vector<16xf32>
        %min3A_704 = arith.minimumf %min3A_636, %add3A_703 : vector<16xf32>
        %swap3A_705 = arith.constant 288 : index
        %swap3A_706 = tpu.vector_load %arg17[%swap3A_705] {strides = array<i32>} : memref<1024xf32, #tpu.memory_space<vmem>>, vector<16xf32>,
        tpu.vector_store %arg17[%swap3A_705], %add3A_703 {strides = array<i32>} : memref<1024xf32, #tpu.memory_space<vmem>>, vector<16xf32>,
        %slice3A_707 = vector.extract_strided_slice %get3A_599 {offsets = [3], sizes = [1], strides = [1]} : vector<16xf32> to vector<1xf32>
        %squeeze3A_708 = vector.extract %slice3A_707[0] : f32 from vector<1xf32>
        %slice3A_709 = vector.extract_strided_slice %get3A_603 {offsets = [3], sizes = [1], strides = [1]} : vector<16xf32> to vector<1xf32>
        %squeeze3A_710 = vector.extract %slice3A_709[0] : f32 from vector<1xf32>
        %slice3A_711 = vector.extract_strided_slice %get3A_607 {offsets = [3], sizes = [1], strides = [1]} : vector<16xf32> to vector<1xf32>
        %squeeze3A_712 = vector.extract %slice3A_711[0] : f32 from vector<1xf32>
        %sub3A_713 = vector.broadcast %squeeze3A_708 : f32 to vector<16xf32>
        %sub3A_714 = arith.subf %get3A_551, %sub3A_713 : vector<16xf32>
        %sub3A_715 = vector.broadcast %squeeze3A_710 : f32 to vector<16xf32>
        %sub3A_716 = arith.subf %get3A_563, %sub3A_715 : vector<16xf32>
        %sub3A_717 = vector.broadcast %squeeze3A_712 : f32 to vector<16xf32>
        %sub3A_718 = arith.subf %get3A_575, %sub3A_717 : vector<16xf32>
        %mul3A_719 = arith.mulf %sub3A_714, %sub3A_714 : vector<16xf32>
        %mul3A_720 = arith.mulf %sub3A_716, %sub3A_716 : vector<16xf32>
        %add3A_721 = arith.addf %mul3A_719, %mul3A_720 : vector<16xf32>
        %mul3A_722 = arith.mulf %sub3A_718, %sub3A_718 : vector<16xf32>
        %add3A_723 = arith.addf %add3A_721, %mul3A_722 : vector<16xf32>
        %min3A_724 = arith.minimumf %min3A_656, %add3A_723 : vector<16xf32>
        %swap3A_725 = arith.constant 48 : index
        %swap3A_726 = tpu.vector_load %arg17[%swap3A_725] {strides = array<i32>} : memref<1024xf32, #tpu.memory_space<vmem>>, vector<16xf32>,
        tpu.vector_store %arg17[%swap3A_725], %add3A_723 {strides = array<i32>} : memref<1024xf32, #tpu.memory_space<vmem>>, vector<16xf32>,
        %sub3A_727 = vector.broadcast %squeeze3A_708 : f32 to vector<16xf32>
        %sub3A_728 = arith.subf %get3A_557, %sub3A_727 : vector<16xf32>
        %sub3A_729 = vector.broadcast %squeeze3A_710 : f32 to vector<16xf32>
        %sub3A_730 = arith.subf %get3A_569, %sub3A_729 : vector<16xf32>
        %sub3A_731 = vector.broadcast %squeeze3A_712 : f32 to vector<16xf32>
        %sub3A_732 = arith.subf %get3A_581, %sub3A_731 : vector<16xf32>
        %mul3A_733 = arith.mulf %sub3A_728, %sub3A_728 : vector<16xf32>
        %mul3A_734 = arith.mulf %sub3A_730, %sub3A_730 : vector<16xf32>
        %add3A_735 = arith.addf %mul3A_733, %mul3A_734 : vector<16xf32>
        %mul3A_736 = arith.mulf %sub3A_732, %sub3A_732 : vector<16xf32>
        %add3A_737 = arith.addf %add3A_735, %mul3A_736 : vector<16xf32>
        %min3A_738 = arith.minimumf %min3A_670, %add3A_737 : vector<16xf32>
        %swap3A_739 = arith.constant 304 : index
        %swap3A_740 = tpu.vector_load %arg17[%swap3A_739] {strides = array<i32>} : memref<1024xf32, #tpu.memory_space<vmem>>, vector<16xf32>,
        tpu.vector_store %arg17[%swap3A_739], %add3A_737 {strides = array<i32>} : memref<1024xf32, #tpu.memory_space<vmem>>, vector<16xf32>,
        %slice3A_741 = vector.extract_strided_slice %get3A_599 {offsets = [4], sizes = [1], strides = [1]} : vector<16xf32> to vector<1xf32>
        %squeeze3A_742 = vector.extract %slice3A_741[0] : f32 from vector<1xf32>
        %slice3A_743 = vector.extract_strided_slice %get3A_603 {offsets = [4], sizes = [1], strides = [1]} : vector<16xf32> to vector<1xf32>
        %squeeze3A_744 = vector.extract %slice3A_743[0] : f32 from vector<1xf32>
        %slice3A_745 = vector.extract_strided_slice %get3A_607 {offsets = [4], sizes = [1], strides = [1]} : vector<16xf32> to vector<1xf32>
        %squeeze3A_746 = vector.extract %slice3A_745[0] : f32 from vector<1xf32>
        %sub3A_747 = vector.broadcast %squeeze3A_742 : f32 to vector<16xf32>
        %sub3A_748 = arith.subf %get3A_551, %sub3A_747 : vector<16xf32>
        %sub3A_749 = vector.broadcast %squeeze3A_744 : f32 to vector<16xf32>
        %sub3A_750 = arith.subf %get3A_563, %sub3A_749 : vector<16xf32>
        %sub3A_751 = vector.broadcast %squeeze3A_746 : f32 to vector<16xf32>
        %sub3A_752 = arith.subf %get3A_575, %sub3A_751 : vector<16xf32>
        %mul3A_753 = arith.mulf %sub3A_748, %sub3A_748 : vector<16xf32>
        %mul3A_754 = arith.mulf %sub3A_750, %sub3A_750 : vector<16xf32>
        %add3A_755 = arith.addf %mul3A_753, %mul3A_754 : vector<16xf32>
        %mul3A_756 = arith.mulf %sub3A_752, %sub3A_752 : vector<16xf32>
        %add3A_757 = arith.addf %add3A_755, %mul3A_756 : vector<16xf32>
        %min3A_758 = arith.minimumf %min3A_690, %add3A_757 : vector<16xf32>
        %swap3A_759 = arith.constant 64 : index
        %swap3A_760 = tpu.vector_load %arg17[%swap3A_759] {strides = array<i32>} : memref<1024xf32, #tpu.memory_space<vmem>>, vector<16xf32>,
        tpu.vector_store %arg17[%swap3A_759], %add3A_757 {strides = array<i32>} : memref<1024xf32, #tpu.memory_space<vmem>>, vector<16xf32>,
        %sub3A_761 = vector.broadcast %squeeze3A_742 : f32 to vector<16xf32>
        %sub3A_762 = arith.subf %get3A_557, %sub3A_761 : vector<16xf32>
        %sub3A_763 = vector.broadcast %squeeze3A_744 : f32 to vector<16xf32>
        %sub3A_764 = arith.subf %get3A_569, %sub3A_763 : vector<16xf32>
        %sub3A_765 = vector.broadcast %squeeze3A_746 : f32 to vector<16xf32>
        %sub3A_766 = arith.subf %get3A_581, %sub3A_765 : vector<16xf32>
        %mul3A_767 = arith.mulf %sub3A_762, %sub3A_762 : vector<16xf32>
        %mul3A_768 = arith.mulf %sub3A_764, %sub3A_764 : vector<16xf32>
        %add3A_769 = arith.addf %mul3A_767, %mul3A_768 : vector<16xf32>
        %mul3A_770 = arith.mulf %sub3A_766, %sub3A_766 : vector<16xf32>
        %add3A_771 = arith.addf %add3A_769, %mul3A_770 : vector<16xf32>
        %min3A_772 = arith.minimumf %min3A_704, %add3A_771 : vector<16xf32>
        %swap3A_773 = arith.constant 320 : index
        %swap3A_774 = tpu.vector_load %arg17[%swap3A_773] {strides = array<i32>} : memref<1024xf32, #tpu.memory_space<vmem>>, vector<16xf32>,
        tpu.vector_store %arg17[%swap3A_773], %add3A_771 {strides = array<i32>} : memref<1024xf32, #tpu.memory_space<vmem>>, vector<16xf32>,
        %slice3A_775 = vector.extract_strided_slice %get3A_599 {offsets = [5], sizes = [1], strides = [1]} : vector<16xf32> to vector<1xf32>
        %squeeze3A_776 = vector.extract %slice3A_775[0] : f32 from vector<1xf32>
        %slice3A_777 = vector.extract_strided_slice %get3A_603 {offsets = [5], sizes = [1], strides = [1]} : vector<16xf32> to vector<1xf32>
        %squeeze3A_778 = vector.extract %slice3A_777[0] : f32 from vector<1xf32>
        %slice3A_779 = vector.extract_strided_slice %get3A_607 {offsets = [5], sizes = [1], strides = [1]} : vector<16xf32> to vector<1xf32>
        %squeeze3A_780 = vector.extract %slice3A_779[0] : f32 from vector<1xf32>
        %sub3A_781 = vector.broadcast %squeeze3A_776 : f32 to vector<16xf32>
        %sub3A_782 = arith.subf %get3A_551, %sub3A_781 : vector<16xf32>
        %sub3A_783 = vector.broadcast %squeeze3A_778 : f32 to vector<16xf32>
        %sub3A_784 = arith.subf %get3A_563, %sub3A_783 : vector<16xf32>
        %sub3A_785 = vector.broadcast %squeeze3A_780 : f32 to vector<16xf32>
        %sub3A_786 = arith.subf %get3A_575, %sub3A_785 : vector<16xf32>
        %mul3A_787 = arith.mulf %sub3A_782, %sub3A_782 : vector<16xf32>
        %mul3A_788 = arith.mulf %sub3A_784, %sub3A_784 : vector<16xf32>
        %add3A_789 = arith.addf %mul3A_787, %mul3A_788 : vector<16xf32>
        %mul3A_790 = arith.mulf %sub3A_786, %sub3A_786 : vector<16xf32>
        %add3A_791 = arith.addf %add3A_789, %mul3A_790 : vector<16xf32>
        %min3A_792 = arith.minimumf %min3A_724, %add3A_791 : vector<16xf32>
        %swap3A_793 = arith.constant 80 : index
        %swap3A_794 = tpu.vector_load %arg17[%swap3A_793] {strides = array<i32>} : memref<1024xf32, #tpu.memory_space<vmem>>, vector<16xf32>,
        tpu.vector_store %arg17[%swap3A_793], %add3A_791 {strides = array<i32>} : memref<1024xf32, #tpu.memory_space<vmem>>, vector<16xf32>,
        %sub3A_795 = vector.broadcast %squeeze3A_776 : f32 to vector<16xf32>
        %sub3A_796 = arith.subf %get3A_557, %sub3A_795 : vector<16xf32>
        %sub3A_797 = vector.broadcast %squeeze3A_778 : f32 to vector<16xf32>
        %sub3A_798 = arith.subf %get3A_569, %sub3A_797 : vector<16xf32>
        %sub3A_799 = vector.broadcast %squeeze3A_780 : f32 to vector<16xf32>
        %sub3A_800 = arith.subf %get3A_581, %sub3A_799 : vector<16xf32>
        %mul3A_801 = arith.mulf %sub3A_796, %sub3A_796 : vector<16xf32>
        %mul3A_802 = arith.mulf %sub3A_798, %sub3A_798 : vector<16xf32>
        %add3A_803 = arith.addf %mul3A_801, %mul3A_802 : vector<16xf32>
        %mul3A_804 = arith.mulf %sub3A_800, %sub3A_800 : vector<16xf32>
        %add3A_805 = arith.addf %add3A_803, %mul3A_804 : vector<16xf32>
        %min3A_806 = arith.minimumf %min3A_738, %add3A_805 : vector<16xf32>
        %swap3A_807 = arith.constant 336 : index
        %swap3A_808 = tpu.vector_load %arg17[%swap3A_807] {strides = array<i32>} : memref<1024xf32, #tpu.memory_space<vmem>>, vector<16xf32>,
        tpu.vector_store %arg17[%swap3A_807], %add3A_805 {strides = array<i32>} : memref<1024xf32, #tpu.memory_space<vmem>>, vector<16xf32>,
        %slice3A_809 = vector.extract_strided_slice %get3A_599 {offsets = [6], sizes = [1], strides = [1]} : vector<16xf32> to vector<1xf32>
        %squeeze3A_810 = vector.extract %slice3A_809[0] : f32 from vector<1xf32>
        %slice3A_811 = vector.extract_strided_slice %get3A_603 {offsets = [6], sizes = [1], strides = [1]} : vector<16xf32> to vector<1xf32>
        %squeeze3A_812 = vector.extract %slice3A_811[0] : f32 from vector<1xf32>
        %slice3A_813 = vector.extract_strided_slice %get3A_607 {offsets = [6], sizes = [1], strides = [1]} : vector<16xf32> to vector<1xf32>
        %squeeze3A_814 = vector.extract %slice3A_813[0] : f32 from vector<1xf32>
        %sub3A_815 = vector.broadcast %squeeze3A_810 : f32 to vector<16xf32>
        %sub3A_816 = arith.subf %get3A_551, %sub3A_815 : vector<16xf32>
        %sub3A_817 = vector.broadcast %squeeze3A_812 : f32 to vector<16xf32>
        %sub3A_818 = arith.subf %get3A_563, %sub3A_817 : vector<16xf32>
        %sub3A_819 = vector.broadcast %squeeze3A_814 : f32 to vector<16xf32>
        %sub3A_820 = arith.subf %get3A_575, %sub3A_819 : vector<16xf32>
        %mul3A_821 = arith.mulf %sub3A_816, %sub3A_816 : vector<16xf32>
        %mul3A_822 = arith.mulf %sub3A_818, %sub3A_818 : vector<16xf32>
        %add3A_823 = arith.addf %mul3A_821, %mul3A_822 : vector<16xf32>
        %mul3A_824 = arith.mulf %sub3A_820, %sub3A_820 : vector<16xf32>
        %add3A_825 = arith.addf %add3A_823, %mul3A_824 : vector<16xf32>
        %min3A_826 = arith.minimumf %min3A_758, %add3A_825 : vector<16xf32>
        %swap3A_827 = arith.constant 96 : index
        %swap3A_828 = tpu.vector_load %arg17[%swap3A_827] {strides = array<i32>} : memref<1024xf32, #tpu.memory_space<vmem>>, vector<16xf32>,
        tpu.vector_store %arg17[%swap3A_827], %add3A_825 {strides = array<i32>} : memref<1024xf32, #tpu.memory_space<vmem>>, vector<16xf32>,
        %sub3A_829 = vector.broadcast %squeeze3A_810 : f32 to vector<16xf32>
        %sub3A_830 = arith.subf %get3A_557, %sub3A_829 : vector<16xf32>
        %sub3A_831 = vector.broadcast %squeeze3A_812 : f32 to vector<16xf32>
        %sub3A_832 = arith.subf %get3A_569, %sub3A_831 : vector<16xf32>
        %sub3A_833 = vector.broadcast %squeeze3A_814 : f32 to vector<16xf32>
        %sub3A_834 = arith.subf %get3A_581, %sub3A_833 : vector<16xf32>
        %mul3A_835 = arith.mulf %sub3A_830, %sub3A_830 : vector<16xf32>
        %mul3A_836 = arith.mulf %sub3A_832, %sub3A_832 : vector<16xf32>
        %add3A_837 = arith.addf %mul3A_835, %mul3A_836 : vector<16xf32>
        %mul3A_838 = arith.mulf %sub3A_834, %sub3A_834 : vector<16xf32>
        %add3A_839 = arith.addf %add3A_837, %mul3A_838 : vector<16xf32>
        %min3A_840 = arith.minimumf %min3A_772, %add3A_839 : vector<16xf32>
        %swap3A_841 = arith.constant 352 : index
        %swap3A_842 = tpu.vector_load %arg17[%swap3A_841] {strides = array<i32>} : memref<1024xf32, #tpu.memory_space<vmem>>, vector<16xf32>,
        tpu.vector_store %arg17[%swap3A_841], %add3A_839 {strides = array<i32>} : memref<1024xf32, #tpu.memory_space<vmem>>, vector<16xf32>,
        %slice3A_843 = vector.extract_strided_slice %get3A_599 {offsets = [7], sizes = [1], strides = [1]} : vector<16xf32> to vector<1xf32>
        %squeeze3A_844 = vector.extract %slice3A_843[0] : f32 from vector<1xf32>
        %slice3A_845 = vector.extract_strided_slice %get3A_603 {offsets = [7], sizes = [1], strides = [1]} : vector<16xf32> to vector<1xf32>
        %squeeze3A_846 = vector.extract %slice3A_845[0] : f32 from vector<1xf32>
        %slice3A_847 = vector.extract_strided_slice %get3A_607 {offsets = [7], sizes = [1], strides = [1]} : vector<16xf32> to vector<1xf32>
        %squeeze3A_848 = vector.extract %slice3A_847[0] : f32 from vector<1xf32>
        %sub3A_849 = vector.broadcast %squeeze3A_844 : f32 to vector<16xf32>
        %sub3A_850 = arith.subf %get3A_551, %sub3A_849 : vector<16xf32>
        %sub3A_851 = vector.broadcast %squeeze3A_846 : f32 to vector<16xf32>
        %sub3A_852 = arith.subf %get3A_563, %sub3A_851 : vector<16xf32>
        %sub3A_853 = vector.broadcast %squeeze3A_848 : f32 to vector<16xf32>
        %sub3A_854 = arith.subf %get3A_575, %sub3A_853 : vector<16xf32>
        %mul3A_855 = arith.mulf %sub3A_850, %sub3A_850 : vector<16xf32>
        %mul3A_856 = arith.mulf %sub3A_852, %sub3A_852 : vector<16xf32>
        %add3A_857 = arith.addf %mul3A_855, %mul3A_856 : vector<16xf32>
        %mul3A_858 = arith.mulf %sub3A_854, %sub3A_854 : vector<16xf32>
        %add3A_859 = arith.addf %add3A_857, %mul3A_858 : vector<16xf32>
        %min3A_860 = arith.minimumf %min3A_792, %add3A_859 : vector<16xf32>
        %swap3A_861 = arith.constant 112 : index
        %swap3A_862 = tpu.vector_load %arg17[%swap3A_861] {strides = array<i32>} : memref<1024xf32, #tpu.memory_space<vmem>>, vector<16xf32>,
        tpu.vector_store %arg17[%swap3A_861], %add3A_859 {strides = array<i32>} : memref<1024xf32, #tpu.memory_space<vmem>>, vector<16xf32>,
        %sub3A_863 = vector.broadcast %squeeze3A_844 : f32 to vector<16xf32>
        %sub3A_864 = arith.subf %get3A_557, %sub3A_863 : vector<16xf32>
        %sub3A_865 = vector.broadcast %squeeze3A_846 : f32 to vector<16xf32>
        %sub3A_866 = arith.subf %get3A_569, %sub3A_865 : vector<16xf32>
        %sub3A_867 = vector.broadcast %squeeze3A_848 : f32 to vector<16xf32>
        %sub3A_868 = arith.subf %get3A_581, %sub3A_867 : vector<16xf32>
        %mul3A_869 = arith.mulf %sub3A_864, %sub3A_864 : vector<16xf32>
        %mul3A_870 = arith.mulf %sub3A_866, %sub3A_866 : vector<16xf32>
        %add3A_871 = arith.addf %mul3A_869, %mul3A_870 : vector<16xf32>
        %mul3A_872 = arith.mulf %sub3A_868, %sub3A_868 : vector<16xf32>
        %add3A_873 = arith.addf %add3A_871, %mul3A_872 : vector<16xf32>
        %min3A_874 = arith.minimumf %min3A_806, %add3A_873 : vector<16xf32>
        %swap3A_875 = arith.constant 368 : index
        %swap3A_876 = tpu.vector_load %arg17[%swap3A_875] {strides = array<i32>} : memref<1024xf32, #tpu.memory_space<vmem>>, vector<16xf32>,
        tpu.vector_store %arg17[%swap3A_875], %add3A_873 {strides = array<i32>} : memref<1024xf32, #tpu.memory_space<vmem>>, vector<16xf32>,
        %slice3A_877 = vector.extract_strided_slice %get3A_599 {offsets = [8], sizes = [1], strides = [1]} : vector<16xf32> to vector<1xf32>
        %squeeze3A_878 = vector.extract %slice3A_877[0] : f32 from vector<1xf32>
        %slice3A_879 = vector.extract_strided_slice %get3A_603 {offsets = [8], sizes = [1], strides = [1]} : vector<16xf32> to vector<1xf32>
        %squeeze3A_880 = vector.extract %slice3A_879[0] : f32 from vector<1xf32>
        %slice3A_881 = vector.extract_strided_slice %get3A_607 {offsets = [8], sizes = [1], strides = [1]} : vector<16xf32> to vector<1xf32>
        %squeeze3A_882 = vector.extract %slice3A_881[0] : f32 from vector<1xf32>
        %sub3A_883 = vector.broadcast %squeeze3A_878 : f32 to vector<16xf32>
        %sub3A_884 = arith.subf %get3A_551, %sub3A_883 : vector<16xf32>
        %sub3A_885 = vector.broadcast %squeeze3A_880 : f32 to vector<16xf32>
        %sub3A_886 = arith.subf %get3A_563, %sub3A_885 : vector<16xf32>
        %sub3A_887 = vector.broadcast %squeeze3A_882 : f32 to vector<16xf32>
        %sub3A_888 = arith.subf %get3A_575, %sub3A_887 : vector<16xf32>
        %mul3A_889 = arith.mulf %sub3A_884, %sub3A_884 : vector<16xf32>
        %mul3A_890 = arith.mulf %sub3A_886, %sub3A_886 : vector<16xf32>
        %add3A_891 = arith.addf %mul3A_889, %mul3A_890 : vector<16xf32>
        %mul3A_892 = arith.mulf %sub3A_888, %sub3A_888 : vector<16xf32>
        %add3A_893 = arith.addf %add3A_891, %mul3A_892 : vector<16xf32>
        %min3A_894 = arith.minimumf %min3A_826, %add3A_893 : vector<16xf32>
        %swap3A_895 = arith.constant 128 : index
        %swap3A_896 = tpu.vector_load %arg17[%swap3A_895] {strides = array<i32>} : memref<1024xf32, #tpu.memory_space<vmem>>, vector<16xf32>,
        tpu.vector_store %arg17[%swap3A_895], %add3A_893 {strides = array<i32>} : memref<1024xf32, #tpu.memory_space<vmem>>, vector<16xf32>,
        %sub3A_897 = vector.broadcast %squeeze3A_878 : f32 to vector<16xf32>
        %sub3A_898 = arith.subf %get3A_557, %sub3A_897 : vector<16xf32>
        %sub3A_899 = vector.broadcast %squeeze3A_880 : f32 to vector<16xf32>
        %sub3A_900 = arith.subf %get3A_569, %sub3A_899 : vector<16xf32>
        %sub3A_901 = vector.broadcast %squeeze3A_882 : f32 to vector<16xf32>
        %sub3A_902 = arith.subf %get3A_581, %sub3A_901 : vector<16xf32>
        %mul3A_903 = arith.mulf %sub3A_898, %sub3A_898 : vector<16xf32>
        %mul3A_904 = arith.mulf %sub3A_900, %sub3A_900 : vector<16xf32>
        %add3A_905 = arith.addf %mul3A_903, %mul3A_904 : vector<16xf32>
        %mul3A_906 = arith.mulf %sub3A_902, %sub3A_902 : vector<16xf32>
        %add3A_907 = arith.addf %add3A_905, %mul3A_906 : vector<16xf32>
        %min3A_908 = arith.minimumf %min3A_840, %add3A_907 : vector<16xf32>
        %swap3A_909 = arith.constant 384 : index
        %swap3A_910 = tpu.vector_load %arg17[%swap3A_909] {strides = array<i32>} : memref<1024xf32, #tpu.memory_space<vmem>>, vector<16xf32>,
        tpu.vector_store %arg17[%swap3A_909], %add3A_907 {strides = array<i32>} : memref<1024xf32, #tpu.memory_space<vmem>>, vector<16xf32>,
        %slice3A_911 = vector.extract_strided_slice %get3A_599 {offsets = [9], sizes = [1], strides = [1]} : vector<16xf32> to vector<1xf32>
        %squeeze3A_912 = vector.extract %slice3A_911[0] : f32 from vector<1xf32>
        %slice3A_913 = vector.extract_strided_slice %get3A_603 {offsets = [9], sizes = [1], strides = [1]} : vector<16xf32> to vector<1xf32>
        %squeeze3A_914 = vector.extract %slice3A_913[0] : f32 from vector<1xf32>
        %slice3A_915 = vector.extract_strided_slice %get3A_607 {offsets = [9], sizes = [1], strides = [1]} : vector<16xf32> to vector<1xf32>
        %squeeze3A_916 = vector.extract %slice3A_915[0] : f32 from vector<1xf32>
        %sub3A_917 = vector.broadcast %squeeze3A_912 : f32 to vector<16xf32>
        %sub3A_918 = arith.subf %get3A_551, %sub3A_917 : vector<16xf32>
        %sub3A_919 = vector.broadcast %squeeze3A_914 : f32 to vector<16xf32>
        %sub3A_920 = arith.subf %get3A_563, %sub3A_919 : vector<16xf32>
        %sub3A_921 = vector.broadcast %squeeze3A_916 : f32 to vector<16xf32>
        %sub3A_922 = arith.subf %get3A_575, %sub3A_921 : vector<16xf32>
        %mul3A_923 = arith.mulf %sub3A_918, %sub3A_918 : vector<16xf32>
        %mul3A_924 = arith.mulf %sub3A_920, %sub3A_920 : vector<16xf32>
        %add3A_925 = arith.addf %mul3A_923, %mul3A_924 : vector<16xf32>
        %mul3A_926 = arith.mulf %sub3A_922, %sub3A_922 : vector<16xf32>
        %add3A_927 = arith.addf %add3A_925, %mul3A_926 : vector<16xf32>
        %min3A_928 = arith.minimumf %min3A_860, %add3A_927 : vector<16xf32>
        %swap3A_929 = arith.constant 144 : index
        %swap3A_930 = tpu.vector_load %arg17[%swap3A_929] {strides = array<i32>} : memref<1024xf32, #tpu.memory_space<vmem>>, vector<16xf32>,
        tpu.vector_store %arg17[%swap3A_929], %add3A_927 {strides = array<i32>} : memref<1024xf32, #tpu.memory_space<vmem>>, vector<16xf32>,
        %sub3A_931 = vector.broadcast %squeeze3A_912 : f32 to vector<16xf32>
        %sub3A_932 = arith.subf %get3A_557, %sub3A_931 : vector<16xf32>
        %sub3A_933 = vector.broadcast %squeeze3A_914 : f32 to vector<16xf32>
        %sub3A_934 = arith.subf %get3A_569, %sub3A_933 : vector<16xf32>
        %sub3A_935 = vector.broadcast %squeeze3A_916 : f32 to vector<16xf32>
        %sub3A_936 = arith.subf %get3A_581, %sub3A_935 : vector<16xf32>
        %mul3A_937 = arith.mulf %sub3A_932, %sub3A_932 : vector<16xf32>
        %mul3A_938 = arith.mulf %sub3A_934, %sub3A_934 : vector<16xf32>
        %add3A_939 = arith.addf %mul3A_937, %mul3A_938 : vector<16xf32>
        %mul3A_940 = arith.mulf %sub3A_936, %sub3A_936 : vector<16xf32>
        %add3A_941 = arith.addf %add3A_939, %mul3A_940 : vector<16xf32>
        %min3A_942 = arith.minimumf %min3A_874, %add3A_941 : vector<16xf32>
        %swap3A_943 = arith.constant 400 : index
        %swap3A_944 = tpu.vector_load %arg17[%swap3A_943] {strides = array<i32>} : memref<1024xf32, #tpu.memory_space<vmem>>, vector<16xf32>,
        tpu.vector_store %arg17[%swap3A_943], %add3A_941 {strides = array<i32>} : memref<1024xf32, #tpu.memory_space<vmem>>, vector<16xf32>,
        %slice3A_945 = vector.extract_strided_slice %get3A_599 {offsets = [10], sizes = [1], strides = [1]} : vector<16xf32> to vector<1xf32>
        %squeeze3A_946 = vector.extract %slice3A_945[0] : f32 from vector<1xf32>
        %slice3A_947 = vector.extract_strided_slice %get3A_603 {offsets = [10], sizes = [1], strides = [1]} : vector<16xf32> to vector<1xf32>
        %squeeze3A_948 = vector.extract %slice3A_947[0] : f32 from vector<1xf32>
        %slice3A_949 = vector.extract_strided_slice %get3A_607 {offsets = [10], sizes = [1], strides = [1]} : vector<16xf32> to vector<1xf32>
        %squeeze3A_950 = vector.extract %slice3A_949[0] : f32 from vector<1xf32>
        %sub3A_951 = vector.broadcast %squeeze3A_946 : f32 to vector<16xf32>
        %sub3A_952 = arith.subf %get3A_551, %sub3A_951 : vector<16xf32>
        %sub3A_953 = vector.broadcast %squeeze3A_948 : f32 to vector<16xf32>
        %sub3A_954 = arith.subf %get3A_563, %sub3A_953 : vector<16xf32>
        %sub3A_955 = vector.broadcast %squeeze3A_950 : f32 to vector<16xf32>
        %sub3A_956 = arith.subf %get3A_575, %sub3A_955 : vector<16xf32>
        %mul3A_957 = arith.mulf %sub3A_952, %sub3A_952 : vector<16xf32>
        %mul3A_958 = arith.mulf %sub3A_954, %sub3A_954 : vector<16xf32>
        %add3A_959 = arith.addf %mul3A_957, %mul3A_958 : vector<16xf32>
        %mul3A_960 = arith.mulf %sub3A_956, %sub3A_956 : vector<16xf32>
        %add3A_961 = arith.addf %add3A_959, %mul3A_960 : vector<16xf32>
        %min3A_962 = arith.minimumf %min3A_894, %add3A_961 : vector<16xf32>
        %swap3A_963 = arith.constant 160 : index
        %swap3A_964 = tpu.vector_load %arg17[%swap3A_963] {strides = array<i32>} : memref<1024xf32, #tpu.memory_space<vmem>>, vector<16xf32>,
        tpu.vector_store %arg17[%swap3A_963], %add3A_961 {strides = array<i32>} : memref<1024xf32, #tpu.memory_space<vmem>>, vector<16xf32>,
        %sub3A_965 = vector.broadcast %squeeze3A_946 : f32 to vector<16xf32>
        %sub3A_966 = arith.subf %get3A_557, %sub3A_965 : vector<16xf32>
        %sub3A_967 = vector.broadcast %squeeze3A_948 : f32 to vector<16xf32>
        %sub3A_968 = arith.subf %get3A_569, %sub3A_967 : vector<16xf32>
        %sub3A_969 = vector.broadcast %squeeze3A_950 : f32 to vector<16xf32>
        %sub3A_970 = arith.subf %get3A_581, %sub3A_969 : vector<16xf32>
        %mul3A_971 = arith.mulf %sub3A_966, %sub3A_966 : vector<16xf32>
        %mul3A_972 = arith.mulf %sub3A_968, %sub3A_968 : vector<16xf32>
        %add3A_973 = arith.addf %mul3A_971, %mul3A_972 : vector<16xf32>
        %mul3A_974 = arith.mulf %sub3A_970, %sub3A_970 : vector<16xf32>
        %add3A_975 = arith.addf %add3A_973, %mul3A_974 : vector<16xf32>
        %min3A_976 = arith.minimumf %min3A_908, %add3A_975 : vector<16xf32>
        %swap3A_977 = arith.constant 416 : index
        %swap3A_978 = tpu.vector_load %arg17[%swap3A_977] {strides = array<i32>} : memref<1024xf32, #tpu.memory_space<vmem>>, vector<16xf32>,
        tpu.vector_store %arg17[%swap3A_977], %add3A_975 {strides = array<i32>} : memref<1024xf32, #tpu.memory_space<vmem>>, vector<16xf32>,
        %slice3A_979 = vector.extract_strided_slice %get3A_599 {offsets = [11], sizes = [1], strides = [1]} : vector<16xf32> to vector<1xf32>
        %squeeze3A_980 = vector.extract %slice3A_979[0] : f32 from vector<1xf32>
        %slice3A_981 = vector.extract_strided_slice %get3A_603 {offsets = [11], sizes = [1], strides = [1]} : vector<16xf32> to vector<1xf32>
        %squeeze3A_982 = vector.extract %slice3A_981[0] : f32 from vector<1xf32>
        %slice3A_983 = vector.extract_strided_slice %get3A_607 {offsets = [11], sizes = [1], strides = [1]} : vector<16xf32> to vector<1xf32>
        %squeeze3A_984 = vector.extract %slice3A_983[0] : f32 from vector<1xf32>
        %sub3A_985 = vector.broadcast %squeeze3A_980 : f32 to vector<16xf32>
        %sub3A_986 = arith.subf %get3A_551, %sub3A_985 : vector<16xf32>
        %sub3A_987 = vector.broadcast %squeeze3A_982 : f32 to vector<16xf32>
        %sub3A_988 = arith.subf %get3A_563, %sub3A_987 : vector<16xf32>
        %sub3A_989 = vector.broadcast %squeeze3A_984 : f32 to vector<16xf32>
        %sub3A_990 = arith.subf %get3A_575, %sub3A_989 : vector<16xf32>
        %mul3A_991 = arith.mulf %sub3A_986, %sub3A_986 : vector<16xf32>
        %mul3A_992 = arith.mulf %sub3A_988, %sub3A_988 : vector<16xf32>
        %add3A_993 = arith.addf %mul3A_991, %mul3A_992 : vector<16xf32>
        %mul3A_994 = arith.mulf %sub3A_990, %sub3A_990 : vector<16xf32>
        %add3A_995 = arith.addf %add3A_993, %mul3A_994 : vector<16xf32>
        %min3A_996 = arith.minimumf %min3A_928, %add3A_995 : vector<16xf32>
        %swap3A_997 = arith.constant 176 : index
        %swap3A_998 = tpu.vector_load %arg17[%swap3A_997] {strides = array<i32>} : memref<1024xf32, #tpu.memory_space<vmem>>, vector<16xf32>,
        tpu.vector_store %arg17[%swap3A_997], %add3A_995 {strides = array<i32>} : memref<1024xf32, #tpu.memory_space<vmem>>, vector<16xf32>,
        %sub3A_999 = vector.broadcast %squeeze3A_980 : f32 to vector<16xf32>
        %sub3A_1000 = arith.subf %get3A_557, %sub3A_999 : vector<16xf32>
        %sub3A_1001 = vector.broadcast %squeeze3A_982 : f32 to vector<16xf32>
        %sub3A_1002 = arith.subf %get3A_569, %sub3A_1001 : vector<16xf32>
        %sub3A_1003 = vector.broadcast %squeeze3A_984 : f32 to vector<16xf32>
        %sub3A_1004 = arith.subf %get3A_581, %sub3A_1003 : vector<16xf32>
        %mul3A_1005 = arith.mulf %sub3A_1000, %sub3A_1000 : vector<16xf32>
        %mul3A_1006 = arith.mulf %sub3A_1002, %sub3A_1002 : vector<16xf32>
        %add3A_1007 = arith.addf %mul3A_1005, %mul3A_1006 : vector<16xf32>
        %mul3A_1008 = arith.mulf %sub3A_1004, %sub3A_1004 : vector<16xf32>
        %add3A_1009 = arith.addf %add3A_1007, %mul3A_1008 : vector<16xf32>
        %min3A_1010 = arith.minimumf %min3A_942, %add3A_1009 : vector<16xf32>
        %swap3A_1011 = arith.constant 432 : index
        %swap3A_1012 = tpu.vector_load %arg17[%swap3A_1011] {strides = array<i32>} : memref<1024xf32, #tpu.memory_space<vmem>>, vector<16xf32>,
        tpu.vector_store %arg17[%swap3A_1011], %add3A_1009 {strides = array<i32>} : memref<1024xf32, #tpu.memory_space<vmem>>, vector<16xf32>,
        %slice3A_1013 = vector.extract_strided_slice %get3A_599 {offsets = [12], sizes = [1], strides = [1]} : vector<16xf32> to vector<1xf32>
        %squeeze3A_1014 = vector.extract %slice3A_1013[0] : f32 from vector<1xf32>
        %slice3A_1015 = vector.extract_strided_slice %get3A_603 {offsets = [12], sizes = [1], strides = [1]} : vector<16xf32> to vector<1xf32>
        %squeeze3A_1016 = vector.extract %slice3A_1015[0] : f32 from vector<1xf32>
        %slice3A_1017 = vector.extract_strided_slice %get3A_607 {offsets = [12], sizes = [1], strides = [1]} : vector<16xf32> to vector<1xf32>
        %squeeze3A_1018 = vector.extract %slice3A_1017[0] : f32 from vector<1xf32>
        %sub3A_1019 = vector.broadcast %squeeze3A_1014 : f32 to vector<16xf32>
        %sub3A_1020 = arith.subf %get3A_551, %sub3A_1019 : vector<16xf32>
        %sub3A_1021 = vector.broadcast %squeeze3A_1016 : f32 to vector<16xf32>
        %sub3A_1022 = arith.subf %get3A_563, %sub3A_1021 : vector<16xf32>
        %sub3A_1023 = vector.broadcast %squeeze3A_1018 : f32 to vector<16xf32>
        %sub3A_1024 = arith.subf %get3A_575, %sub3A_1023 : vector<16xf32>
        %mul3A_1025 = arith.mulf %sub3A_1020, %sub3A_1020 : vector<16xf32>
        %mul3A_1026 = arith.mulf %sub3A_1022, %sub3A_1022 : vector<16xf32>
        %add3A_1027 = arith.addf %mul3A_1025, %mul3A_1026 : vector<16xf32>
        %mul3A_1028 = arith.mulf %sub3A_1024, %sub3A_1024 : vector<16xf32>
        %add3A_1029 = arith.addf %add3A_1027, %mul3A_1028 : vector<16xf32>
        %min3A_1030 = arith.minimumf %min3A_962, %add3A_1029 : vector<16xf32>
        %swap3A_1031 = arith.constant 192 : index
        %swap3A_1032 = tpu.vector_load %arg17[%swap3A_1031] {strides = array<i32>} : memref<1024xf32, #tpu.memory_space<vmem>>, vector<16xf32>,
        tpu.vector_store %arg17[%swap3A_1031], %add3A_1029 {strides = array<i32>} : memref<1024xf32, #tpu.memory_space<vmem>>, vector<16xf32>,
        %sub3A_1033 = vector.broadcast %squeeze3A_1014 : f32 to vector<16xf32>
        %sub3A_1034 = arith.subf %get3A_557, %sub3A_1033 : vector<16xf32>
        %sub3A_1035 = vector.broadcast %squeeze3A_1016 : f32 to vector<16xf32>
        %sub3A_1036 = arith.subf %get3A_569, %sub3A_1035 : vector<16xf32>
        %sub3A_1037 = vector.broadcast %squeeze3A_1018 : f32 to vector<16xf32>
        %sub3A_1038 = arith.subf %get3A_581, %sub3A_1037 : vector<16xf32>
        %mul3A_1039 = arith.mulf %sub3A_1034, %sub3A_1034 : vector<16xf32>
        %mul3A_1040 = arith.mulf %sub3A_1036, %sub3A_1036 : vector<16xf32>
        %add3A_1041 = arith.addf %mul3A_1039, %mul3A_1040 : vector<16xf32>
        %mul3A_1042 = arith.mulf %sub3A_1038, %sub3A_1038 : vector<16xf32>
        %add3A_1043 = arith.addf %add3A_1041, %mul3A_1042 : vector<16xf32>
        %min3A_1044 = arith.minimumf %min3A_976, %add3A_1043 : vector<16xf32>
        %swap3A_1045 = arith.constant 448 : index
        %swap3A_1046 = tpu.vector_load %arg17[%swap3A_1045] {strides = array<i32>} : memref<1024xf32, #tpu.memory_space<vmem>>, vector<16xf32>,
        tpu.vector_store %arg17[%swap3A_1045], %add3A_1043 {strides = array<i32>} : memref<1024xf32, #tpu.memory_space<vmem>>, vector<16xf32>,
        %slice3A_1047 = vector.extract_strided_slice %get3A_599 {offsets = [13], sizes = [1], strides = [1]} : vector<16xf32> to vector<1xf32>
        %squeeze3A_1048 = vector.extract %slice3A_1047[0] : f32 from vector<1xf32>
        %slice3A_1049 = vector.extract_strided_slice %get3A_603 {offsets = [13], sizes = [1], strides = [1]} : vector<16xf32> to vector<1xf32>
        %squeeze3A_1050 = vector.extract %slice3A_1049[0] : f32 from vector<1xf32>
        %slice3A_1051 = vector.extract_strided_slice %get3A_607 {offsets = [13], sizes = [1], strides = [1]} : vector<16xf32> to vector<1xf32>
        %squeeze3A_1052 = vector.extract %slice3A_1051[0] : f32 from vector<1xf32>
        %sub3A_1053 = vector.broadcast %squeeze3A_1048 : f32 to vector<16xf32>
        %sub3A_1054 = arith.subf %get3A_551, %sub3A_1053 : vector<16xf32>
        %sub3A_1055 = vector.broadcast %squeeze3A_1050 : f32 to vector<16xf32>
        %sub3A_1056 = arith.subf %get3A_563, %sub3A_1055 : vector<16xf32>
        %sub3A_1057 = vector.broadcast %squeeze3A_1052 : f32 to vector<16xf32>
        %sub3A_1058 = arith.subf %get3A_575, %sub3A_1057 : vector<16xf32>
        %mul3A_1059 = arith.mulf %sub3A_1054, %sub3A_1054 : vector<16xf32>
        %mul3A_1060 = arith.mulf %sub3A_1056, %sub3A_1056 : vector<16xf32>
        %add3A_1061 = arith.addf %mul3A_1059, %mul3A_1060 : vector<16xf32>
        %mul3A_1062 = arith.mulf %sub3A_1058, %sub3A_1058 : vector<16xf32>
        %add3A_1063 = arith.addf %add3A_1061, %mul3A_1062 : vector<16xf32>
        %min3A_1064 = arith.minimumf %min3A_996, %add3A_1063 : vector<16xf32>
        %swap3A_1065 = arith.constant 208 : index
        %swap3A_1066 = tpu.vector_load %arg17[%swap3A_1065] {strides = array<i32>} : memref<1024xf32, #tpu.memory_space<vmem>>, vector<16xf32>,
        tpu.vector_store %arg17[%swap3A_1065], %add3A_1063 {strides = array<i32>} : memref<1024xf32, #tpu.memory_space<vmem>>, vector<16xf32>,
        %sub3A_1067 = vector.broadcast %squeeze3A_1048 : f32 to vector<16xf32>
        %sub3A_1068 = arith.subf %get3A_557, %sub3A_1067 : vector<16xf32>
        %sub3A_1069 = vector.broadcast %squeeze3A_1050 : f32 to vector<16xf32>
        %sub3A_1070 = arith.subf %get3A_569, %sub3A_1069 : vector<16xf32>
        %sub3A_1071 = vector.broadcast %squeeze3A_1052 : f32 to vector<16xf32>
        %sub3A_1072 = arith.subf %get3A_581, %sub3A_1071 : vector<16xf32>
        %mul3A_1073 = arith.mulf %sub3A_1068, %sub3A_1068 : vector<16xf32>
        %mul3A_1074 = arith.mulf %sub3A_1070, %sub3A_1070 : vector<16xf32>
        %add3A_1075 = arith.addf %mul3A_1073, %mul3A_1074 : vector<16xf32>
        %mul3A_1076 = arith.mulf %sub3A_1072, %sub3A_1072 : vector<16xf32>
        %add3A_1077 = arith.addf %add3A_1075, %mul3A_1076 : vector<16xf32>
        %min3A_1078 = arith.minimumf %min3A_1010, %add3A_1077 : vector<16xf32>
        %swap3A_1079 = arith.constant 464 : index
        %swap3A_1080 = tpu.vector_load %arg17[%swap3A_1079] {strides = array<i32>} : memref<1024xf32, #tpu.memory_space<vmem>>, vector<16xf32>,
        tpu.vector_store %arg17[%swap3A_1079], %add3A_1077 {strides = array<i32>} : memref<1024xf32, #tpu.memory_space<vmem>>, vector<16xf32>,
        %slice3A_1081 = vector.extract_strided_slice %get3A_599 {offsets = [14], sizes = [1], strides = [1]} : vector<16xf32> to vector<1xf32>
        %squeeze3A_1082 = vector.extract %slice3A_1081[0] : f32 from vector<1xf32>
        %slice3A_1083 = vector.extract_strided_slice %get3A_603 {offsets = [14], sizes = [1], strides = [1]} : vector<16xf32> to vector<1xf32>
        %squeeze3A_1084 = vector.extract %slice3A_1083[0] : f32 from vector<1xf32>
        %slice3A_1085 = vector.extract_strided_slice %get3A_607 {offsets = [14], sizes = [1], strides = [1]} : vector<16xf32> to vector<1xf32>
        %squeeze3A_1086 = vector.extract %slice3A_1085[0] : f32 from vector<1xf32>
        %sub3A_1087 = vector.broadcast %squeeze3A_1082 : f32 to vector<16xf32>
        %sub3A_1088 = arith.subf %get3A_551, %sub3A_1087 : vector<16xf32>
        %sub3A_1089 = vector.broadcast %squeeze3A_1084 : f32 to vector<16xf32>
        %sub3A_1090 = arith.subf %get3A_563, %sub3A_1089 : vector<16xf32>
        %sub3A_1091 = vector.broadcast %squeeze3A_1086 : f32 to vector<16xf32>
        %sub3A_1092 = arith.subf %get3A_575, %sub3A_1091 : vector<16xf32>
        %mul3A_1093 = arith.mulf %sub3A_1088, %sub3A_1088 : vector<16xf32>
        %mul3A_1094 = arith.mulf %sub3A_1090, %sub3A_1090 : vector<16xf32>
        %add3A_1095 = arith.addf %mul3A_1093, %mul3A_1094 : vector<16xf32>
        %mul3A_1096 = arith.mulf %sub3A_1092, %sub3A_1092 : vector<16xf32>
        %add3A_1097 = arith.addf %add3A_1095, %mul3A_1096 : vector<16xf32>
        %min3A_1098 = arith.minimumf %min3A_1030, %add3A_1097 : vector<16xf32>
        %swap3A_1099 = arith.constant 224 : index
        %swap3A_1100 = tpu.vector_load %arg17[%swap3A_1099] {strides = array<i32>} : memref<1024xf32, #tpu.memory_space<vmem>>, vector<16xf32>,
        tpu.vector_store %arg17[%swap3A_1099], %add3A_1097 {strides = array<i32>} : memref<1024xf32, #tpu.memory_space<vmem>>, vector<16xf32>,
        %sub3A_1101 = vector.broadcast %squeeze3A_1082 : f32 to vector<16xf32>
        %sub3A_1102 = arith.subf %get3A_557, %sub3A_1101 : vector<16xf32>
        %sub3A_1103 = vector.broadcast %squeeze3A_1084 : f32 to vector<16xf32>
        %sub3A_1104 = arith.subf %get3A_569, %sub3A_1103 : vector<16xf32>
        %sub3A_1105 = vector.broadcast %squeeze3A_1086 : f32 to vector<16xf32>
        %sub3A_1106 = arith.subf %get3A_581, %sub3A_1105 : vector<16xf32>
        %mul3A_1107 = arith.mulf %sub3A_1102, %sub3A_1102 : vector<16xf32>
        %mul3A_1108 = arith.mulf %sub3A_1104, %sub3A_1104 : vector<16xf32>
        %add3A_1109 = arith.addf %mul3A_1107, %mul3A_1108 : vector<16xf32>
        %mul3A_1110 = arith.mulf %sub3A_1106, %sub3A_1106 : vector<16xf32>
        %add3A_1111 = arith.addf %add3A_1109, %mul3A_1110 : vector<16xf32>
        %min3A_1112 = arith.minimumf %min3A_1044, %add3A_1111 : vector<16xf32>
        %swap3A_1113 = arith.constant 480 : index
        %swap3A_1114 = tpu.vector_load %arg17[%swap3A_1113] {strides = array<i32>} : memref<1024xf32, #tpu.memory_space<vmem>>, vector<16xf32>,
        tpu.vector_store %arg17[%swap3A_1113], %add3A_1111 {strides = array<i32>} : memref<1024xf32, #tpu.memory_space<vmem>>, vector<16xf32>,
        %slice3A_1115 = vector.extract_strided_slice %get3A_599 {offsets = [15], sizes = [1], strides = [1]} : vector<16xf32> to vector<1xf32>
        %squeeze3A_1116 = vector.extract %slice3A_1115[0] : f32 from vector<1xf32>
        %slice3A_1117 = vector.extract_strided_slice %get3A_603 {offsets = [15], sizes = [1], strides = [1]} : vector<16xf32> to vector<1xf32>
        %squeeze3A_1118 = vector.extract %slice3A_1117[0] : f32 from vector<1xf32>
        %slice3A_1119 = vector.extract_strided_slice %get3A_607 {offsets = [15], sizes = [1], strides = [1]} : vector<16xf32> to vector<1xf32>
        %squeeze3A_1120 = vector.extract %slice3A_1119[0] : f32 from vector<1xf32>
        %sub3A_1121 = vector.broadcast %squeeze3A_1116 : f32 to vector<16xf32>
        %sub3A_1122 = arith.subf %get3A_551, %sub3A_1121 : vector<16xf32>
        %sub3A_1123 = vector.broadcast %squeeze3A_1118 : f32 to vector<16xf32>
        %sub3A_1124 = arith.subf %get3A_563, %sub3A_1123 : vector<16xf32>
        %sub3A_1125 = vector.broadcast %squeeze3A_1120 : f32 to vector<16xf32>
        %sub3A_1126 = arith.subf %get3A_575, %sub3A_1125 : vector<16xf32>
        %mul3A_1127 = arith.mulf %sub3A_1122, %sub3A_1122 : vector<16xf32>
        %mul3A_1128 = arith.mulf %sub3A_1124, %sub3A_1124 : vector<16xf32>
        %add3A_1129 = arith.addf %mul3A_1127, %mul3A_1128 : vector<16xf32>
        %mul3A_1130 = arith.mulf %sub3A_1126, %sub3A_1126 : vector<16xf32>
        %add3A_1131 = arith.addf %add3A_1129, %mul3A_1130 : vector<16xf32>
        %min3A_1132 = arith.minimumf %min3A_1064, %add3A_1131 : vector<16xf32>
        %swap3A_1133 = arith.constant 240 : index
        %swap3A_1134 = tpu.vector_load %arg17[%swap3A_1133] {strides = array<i32>} : memref<1024xf32, #tpu.memory_space<vmem>>, vector<16xf32>,
        tpu.vector_store %arg17[%swap3A_1133], %add3A_1131 {strides = array<i32>} : memref<1024xf32, #tpu.memory_space<vmem>>, vector<16xf32>,
        %sub3A_1135 = vector.broadcast %squeeze3A_1116 : f32 to vector<16xf32>
        %sub3A_1136 = arith.subf %get3A_557, %sub3A_1135 : vector<16xf32>
        %sub3A_1137 = vector.broadcast %squeeze3A_1118 : f32 to vector<16xf32>
        %sub3A_1138 = arith.subf %get3A_569, %sub3A_1137 : vector<16xf32>
        %sub3A_1139 = vector.broadcast %squeeze3A_1120 : f32 to vector<16xf32>
        %sub3A_1140 = arith.subf %get3A_581, %sub3A_1139 : vector<16xf32>
        %mul3A_1141 = arith.mulf %sub3A_1136, %sub3A_1136 : vector<16xf32>
        %mul3A_1142 = arith.mulf %sub3A_1138, %sub3A_1138 : vector<16xf32>
        %add3A_1143 = arith.addf %mul3A_1141, %mul3A_1142 : vector<16xf32>
        %mul3A_1144 = arith.mulf %sub3A_1140, %sub3A_1140 : vector<16xf32>
        %add3A_1145 = arith.addf %add3A_1143, %mul3A_1144 : vector<16xf32>
        %min3A_1146 = arith.minimumf %min3A_1078, %add3A_1145 : vector<16xf32>
        %swap3A_1147 = arith.constant 496 : index
        %swap3A_1148 = tpu.vector_load %arg17[%swap3A_1147] {strides = array<i32>} : memref<1024xf32, #tpu.memory_space<vmem>>, vector<16xf32>,
        tpu.vector_store %arg17[%swap3A_1147], %add3A_1145 {strides = array<i32>} : memref<1024xf32, #tpu.memory_space<vmem>>, vector<16xf32>,
        %get3A_1149 = arith.constant 0 : index
        %get3A_1150 = tpu.vector_load %arg18[%get3A_1149] {strides = array<i32>} : memref<1024xi32, #tpu.memory_space<vmem>>, vector<16xi32>,
        %gather3A = tpu.vector_load_idx %arg17[%get3A_1150] : memref<1024xf32, #tpu.memory_space<vmem>>[vector<16xi32>], vector<16xf32>,
        %get3A_1151 = arith.constant 16 : index
        %get3A_1152 = tpu.vector_load %arg18[%get3A_1151] {strides = array<i32>} : memref<1024xi32, #tpu.memory_space<vmem>>, vector<16xi32>,
        %gather3A_1153 = tpu.vector_load_idx %arg17[%get3A_1152] : memref<1024xf32, #tpu.memory_space<vmem>>[vector<16xi32>], vector<16xf32>,
        %get3A_1154 = arith.constant 32 : index
        %get3A_1155 = tpu.vector_load %arg18[%get3A_1154] {strides = array<i32>} : memref<1024xi32, #tpu.memory_space<vmem>>, vector<16xi32>,
        %gather3A_1156 = tpu.vector_load_idx %arg17[%get3A_1155] : memref<1024xf32, #tpu.memory_space<vmem>>[vector<16xi32>], vector<16xf32>,
        %get3A_1157 = arith.constant 48 : index
        %get3A_1158 = tpu.vector_load %arg18[%get3A_1157] {strides = array<i32>} : memref<1024xi32, #tpu.memory_space<vmem>>, vector<16xi32>,
        %gather3A_1159 = tpu.vector_load_idx %arg17[%get3A_1158] : memref<1024xf32, #tpu.memory_space<vmem>>[vector<16xi32>], vector<16xf32>,
        %get3A_1160 = arith.constant 64 : index
        %get3A_1161 = tpu.vector_load %arg18[%get3A_1160] {strides = array<i32>} : memref<1024xi32, #tpu.memory_space<vmem>>, vector<16xi32>,
        %gather3A_1162 = tpu.vector_load_idx %arg17[%get3A_1161] : memref<1024xf32, #tpu.memory_space<vmem>>[vector<16xi32>], vector<16xf32>,
        %get3A_1163 = arith.constant 80 : index
        %get3A_1164 = tpu.vector_load %arg18[%get3A_1163] {strides = array<i32>} : memref<1024xi32, #tpu.memory_space<vmem>>, vector<16xi32>,
        %gather3A_1165 = tpu.vector_load_idx %arg17[%get3A_1164] : memref<1024xf32, #tpu.memory_space<vmem>>[vector<16xi32>], vector<16xf32>,
        %get3A_1166 = arith.constant 96 : index
        %get3A_1167 = tpu.vector_load %arg18[%get3A_1166] {strides = array<i32>} : memref<1024xi32, #tpu.memory_space<vmem>>, vector<16xi32>,
        %gather3A_1168 = tpu.vector_load_idx %arg17[%get3A_1167] : memref<1024xf32, #tpu.memory_space<vmem>>[vector<16xi32>], vector<16xf32>,
        %get3A_1169 = arith.constant 112 : index
        %get3A_1170 = tpu.vector_load %arg18[%get3A_1169] {strides = array<i32>} : memref<1024xi32, #tpu.memory_space<vmem>>, vector<16xi32>,
        %gather3A_1171 = tpu.vector_load_idx %arg17[%get3A_1170] : memref<1024xf32, #tpu.memory_space<vmem>>[vector<16xi32>], vector<16xf32>,
        %get3A_1172 = arith.constant 128 : index
        %get3A_1173 = tpu.vector_load %arg18[%get3A_1172] {strides = array<i32>} : memref<1024xi32, #tpu.memory_space<vmem>>, vector<16xi32>,
        %gather3A_1174 = tpu.vector_load_idx %arg17[%get3A_1173] : memref<1024xf32, #tpu.memory_space<vmem>>[vector<16xi32>], vector<16xf32>,
        %get3A_1175 = arith.constant 144 : index
        %get3A_1176 = tpu.vector_load %arg18[%get3A_1175] {strides = array<i32>} : memref<1024xi32, #tpu.memory_space<vmem>>, vector<16xi32>,
        %gather3A_1177 = tpu.vector_load_idx %arg17[%get3A_1176] : memref<1024xf32, #tpu.memory_space<vmem>>[vector<16xi32>], vector<16xf32>,
        %get3A_1178 = arith.constant 160 : index
        %get3A_1179 = tpu.vector_load %arg18[%get3A_1178] {strides = array<i32>} : memref<1024xi32, #tpu.memory_space<vmem>>, vector<16xi32>,
        %gather3A_1180 = tpu.vector_load_idx %arg17[%get3A_1179] : memref<1024xf32, #tpu.memory_space<vmem>>[vector<16xi32>], vector<16xf32>,
        %get3A_1181 = arith.constant 176 : index
        %get3A_1182 = tpu.vector_load %arg18[%get3A_1181] {strides = array<i32>} : memref<1024xi32, #tpu.memory_space<vmem>>, vector<16xi32>,
        %gather3A_1183 = tpu.vector_load_idx %arg17[%get3A_1182] : memref<1024xf32, #tpu.memory_space<vmem>>[vector<16xi32>], vector<16xf32>,
        %get3A_1184 = arith.constant 192 : index
        %get3A_1185 = tpu.vector_load %arg18[%get3A_1184] {strides = array<i32>} : memref<1024xi32, #tpu.memory_space<vmem>>, vector<16xi32>,
        %gather3A_1186 = tpu.vector_load_idx %arg17[%get3A_1185] : memref<1024xf32, #tpu.memory_space<vmem>>[vector<16xi32>], vector<16xf32>,
        %get3A_1187 = arith.constant 208 : index
        %get3A_1188 = tpu.vector_load %arg18[%get3A_1187] {strides = array<i32>} : memref<1024xi32, #tpu.memory_space<vmem>>, vector<16xi32>,
        %gather3A_1189 = tpu.vector_load_idx %arg17[%get3A_1188] : memref<1024xf32, #tpu.memory_space<vmem>>[vector<16xi32>], vector<16xf32>,
        %get3A_1190 = arith.constant 224 : index
        %get3A_1191 = tpu.vector_load %arg18[%get3A_1190] {strides = array<i32>} : memref<1024xi32, #tpu.memory_space<vmem>>, vector<16xi32>,
        %gather3A_1192 = tpu.vector_load_idx %arg17[%get3A_1191] : memref<1024xf32, #tpu.memory_space<vmem>>[vector<16xi32>], vector<16xf32>,
        %get3A_1193 = arith.constant 240 : index
        %get3A_1194 = tpu.vector_load %arg18[%get3A_1193] {strides = array<i32>} : memref<1024xi32, #tpu.memory_space<vmem>>, vector<16xi32>,
        %gather3A_1195 = tpu.vector_load_idx %arg17[%get3A_1194] : memref<1024xf32, #tpu.memory_space<vmem>>[vector<16xi32>], vector<16xf32>,
        %get3A_1196 = arith.constant 256 : index
        %get3A_1197 = tpu.vector_load %arg18[%get3A_1196] {strides = array<i32>} : memref<1024xi32, #tpu.memory_space<vmem>>, vector<16xi32>,
        %gather3A_1198 = tpu.vector_load_idx %arg17[%get3A_1197] : memref<1024xf32, #tpu.memory_space<vmem>>[vector<16xi32>], vector<16xf32>,
        %get3A_1199 = arith.constant 272 : index
        %get3A_1200 = tpu.vector_load %arg18[%get3A_1199] {strides = array<i32>} : memref<1024xi32, #tpu.memory_space<vmem>>, vector<16xi32>,
        %gather3A_1201 = tpu.vector_load_idx %arg17[%get3A_1200] : memref<1024xf32, #tpu.memory_space<vmem>>[vector<16xi32>], vector<16xf32>,
        %get3A_1202 = arith.constant 288 : index
        %get3A_1203 = tpu.vector_load %arg18[%get3A_1202] {strides = array<i32>} : memref<1024xi32, #tpu.memory_space<vmem>>, vector<16xi32>,
        %gather3A_1204 = tpu.vector_load_idx %arg17[%get3A_1203] : memref<1024xf32, #tpu.memory_space<vmem>>[vector<16xi32>], vector<16xf32>,
        %get3A_1205 = arith.constant 304 : index
        %get3A_1206 = tpu.vector_load %arg18[%get3A_1205] {strides = array<i32>} : memref<1024xi32, #tpu.memory_space<vmem>>, vector<16xi32>,
        %gather3A_1207 = tpu.vector_load_idx %arg17[%get3A_1206] : memref<1024xf32, #tpu.memory_space<vmem>>[vector<16xi32>], vector<16xf32>,
        %get3A_1208 = arith.constant 320 : index
        %get3A_1209 = tpu.vector_load %arg18[%get3A_1208] {strides = array<i32>} : memref<1024xi32, #tpu.memory_space<vmem>>, vector<16xi32>,
        %gather3A_1210 = tpu.vector_load_idx %arg17[%get3A_1209] : memref<1024xf32, #tpu.memory_space<vmem>>[vector<16xi32>], vector<16xf32>,
        %get3A_1211 = arith.constant 336 : index
        %get3A_1212 = tpu.vector_load %arg18[%get3A_1211] {strides = array<i32>} : memref<1024xi32, #tpu.memory_space<vmem>>, vector<16xi32>,
        %gather3A_1213 = tpu.vector_load_idx %arg17[%get3A_1212] : memref<1024xf32, #tpu.memory_space<vmem>>[vector<16xi32>], vector<16xf32>,
        %get3A_1214 = arith.constant 352 : index
        %get3A_1215 = tpu.vector_load %arg18[%get3A_1214] {strides = array<i32>} : memref<1024xi32, #tpu.memory_space<vmem>>, vector<16xi32>,
        %gather3A_1216 = tpu.vector_load_idx %arg17[%get3A_1215] : memref<1024xf32, #tpu.memory_space<vmem>>[vector<16xi32>], vector<16xf32>,
        %get3A_1217 = arith.constant 368 : index
        %get3A_1218 = tpu.vector_load %arg18[%get3A_1217] {strides = array<i32>} : memref<1024xi32, #tpu.memory_space<vmem>>, vector<16xi32>,
        %gather3A_1219 = tpu.vector_load_idx %arg17[%get3A_1218] : memref<1024xf32, #tpu.memory_space<vmem>>[vector<16xi32>], vector<16xf32>,
        %get3A_1220 = arith.constant 384 : index
        %get3A_1221 = tpu.vector_load %arg18[%get3A_1220] {strides = array<i32>} : memref<1024xi32, #tpu.memory_space<vmem>>, vector<16xi32>,
        %gather3A_1222 = tpu.vector_load_idx %arg17[%get3A_1221] : memref<1024xf32, #tpu.memory_space<vmem>>[vector<16xi32>], vector<16xf32>,
        %get3A_1223 = arith.constant 400 : index
        %get3A_1224 = tpu.vector_load %arg18[%get3A_1223] {strides = array<i32>} : memref<1024xi32, #tpu.memory_space<vmem>>, vector<16xi32>,
        %gather3A_1225 = tpu.vector_load_idx %arg17[%get3A_1224] : memref<1024xf32, #tpu.memory_space<vmem>>[vector<16xi32>], vector<16xf32>,
        %get3A_1226 = arith.constant 416 : index
        %get3A_1227 = tpu.vector_load %arg18[%get3A_1226] {strides = array<i32>} : memref<1024xi32, #tpu.memory_space<vmem>>, vector<16xi32>,
        %gather3A_1228 = tpu.vector_load_idx %arg17[%get3A_1227] : memref<1024xf32, #tpu.memory_space<vmem>>[vector<16xi32>], vector<16xf32>,
        %get3A_1229 = arith.constant 432 : index
        %get3A_1230 = tpu.vector_load %arg18[%get3A_1229] {strides = array<i32>} : memref<1024xi32, #tpu.memory_space<vmem>>, vector<16xi32>,
        %gather3A_1231 = tpu.vector_load_idx %arg17[%get3A_1230] : memref<1024xf32, #tpu.memory_space<vmem>>[vector<16xi32>], vector<16xf32>,
        %get3A_1232 = arith.constant 448 : index
        %get3A_1233 = tpu.vector_load %arg18[%get3A_1232] {strides = array<i32>} : memref<1024xi32, #tpu.memory_space<vmem>>, vector<16xi32>,
        %gather3A_1234 = tpu.vector_load_idx %arg17[%get3A_1233] : memref<1024xf32, #tpu.memory_space<vmem>>[vector<16xi32>], vector<16xf32>,
        %get3A_1235 = arith.constant 464 : index
        %get3A_1236 = tpu.vector_load %arg18[%get3A_1235] {strides = array<i32>} : memref<1024xi32, #tpu.memory_space<vmem>>, vector<16xi32>,
        %gather3A_1237 = tpu.vector_load_idx %arg17[%get3A_1236] : memref<1024xf32, #tpu.memory_space<vmem>>[vector<16xi32>], vector<16xf32>,
        %get3A_1238 = arith.constant 480 : index
        %get3A_1239 = tpu.vector_load %arg18[%get3A_1238] {strides = array<i32>} : memref<1024xi32, #tpu.memory_space<vmem>>, vector<16xi32>,
        %gather3A_1240 = tpu.vector_load_idx %arg17[%get3A_1239] : memref<1024xf32, #tpu.memory_space<vmem>>[vector<16xi32>], vector<16xf32>,
        %get3A_1241 = arith.constant 496 : index
        %get3A_1242 = tpu.vector_load %arg18[%get3A_1241] {strides = array<i32>} : memref<1024xi32, #tpu.memory_space<vmem>>, vector<16xi32>,
        %gather3A_1243 = tpu.vector_load_idx %arg17[%get3A_1242] : memref<1024xf32, #tpu.memory_space<vmem>>[vector<16xi32>], vector<16xf32>,
        %min3A_1244 = arith.minimumf %gather3A, %gather3A_1153 : vector<16xf32>
        %min3A_1245 = arith.minimumf %gather3A_1156, %gather3A_1159 : vector<16xf32>
        %min3A_1246 = arith.minimumf %gather3A_1162, %gather3A_1165 : vector<16xf32>
        %min3A_1247 = arith.minimumf %gather3A_1168, %gather3A_1171 : vector<16xf32>
        %min3A_1248 = arith.minimumf %gather3A_1174, %gather3A_1177 : vector<16xf32>
        %min3A_1249 = arith.minimumf %gather3A_1180, %gather3A_1183 : vector<16xf32>
        %min3A_1250 = arith.minimumf %gather3A_1186, %gather3A_1189 : vector<16xf32>
        %min3A_1251 = arith.minimumf %gather3A_1192, %gather3A_1195 : vector<16xf32>
        %min3A_1252 = arith.minimumf %gather3A_1198, %gather3A_1201 : vector<16xf32>
        %min3A_1253 = arith.minimumf %gather3A_1204, %gather3A_1207 : vector<16xf32>
        %min3A_1254 = arith.minimumf %gather3A_1210, %gather3A_1213 : vector<16xf32>
        %min3A_1255 = arith.minimumf %gather3A_1216, %gather3A_1219 : vector<16xf32>
        %min3A_1256 = arith.minimumf %gather3A_1222, %gather3A_1225 : vector<16xf32>
        %min3A_1257 = arith.minimumf %gather3A_1228, %gather3A_1231 : vector<16xf32>
        %min3A_1258 = arith.minimumf %gather3A_1234, %gather3A_1237 : vector<16xf32>
        %min3A_1259 = arith.minimumf %gather3A_1240, %gather3A_1243 : vector<16xf32>
        %min3A_1260 = arith.minimumf %min3A_1244, %min3A_1245 : vector<16xf32>
        %min3A_1261 = arith.minimumf %min3A_1246, %min3A_1247 : vector<16xf32>
        %min3A_1262 = arith.minimumf %min3A_1248, %min3A_1249 : vector<16xf32>
        %min3A_1263 = arith.minimumf %min3A_1250, %min3A_1251 : vector<16xf32>
        %min3A_1264 = arith.minimumf %min3A_1252, %min3A_1253 : vector<16xf32>
        %min3A_1265 = arith.minimumf %min3A_1254, %min3A_1255 : vector<16xf32>
        %min3A_1266 = arith.minimumf %min3A_1256, %min3A_1257 : vector<16xf32>
        %min3A_1267 = arith.minimumf %min3A_1258, %min3A_1259 : vector<16xf32>
        %min3A_1268 = arith.minimumf %min3A_1260, %min3A_1261 : vector<16xf32>
        %min3A_1269 = arith.minimumf %min3A_1262, %min3A_1263 : vector<16xf32>
        %min3A_1270 = arith.minimumf %min3A_1264, %min3A_1265 : vector<16xf32>
        %min3A_1271 = arith.minimumf %min3A_1266, %min3A_1267 : vector<16xf32>
        %min3A_1272 = arith.minimumf %min3A_1268, %min3A_1269 : vector<16xf32>
        %min3A_1273 = arith.minimumf %min3A_1270, %min3A_1271 : vector<16xf32>
        %min3A_1274 = arith.minimumf %min3A_1272, %min3A_1273 : vector<16xf32>
        %mul3A_1275 = arith.constant 16 : i32
        %mul3A_1276 = arith.muli %scan3A_591, %mul3A_1275 : i32
        %get3A_1277 = arith.index_cast %mul3A_1276 : i32 to index
        %get3A_1278 = tpu.vector_load %arg16[%get3A_1277] {strides = array<i32>} : memref<4096xf32, #tpu.memory_space<vmem>>, vector<16xf32>,
        %min3A_1279 = arith.minimumf %get3A_1278, %min3A_1274 : vector<16xf32>
        %mul3A_1280 = arith.constant 16 : i32
        %mul3A_1281 = arith.muli %scan3A_591, %mul3A_1280 : i32
        %swap3A_1282 = arith.index_cast %mul3A_1281 : i32 to index
        %swap3A_1283 = tpu.vector_load %arg16[%swap3A_1282] {strides = array<i32>} : memref<4096xf32, #tpu.memory_space<vmem>>, vector<16xf32>,
        tpu.vector_store %arg16[%swap3A_1282], %min3A_1279 {strides = array<i32>} : memref<4096xf32, #tpu.memory_space<vmem>>, vector<16xf32>,
        scf.yield %min3A_1098, %min3A_1112, %min3A_1132, %min3A_1146 : vector<16xf32>, vector<16xf32>, vector<16xf32>, vector<16xf32>
      }
      %scan3A_587 = arith.constant 256 : i32
      %min3A = arith.minimumf %scan3A_586#0, %scan3A_586#2 : vector<16xf32>
      %min3A_588 = arith.minimumf %scan3A_586#1, %scan3A_586#3 : vector<16xf32>
      %add3A_589 = arith.addf %min3A, %min3A_588 : vector<16xf32>
      %add3A_590 = arith.addf %scan3A_546, %add3A_589 : vector<16xf32>
      scf.yield %add3A_590 : vector<16xf32>
    }
    %scan3A_528 = arith.constant 4 : i32
    %mul3A_529 = arith.constant 2.44140625E-4 : f32
    %mul3A_530 = vector.broadcast %mul3A_529 : f32 to vector<16xf32>
    %mul3A_531 = arith.mulf %scan3A_527, %mul3A_530 : vector<16xf32>
    %swap3A_532 = arith.constant 0 : index
    %swap3A_533 = tpu.vector_load %arg21[%swap3A_532] {strides = array<i32>} : memref<16xf32, #tpu.memory_space<vmem>>, vector<16xf32>,
    tpu.vector_store %arg21[%swap3A_532], %mul3A_531 {strides = array<i32>} : memref<16xf32, #tpu.memory_space<vmem>>, vector<16xf32>,
    "tpu.region"() ({
      %run_scoped3A = tpu.sem_alloc : memref<!tpu.dma_semaphore, #tpu.memory_space<semaphore_mem>>
      %dma_start3A = arith.constant 0 : i32
      %dma_start3A_545 = tpu.memref_slice %arg8[%add3A, %dma_start3A] : memref<32x16xf32, #tpu.memory_space<hbm>> -> memref<1x16xf32, #tpu.memory_space<hbm>>
      %dma_start3A_546 = tpu.memref_squeeze %dma_start3A_545 : memref<1x16xf32, #tpu.memory_space<hbm>> -> memref<16xf32, #tpu.memory_space<hbm>>
      %dma_start3A_547 = arith.constant 0 : i32
      %dma_start3A_548 = tpu.memref_slice %arg8[%add3A, %dma_start3A_547] : memref<32x16xf32, #tpu.memory_space<hbm>> -> memref<1x16xf32, #tpu.memory_space<hbm>>
      %dma_start3A_549 = tpu.memref_squeeze %dma_start3A_548 : memref<1x16xf32, #tpu.memory_space<hbm>> -> memref<16xf32, #tpu.memory_space<hbm>>
      tpu.enqueue_dma source(%arg21 : memref<16xf32, #tpu.memory_space<vmem>>) target(%dma_start3A_549 : memref<16xf32, #tpu.memory_space<hbm>>) target_semaphore(%run_scoped3A : memref<!tpu.dma_semaphore, #tpu.memory_space<semaphore_mem>>)
      %dma_wait3A = arith.constant 0 : i32
      %dma_wait3A_550 = tpu.memref_slice %arg8[%add3A, %dma_wait3A] : memref<32x16xf32, #tpu.memory_space<hbm>> -> memref<1x16xf32, #tpu.memory_space<hbm>>
      %dma_wait3A_551 = tpu.memref_squeeze %dma_wait3A_550 : memref<1x16xf32, #tpu.memory_space<hbm>> -> memref<16xf32, #tpu.memory_space<hbm>>
      %dma_wait3A_552 = arith.constant 0 : i32
      %dma_wait3A_553 = tpu.memref_slice %arg8[%add3A, %dma_wait3A_552] : memref<32x16xf32, #tpu.memory_space<hbm>> -> memref<1x16xf32, #tpu.memory_space<hbm>>
      %dma_wait3A_554 = tpu.memref_squeeze %dma_wait3A_553 : memref<1x16xf32, #tpu.memory_space<hbm>> -> memref<16xf32, #tpu.memory_space<hbm>>
      tpu.wait_dma2 semaphore(%run_scoped3A : memref<!tpu.dma_semaphore, #tpu.memory_space<semaphore_mem>>) src(%arg21 : memref<16xf32, #tpu.memory_space<vmem>>) dst(%dma_wait3A_554 : memref<16xf32, #tpu.memory_space<hbm>>)
      tpu.yield
    }) : () -> ()
    "tpu.region"() ({
      %run_scoped3A = tpu.sem_alloc : memref<!tpu.dma_semaphore, #tpu.memory_space<semaphore_mem>>
      %dma_start3A = arith.constant 0 : i32
      %dma_start3A_545 = tpu.memref_slice %arg22[%arg1, %dma_start3A] : memref<16x4096xf32, #tpu.memory_space<vmem_shared>> -> memref<1x4096xf32, #tpu.memory_space<vmem_shared>>
      %dma_start3A_546 = tpu.memref_squeeze %dma_start3A_545 : memref<1x4096xf32, #tpu.memory_space<vmem_shared>> -> memref<4096xf32, #tpu.memory_space<vmem_shared>>
      %dma_start3A_547 = arith.constant 0 : i32
      %dma_start3A_548 = tpu.memref_slice %arg22[%arg1, %dma_start3A_547] : memref<16x4096xf32, #tpu.memory_space<vmem_shared>> -> memref<1x4096xf32, #tpu.memory_space<vmem_shared>>
      %dma_start3A_549 = tpu.memref_squeeze %dma_start3A_548 : memref<1x4096xf32, #tpu.memory_space<vmem_shared>> -> memref<4096xf32, #tpu.memory_space<vmem_shared>>
      tpu.enqueue_dma source(%arg16 : memref<4096xf32, #tpu.memory_space<vmem>>) target(%dma_start3A_549 : memref<4096xf32, #tpu.memory_space<vmem_shared>>) target_semaphore(%run_scoped3A : memref<!tpu.dma_semaphore, #tpu.memory_space<semaphore_mem>>)
      %dma_wait3A = arith.constant 0 : i32
      %dma_wait3A_550 = tpu.memref_slice %arg22[%arg1, %dma_wait3A] : memref<16x4096xf32, #tpu.memory_space<vmem_shared>> -> memref<1x4096xf32, #tpu.memory_space<vmem_shared>>
      %dma_wait3A_551 = tpu.memref_squeeze %dma_wait3A_550 : memref<1x4096xf32, #tpu.memory_space<vmem_shared>> -> memref<4096xf32, #tpu.memory_space<vmem_shared>>
      %dma_wait3A_552 = arith.constant 0 : i32
      %dma_wait3A_553 = tpu.memref_slice %arg22[%arg1, %dma_wait3A_552] : memref<16x4096xf32, #tpu.memory_space<vmem_shared>> -> memref<1x4096xf32, #tpu.memory_space<vmem_shared>>
      %dma_wait3A_554 = tpu.memref_squeeze %dma_wait3A_553 : memref<1x4096xf32, #tpu.memory_space<vmem_shared>> -> memref<4096xf32, #tpu.memory_space<vmem_shared>>
      tpu.wait_dma2 semaphore(%run_scoped3A : memref<!tpu.dma_semaphore, #tpu.memory_space<semaphore_mem>>) src(%arg16 : memref<4096xf32, #tpu.memory_space<vmem>>) dst(%dma_wait3A_554 : memref<4096xf32, #tpu.memory_space<vmem_shared>>)
      tpu.yield
    }) : () -> ()
    %barrier3A = arith.constant 0 : index
    tpu.barrier barrier_id(%barrier3A)
    %mul3A_534 = arith.constant 256 : i32
    %mul3A_535 = arith.muli %arg1, %mul3A_534 : i32
    "tpu.region"() ({
      %run_scoped3A = tpu.sem_alloc : memref<!tpu.dma_semaphore, #tpu.memory_space<semaphore_mem>>
      %dma_start3A = arith.constant 0 : i32
      %dma_start3A_545 = tpu.memref_slice %arg22[%dma_start3A, %mul3A_535] : memref<16x4096xf32, #tpu.memory_space<vmem_shared>> -> memref<16x256xf32, #tpu.memory_space<vmem_shared>>
      %dma_start3A_546 = arith.constant 0 : i32
      %dma_start3A_547 = tpu.memref_slice %arg22[%dma_start3A_546, %mul3A_535] : memref<16x4096xf32, #tpu.memory_space<vmem_shared>> -> memref<16x256xf32, #tpu.memory_space<vmem_shared>>
      tpu.enqueue_dma source(%dma_start3A_547 : memref<16x256xf32, #tpu.memory_space<vmem_shared>>) target(%arg19 : memref<16x256xf32, #tpu.memory_space<vmem>>) target_semaphore(%run_scoped3A : memref<!tpu.dma_semaphore, #tpu.memory_space<semaphore_mem>>)
      %dma_wait3A = arith.constant 0 : i32
      %dma_wait3A_548 = tpu.memref_slice %arg22[%dma_wait3A, %mul3A_535] : memref<16x4096xf32, #tpu.memory_space<vmem_shared>> -> memref<16x256xf32, #tpu.memory_space<vmem_shared>>
      %dma_wait3A_549 = arith.constant 0 : i32
      %dma_wait3A_550 = tpu.memref_slice %arg22[%dma_wait3A_549, %mul3A_535] : memref<16x4096xf32, #tpu.memory_space<vmem_shared>> -> memref<16x256xf32, #tpu.memory_space<vmem_shared>>
      tpu.wait_dma2 semaphore(%run_scoped3A : memref<!tpu.dma_semaphore, #tpu.memory_space<semaphore_mem>>) src(%dma_wait3A_550 : memref<16x256xf32, #tpu.memory_space<vmem_shared>>) dst(%arg19 : memref<16x256xf32, #tpu.memory_space<vmem>>)
      tpu.yield
    }) : () -> ()
    %scan3A_536 = arith.constant 0 : i32
    %scan3A_537 = arith.constant 0 : i32
    %scan3A_538 = arith.constant 16 : i32
    %scan3A_539 = arith.addi %scan3A_537, %scan3A_538 : i32
    %scan3A_540 = arith.constant 1 : i32
    %scan3A_541 = scf.for %scan3A_545 = %scan3A_537 to %scan3A_539 step %scan3A_540 iter_args(%scan3A_546 = %scan3A_536) -> (i32)  : i32 {
      %mul3A_547 = arith.constant 16 : i32
      %mul3A_548 = arith.muli %scan3A_545, %mul3A_547 : i32
      %get3A = arith.constant 0 : i32
      %get3A_549 = arith.index_cast %get3A : i32 to index
      %get3A_550 = arith.index_cast %mul3A_548 : i32 to index
      %get3A_551 = tpu.vector_load %arg19[%get3A_549, %get3A_550] {strides = array<i32>} : memref<16x256xf32, #tpu.memory_space<vmem>>, vector<16xf32>,
      %mul3A_552 = arith.constant 16 : i32
      %mul3A_553 = arith.muli %scan3A_545, %mul3A_552 : i32
      %get3A_554 = arith.constant 1 : i32
      %get3A_555 = arith.index_cast %get3A_554 : i32 to index
      %get3A_556 = arith.index_cast %mul3A_553 : i32 to index
      %get3A_557 = tpu.vector_load %arg19[%get3A_555, %get3A_556] {strides = array<i32>} : memref<16x256xf32, #tpu.memory_space<vmem>>, vector<16xf32>,
      %min3A = arith.minimumf %get3A_551, %get3A_557 : vector<16xf32>
      %mul3A_558 = arith.constant 16 : i32
      %mul3A_559 = arith.muli %scan3A_545, %mul3A_558 : i32
      %get3A_560 = arith.constant 2 : i32
      %get3A_561 = arith.index_cast %get3A_560 : i32 to index
      %get3A_562 = arith.index_cast %mul3A_559 : i32 to index
      %get3A_563 = tpu.vector_load %arg19[%get3A_561, %get3A_562] {strides = array<i32>} : memref<16x256xf32, #tpu.memory_space<vmem>>, vector<16xf32>,
      %min3A_564 = arith.minimumf %min3A, %get3A_563 : vector<16xf32>
      %mul3A_565 = arith.constant 16 : i32
      %mul3A_566 = arith.muli %scan3A_545, %mul3A_565 : i32
      %get3A_567 = arith.constant 3 : i32
      %get3A_568 = arith.index_cast %get3A_567 : i32 to index
      %get3A_569 = arith.index_cast %mul3A_566 : i32 to index
      %get3A_570 = tpu.vector_load %arg19[%get3A_568, %get3A_569] {strides = array<i32>} : memref<16x256xf32, #tpu.memory_space<vmem>>, vector<16xf32>,
      %min3A_571 = arith.minimumf %min3A_564, %get3A_570 : vector<16xf32>
      %mul3A_572 = arith.constant 16 : i32
      %mul3A_573 = arith.muli %scan3A_545, %mul3A_572 : i32
      %get3A_574 = arith.constant 4 : i32
      %get3A_575 = arith.index_cast %get3A_574 : i32 to index
      %get3A_576 = arith.index_cast %mul3A_573 : i32 to index
      %get3A_577 = tpu.vector_load %arg19[%get3A_575, %get3A_576] {strides = array<i32>} : memref<16x256xf32, #tpu.memory_space<vmem>>, vector<16xf32>,
      %min3A_578 = arith.minimumf %min3A_571, %get3A_577 : vector<16xf32>
      %mul3A_579 = arith.constant 16 : i32
      %mul3A_580 = arith.muli %scan3A_545, %mul3A_579 : i32
      %get3A_581 = arith.constant 5 : i32
      %get3A_582 = arith.index_cast %get3A_581 : i32 to index
      %get3A_583 = arith.index_cast %mul3A_580 : i32 to index
      %get3A_584 = tpu.vector_load %arg19[%get3A_582, %get3A_583] {strides = array<i32>} : memref<16x256xf32, #tpu.memory_space<vmem>>, vector<16xf32>,
      %min3A_585 = arith.minimumf %min3A_578, %get3A_584 : vector<16xf32>
      %mul3A_586 = arith.constant 16 : i32
      %mul3A_587 = arith.muli %scan3A_545, %mul3A_586 : i32
      %get3A_588 = arith.constant 6 : i32
      %get3A_589 = arith.index_cast %get3A_588 : i32 to index
      %get3A_590 = arith.index_cast %mul3A_587 : i32 to index
      %get3A_591 = tpu.vector_load %arg19[%get3A_589, %get3A_590] {strides = array<i32>} : memref<16x256xf32, #tpu.memory_space<vmem>>, vector<16xf32>,
      %min3A_592 = arith.minimumf %min3A_585, %get3A_591 : vector<16xf32>
      %mul3A_593 = arith.constant 16 : i32
      %mul3A_594 = arith.muli %scan3A_545, %mul3A_593 : i32
      %get3A_595 = arith.constant 7 : i32
      %get3A_596 = arith.index_cast %get3A_595 : i32 to index
      %get3A_597 = arith.index_cast %mul3A_594 : i32 to index
      %get3A_598 = tpu.vector_load %arg19[%get3A_596, %get3A_597] {strides = array<i32>} : memref<16x256xf32, #tpu.memory_space<vmem>>, vector<16xf32>,
      %min3A_599 = arith.minimumf %min3A_592, %get3A_598 : vector<16xf32>
      %mul3A_600 = arith.constant 16 : i32
      %mul3A_601 = arith.muli %scan3A_545, %mul3A_600 : i32
      %get3A_602 = arith.constant 8 : i32
      %get3A_603 = arith.index_cast %get3A_602 : i32 to index
      %get3A_604 = arith.index_cast %mul3A_601 : i32 to index
      %get3A_605 = tpu.vector_load %arg19[%get3A_603, %get3A_604] {strides = array<i32>} : memref<16x256xf32, #tpu.memory_space<vmem>>, vector<16xf32>,
      %min3A_606 = arith.minimumf %min3A_599, %get3A_605 : vector<16xf32>
      %mul3A_607 = arith.constant 16 : i32
      %mul3A_608 = arith.muli %scan3A_545, %mul3A_607 : i32
      %get3A_609 = arith.constant 9 : i32
      %get3A_610 = arith.index_cast %get3A_609 : i32 to index
      %get3A_611 = arith.index_cast %mul3A_608 : i32 to index
      %get3A_612 = tpu.vector_load %arg19[%get3A_610, %get3A_611] {strides = array<i32>} : memref<16x256xf32, #tpu.memory_space<vmem>>, vector<16xf32>,
      %min3A_613 = arith.minimumf %min3A_606, %get3A_612 : vector<16xf32>
      %mul3A_614 = arith.constant 16 : i32
      %mul3A_615 = arith.muli %scan3A_545, %mul3A_614 : i32
      %get3A_616 = arith.constant 10 : i32
      %get3A_617 = arith.index_cast %get3A_616 : i32 to index
      %get3A_618 = arith.index_cast %mul3A_615 : i32 to index
      %get3A_619 = tpu.vector_load %arg19[%get3A_617, %get3A_618] {strides = array<i32>} : memref<16x256xf32, #tpu.memory_space<vmem>>, vector<16xf32>,
      %min3A_620 = arith.minimumf %min3A_613, %get3A_619 : vector<16xf32>
      %mul3A_621 = arith.constant 16 : i32
      %mul3A_622 = arith.muli %scan3A_545, %mul3A_621 : i32
      %get3A_623 = arith.constant 11 : i32
      %get3A_624 = arith.index_cast %get3A_623 : i32 to index
      %get3A_625 = arith.index_cast %mul3A_622 : i32 to index
      %get3A_626 = tpu.vector_load %arg19[%get3A_624, %get3A_625] {strides = array<i32>} : memref<16x256xf32, #tpu.memory_space<vmem>>, vector<16xf32>,
      %min3A_627 = arith.minimumf %min3A_620, %get3A_626 : vector<16xf32>
      %mul3A_628 = arith.constant 16 : i32
      %mul3A_629 = arith.muli %scan3A_545, %mul3A_628 : i32
      %get3A_630 = arith.constant 12 : i32
      %get3A_631 = arith.index_cast %get3A_630 : i32 to index
      %get3A_632 = arith.index_cast %mul3A_629 : i32 to index
      %get3A_633 = tpu.vector_load %arg19[%get3A_631, %get3A_632] {strides = array<i32>} : memref<16x256xf32, #tpu.memory_space<vmem>>, vector<16xf32>,
      %min3A_634 = arith.minimumf %min3A_627, %get3A_633 : vector<16xf32>
      %mul3A_635 = arith.constant 16 : i32
      %mul3A_636 = arith.muli %scan3A_545, %mul3A_635 : i32
      %get3A_637 = arith.constant 13 : i32
      %get3A_638 = arith.index_cast %get3A_637 : i32 to index
      %get3A_639 = arith.index_cast %mul3A_636 : i32 to index
      %get3A_640 = tpu.vector_load %arg19[%get3A_638, %get3A_639] {strides = array<i32>} : memref<16x256xf32, #tpu.memory_space<vmem>>, vector<16xf32>,
      %min3A_641 = arith.minimumf %min3A_634, %get3A_640 : vector<16xf32>
      %mul3A_642 = arith.constant 16 : i32
      %mul3A_643 = arith.muli %scan3A_545, %mul3A_642 : i32
      %get3A_644 = arith.constant 14 : i32
      %get3A_645 = arith.index_cast %get3A_644 : i32 to index
      %get3A_646 = arith.index_cast %mul3A_643 : i32 to index
      %get3A_647 = tpu.vector_load %arg19[%get3A_645, %get3A_646] {strides = array<i32>} : memref<16x256xf32, #tpu.memory_space<vmem>>, vector<16xf32>,
      %min3A_648 = arith.minimumf %min3A_641, %get3A_647 : vector<16xf32>
      %mul3A_649 = arith.constant 16 : i32
      %mul3A_650 = arith.muli %scan3A_545, %mul3A_649 : i32
      %get3A_651 = arith.constant 15 : i32
      %get3A_652 = arith.index_cast %get3A_651 : i32 to index
      %get3A_653 = arith.index_cast %mul3A_650 : i32 to index
      %get3A_654 = tpu.vector_load %arg19[%get3A_652, %get3A_653] {strides = array<i32>} : memref<16x256xf32, #tpu.memory_space<vmem>>, vector<16xf32>,
      %min3A_655 = arith.minimumf %min3A_648, %get3A_654 : vector<16xf32>
      %mul3A_656 = arith.constant 16 : i32
      %mul3A_657 = arith.muli %scan3A_545, %mul3A_656 : i32
      %swap3A_658 = arith.index_cast %mul3A_657 : i32 to index
      %swap3A_659 = tpu.vector_load %arg20[%swap3A_658] {strides = array<i32>} : memref<256xf32, #tpu.memory_space<vmem>>, vector<16xf32>,
      tpu.vector_store %arg20[%swap3A_658], %min3A_655 {strides = array<i32>} : memref<256xf32, #tpu.memory_space<vmem>>, vector<16xf32>,
      %scan3A_660 = arith.constant 0 : i32
      scf.yield %scan3A_660 : i32
    }
    %scan3A_542 = arith.constant 16 : i32
    %mul3A_543 = arith.constant 256 : i32
    %mul3A_544 = arith.muli %arg1, %mul3A_543 : i32
    "tpu.region"() ({
      %run_scoped3A = tpu.sem_alloc : memref<!tpu.dma_semaphore, #tpu.memory_space<semaphore_mem>>
      %dma_start3A = tpu.memref_slice %arg9[%arg0, %mul3A_544] : memref<2x4096xf32, #tpu.memory_space<hbm>> -> memref<1x256xf32, #tpu.memory_space<hbm>>
      %dma_start3A_545 = tpu.memref_squeeze %dma_start3A : memref<1x256xf32, #tpu.memory_space<hbm>> -> memref<256xf32, #tpu.memory_space<hbm>>
      %dma_start3A_546 = tpu.memref_slice %arg9[%arg0, %mul3A_544] : memref<2x4096xf32, #tpu.memory_space<hbm>> -> memref<1x256xf32, #tpu.memory_space<hbm>>
      %dma_start3A_547 = tpu.memref_squeeze %dma_start3A_546 : memref<1x256xf32, #tpu.memory_space<hbm>> -> memref<256xf32, #tpu.memory_space<hbm>>
      tpu.enqueue_dma source(%arg20 : memref<256xf32, #tpu.memory_space<vmem>>) target(%dma_start3A_547 : memref<256xf32, #tpu.memory_space<hbm>>) target_semaphore(%run_scoped3A : memref<!tpu.dma_semaphore, #tpu.memory_space<semaphore_mem>>)
      %dma_wait3A = tpu.memref_slice %arg9[%arg0, %mul3A_544] : memref<2x4096xf32, #tpu.memory_space<hbm>> -> memref<1x256xf32, #tpu.memory_space<hbm>>
      %dma_wait3A_548 = tpu.memref_squeeze %dma_wait3A : memref<1x256xf32, #tpu.memory_space<hbm>> -> memref<256xf32, #tpu.memory_space<hbm>>
      %dma_wait3A_549 = tpu.memref_slice %arg9[%arg0, %mul3A_544] : memref<2x4096xf32, #tpu.memory_space<hbm>> -> memref<1x256xf32, #tpu.memory_space<hbm>>
      %dma_wait3A_550 = tpu.memref_squeeze %dma_wait3A_549 : memref<1x256xf32, #tpu.memory_space<hbm>> -> memref<256xf32, #tpu.memory_space<hbm>>
      tpu.wait_dma2 semaphore(%run_scoped3A : memref<!tpu.dma_semaphore, #tpu.memory_space<semaphore_mem>>) src(%arg20 : memref<256xf32, #tpu.memory_space<vmem>>) dst(%dma_wait3A_550 : memref<256xf32, #tpu.memory_space<hbm>>)
      tpu.yield
    }) : () -> ()
    return
  }
}

module attributes {stable_mosaic.version = 14 : i64} {
  func.func @_tc_main_body(%arg0: i32, %arg1: memref<1x3x1024xf32, #tpu.memory_space<vmem>>, %arg2: memref<1x3x4096xf32, #tpu.memory_space<vmem>>, %arg3: memref<1x1x4096xf32, #tpu.memory_space<vmem>>, %arg4: memref<1x1x128xf32, #tpu.memory_space<vmem>>) attributes {dimension_semantics = [#tpu.dimension_semantics<arbitrary>], iteration_bounds = array<i64: 12>, scalar_prefetch = 0 : i64, scratch_operands = 0 : i64, tpu.core_type = #tpu.core_type<tc>, window_params = [{transform_indices = @transform_0, window_bounds = array<i64: 1, 3, 1024>}, {transform_indices = @transform_1, window_bounds = array<i64: 1, 3, 4096>}, {transform_indices = @transform_2, window_bounds = array<i64: 1, 1, 4096>}, {transform_indices = @transform_3, window_bounds = array<i64: 1, 1, 128>}]} {
    %add3A = arith.constant 4 : i32
    %add3A_0 = arith.addi %arg0, %add3A : i32
    %jit3A = arith.constant 4 : i32
    %eq3A = arith.constant 0 : i32
    %eq3A_1 = arith.cmpi eq, %jit3A, %eq3A : i32
    %jit3A_2 = arith.constant 1 : i32
    %select_n3A = arith.select %eq3A_1, %jit3A_2, %jit3A : i32
    %rem3A = arith.remsi %add3A_0, %select_n3A : i32
    %ne3A = arith.constant 0 : i32
    %ne3A_3 = arith.cmpi ne, %rem3A, %ne3A : i32
    %lt3A = arith.constant 0 : i32
    %lt3A_4 = arith.cmpi slt, %rem3A, %lt3A : i32
    %lt3A_5 = arith.constant 0 : i32
    %lt3A_6 = arith.cmpi slt, %select_n3A, %lt3A_5 : i32
    %ne3A_7 = arith.xori %lt3A_4, %lt3A_6 : i1
    %and3A = arith.andi %ne3A_7, %ne3A_3 : i1
    %add3A_8 = arith.addi %rem3A, %select_n3A : i32
    %select_n3A_9 = arith.select %and3A, %add3A_8, %rem3A : i32
    %get3A = arith.constant 0 : index
    %get3A_10 = arith.constant 0 : index
    %get3A_11 = arith.constant 0 : index
    %get3A_12 = vector.load %arg1[%get3A, %get3A_10, %get3A_11] : memref<1x3x1024xf32, #tpu.memory_space<vmem>>, vector<1x3x1024xf32>
    %get3A_13 = vector.shape_cast %get3A_12 : vector<1x3x1024xf32> to vector<3x1024xf32>
    %get3A_14 = arith.constant 0 : index
    %get3A_15 = arith.constant 0 : index
    %get3A_16 = arith.constant 0 : index
    %get3A_17 = vector.load %arg2[%get3A_14, %get3A_15, %get3A_16] : memref<1x3x4096xf32, #tpu.memory_space<vmem>>, vector<1x3x4096xf32>
    %get3A_18 = vector.shape_cast %get3A_17 : vector<1x3x4096xf32> to vector<3x4096xf32>
    %slice3A = vector.extract_strided_slice %get3A_13 {offsets = [0, 0], sizes = [1, 1024], strides = [1, 1]} : vector<3x1024xf32> to vector<1x1024xf32>
    %squeeze3A = vector.shape_cast %slice3A : vector<1x1024xf32> to vector<1024xf32>
    %slice3A_19 = vector.extract_strided_slice %get3A_13 {offsets = [0, 0], sizes = [1, 1024], strides = [1, 1]} : vector<3x1024xf32> to vector<1x1024xf32>
    %squeeze3A_20 = vector.shape_cast %slice3A_19 : vector<1x1024xf32> to vector<1024xf32>
    %mul3A = arith.mulf %squeeze3A, %squeeze3A_20 : vector<1024xf32>
    %slice3A_21 = vector.extract_strided_slice %get3A_13 {offsets = [1, 0], sizes = [1, 1024], strides = [1, 1]} : vector<3x1024xf32> to vector<1x1024xf32>
    %squeeze3A_22 = vector.shape_cast %slice3A_21 : vector<1x1024xf32> to vector<1024xf32>
    %slice3A_23 = vector.extract_strided_slice %get3A_13 {offsets = [1, 0], sizes = [1, 1024], strides = [1, 1]} : vector<3x1024xf32> to vector<1x1024xf32>
    %squeeze3A_24 = vector.shape_cast %slice3A_23 : vector<1x1024xf32> to vector<1024xf32>
    %mul3A_25 = arith.mulf %squeeze3A_22, %squeeze3A_24 : vector<1024xf32>
    %add3A_26 = arith.addf %mul3A, %mul3A_25 : vector<1024xf32>
    %slice3A_27 = vector.extract_strided_slice %get3A_13 {offsets = [2, 0], sizes = [1, 1024], strides = [1, 1]} : vector<3x1024xf32> to vector<1x1024xf32>
    %squeeze3A_28 = vector.shape_cast %slice3A_27 : vector<1x1024xf32> to vector<1024xf32>
    %slice3A_29 = vector.extract_strided_slice %get3A_13 {offsets = [2, 0], sizes = [1, 1024], strides = [1, 1]} : vector<3x1024xf32> to vector<1x1024xf32>
    %squeeze3A_30 = vector.shape_cast %slice3A_29 : vector<1x1024xf32> to vector<1024xf32>
    %mul3A_31 = arith.mulf %squeeze3A_28, %squeeze3A_30 : vector<1024xf32>
    %add3A_32 = arith.addf %add3A_26, %mul3A_31 : vector<1024xf32>
    %slice3A_33 = vector.extract_strided_slice %get3A_18 {offsets = [0, 0], sizes = [1, 4096], strides = [1, 1]} : vector<3x4096xf32> to vector<1x4096xf32>
    %squeeze3A_34 = vector.shape_cast %slice3A_33 : vector<1x4096xf32> to vector<4096xf32>
    %slice3A_35 = vector.extract_strided_slice %get3A_18 {offsets = [0, 0], sizes = [1, 4096], strides = [1, 1]} : vector<3x4096xf32> to vector<1x4096xf32>
    %squeeze3A_36 = vector.shape_cast %slice3A_35 : vector<1x4096xf32> to vector<4096xf32>
    %mul3A_37 = arith.mulf %squeeze3A_34, %squeeze3A_36 : vector<4096xf32>
    %slice3A_38 = vector.extract_strided_slice %get3A_18 {offsets = [1, 0], sizes = [1, 4096], strides = [1, 1]} : vector<3x4096xf32> to vector<1x4096xf32>
    %squeeze3A_39 = vector.shape_cast %slice3A_38 : vector<1x4096xf32> to vector<4096xf32>
    %slice3A_40 = vector.extract_strided_slice %get3A_18 {offsets = [1, 0], sizes = [1, 4096], strides = [1, 1]} : vector<3x4096xf32> to vector<1x4096xf32>
    %squeeze3A_41 = vector.shape_cast %slice3A_40 : vector<1x4096xf32> to vector<4096xf32>
    %mul3A_42 = arith.mulf %squeeze3A_39, %squeeze3A_41 : vector<4096xf32>
    %add3A_43 = arith.addf %mul3A_37, %mul3A_42 : vector<4096xf32>
    %slice3A_44 = vector.extract_strided_slice %get3A_18 {offsets = [2, 0], sizes = [1, 4096], strides = [1, 1]} : vector<3x4096xf32> to vector<1x4096xf32>
    %squeeze3A_45 = vector.shape_cast %slice3A_44 : vector<1x4096xf32> to vector<4096xf32>
    %slice3A_46 = vector.extract_strided_slice %get3A_18 {offsets = [2, 0], sizes = [1, 4096], strides = [1, 1]} : vector<3x4096xf32> to vector<1x4096xf32>
    %squeeze3A_47 = vector.shape_cast %slice3A_46 : vector<1x4096xf32> to vector<4096xf32>
    %mul3A_48 = arith.mulf %squeeze3A_45, %squeeze3A_47 : vector<4096xf32>
    %add3A_49 = arith.addf %add3A_43, %mul3A_48 : vector<4096xf32>
    %mul3A_50 = arith.constant -2.000000e+00 : f32
    %mul3A_51 = vector.broadcast %mul3A_50 : f32 to vector<3x1024xf32>
    %mul3A_52 = arith.mulf %get3A_13, %mul3A_51 : vector<3x1024xf32>
    %broadcast_in_dim3A = vector.shape_cast %add3A_32 : vector<1024xf32> to vector<1x1024xf32>
    %broadcast_in_dim3A_53 = arith.constant 1.000000e+00 : f32
    %broadcast_in_dim3A_54 = vector.broadcast %broadcast_in_dim3A_53 : f32 to vector<1x1024xf32>
    %concatenate3A = tpu.concatenate %mul3A_52, %broadcast_in_dim3A, %broadcast_in_dim3A_54 in 0 : vector<3x1024xf32>, vector<1x1024xf32>, vector<1x1024xf32> -> vector<5x1024xf32>
    %broadcast_in_dim3A_55 = arith.constant 1.000000e+00 : f32
    %broadcast_in_dim3A_56 = vector.broadcast %broadcast_in_dim3A_55 : f32 to vector<1x4096xf32>
    %broadcast_in_dim3A_57 = vector.shape_cast %add3A_49 : vector<4096xf32> to vector<1x4096xf32>
    %concatenate3A_58 = tpu.concatenate %get3A_18, %broadcast_in_dim3A_56, %broadcast_in_dim3A_57 in 0 : vector<3x4096xf32>, vector<1x4096xf32>, vector<1x4096xf32> -> vector<5x4096xf32>
    %dot_general3A = arith.constant dense<0.000000e+00> : vector<1024x4096xf32>
    %dot_general3A_59 = tpu.matmul %concatenate3A, %concatenate3A_58, %dot_general3A {dimension_numbers = #tpu.dot_dimension_numbers<[0], [0], [1], [1], [0, 1, 1, 1], [], []>, precision = #tpu.contract_precision<fp32>, transpose_lhs_hint = false} : vector<5x1024xf32>, vector<5x4096xf32>, vector<1024x4096xf32> -> vector<1024x4096xf32>
    %reduce_min3A = arith.constant dense<0x7F800000> : vector<1024xf32>
    %reduce_min3A_60 = vector.multi_reduction <minimumf>, %dot_general3A_59, %reduce_min3A [1] : vector<1024x4096xf32> to vector<1024xf32>
    %reduce_sum3A = vector.shape_cast %reduce_min3A_60 : vector<1024xf32> to vector<1x1024xf32>
    %reduce_sum3A_61 = arith.constant dense<0.000000e+00> : vector<1xf32>
    %reduce_sum3A_62 = vector.multi_reduction <add>, %reduce_sum3A, %reduce_sum3A_61 [1] : vector<1x1024xf32> to vector<1xf32>
    %reduce_sum3A_63 = vector.shape_cast %reduce_sum3A_62 : vector<1xf32> to vector<1x1xf32>
    %reduce_sum3A_64 = vector.extract %reduce_sum3A_63[0, 0] : f32 from vector<1x1xf32>
    %mul3A_65 = arith.constant 2.44140625E-4 : f32
    %mul3A_66 = arith.mulf %reduce_sum3A_64, %mul3A_65 : f32
    %reduce_min3A_67 = arith.constant dense<0x7F800000> : vector<4096xf32>
    %reduce_min3A_68 = vector.multi_reduction <minimumf>, %dot_general3A_59, %reduce_min3A_67 [0] : vector<1024x4096xf32> to vector<4096xf32>
    %broadcast_in_dim3A_69 = vector.shape_cast %reduce_min3A_68 : vector<4096xf32> to vector<1x4096xf32>
    %eq3A_70 = arith.constant 0 : i32
    %eq3A_71 = arith.cmpi eq, %select_n3A_9, %eq3A_70 : i32
    %eq3A_72 = arith.constant 0 : i32
    %eq3A_73 = arith.cmpi eq, %arg0, %eq3A_72 : i32
    %or3A = arith.ori %eq3A_71, %eq3A_73 : i1
    %convert_element_type3A = arith.extui %or3A : i1 to i32
    %cond3A = arith.constant 0 : i32
    %cond3A_74 = arith.cmpi ne, %convert_element_type3A, %cond3A : i32
    scf.if %cond3A_74 {
      %broadcast_in_dim3A_79 = vector.broadcast %mul3A_66 : f32 to vector<1x1x128xf32>
      %swap3A = arith.constant 0 : index
      %swap3A_80 = arith.constant 0 : index
      %swap3A_81 = arith.constant 0 : index
      %swap3A_82 = vector.load %arg4[%swap3A, %swap3A_80, %swap3A_81] : memref<1x1x128xf32, #tpu.memory_space<vmem>>, vector<1x1x128xf32>
      tpu.vector_store %arg4[%swap3A, %swap3A_80, %swap3A_81], %broadcast_in_dim3A_79 {strides = array<i32>} : memref<1x1x128xf32, #tpu.memory_space<vmem>>, vector<1x1x128xf32>,
      %broadcast_in_dim3A_83 = vector.shape_cast %broadcast_in_dim3A_69 : vector<1x4096xf32> to vector<1x1x4096xf32>
      %swap3A_84 = arith.constant 0 : index
      %swap3A_85 = arith.constant 0 : index
      %swap3A_86 = arith.constant 0 : index
      %swap3A_87 = vector.load %arg3[%swap3A_84, %swap3A_85, %swap3A_86] : memref<1x1x4096xf32, #tpu.memory_space<vmem>>, vector<1x1x4096xf32>
      tpu.vector_store %arg3[%swap3A_84, %swap3A_85, %swap3A_86], %broadcast_in_dim3A_83 {strides = array<i32>} : memref<1x1x4096xf32, #tpu.memory_space<vmem>>, vector<1x1x4096xf32>,
    } else {
    }
    %not3A = arith.constant true
    %not3A_75 = arith.xori %or3A, %not3A : i1
    %convert_element_type3A_76 = arith.extui %not3A_75 : i1 to i32
    %cond3A_77 = arith.constant 0 : i32
    %cond3A_78 = arith.cmpi ne, %convert_element_type3A_76, %cond3A_77 : i32
    scf.if %cond3A_78 {
      %get3A_79 = arith.constant 0 : index
      %get3A_80 = arith.constant 0 : index
      %get3A_81 = arith.constant 0 : index
      %get3A_82 = vector.load %arg4[%get3A_79, %get3A_80, %get3A_81] : memref<1x1x128xf32, #tpu.memory_space<vmem>>, vector<1x1x128xf32>
      %add3A_83 = vector.broadcast %mul3A_66 : f32 to vector<1x1x128xf32>
      %add3A_84 = arith.addf %get3A_82, %add3A_83 : vector<1x1x128xf32>
      %swap3A = arith.constant 0 : index
      %swap3A_85 = arith.constant 0 : index
      %swap3A_86 = arith.constant 0 : index
      %swap3A_87 = vector.load %arg4[%swap3A, %swap3A_85, %swap3A_86] : memref<1x1x128xf32, #tpu.memory_space<vmem>>, vector<1x1x128xf32>
      tpu.vector_store %arg4[%swap3A, %swap3A_85, %swap3A_86], %add3A_84 {strides = array<i32>} : memref<1x1x128xf32, #tpu.memory_space<vmem>>, vector<1x1x128xf32>,
      %get3A_88 = arith.constant 0 : index
      %get3A_89 = arith.constant 0 : index
      %get3A_90 = arith.constant 0 : index
      %get3A_91 = vector.load %arg3[%get3A_88, %get3A_89, %get3A_90] : memref<1x1x4096xf32, #tpu.memory_space<vmem>>, vector<1x1x4096xf32>
      %broadcast_in_dim3A_92 = vector.shape_cast %broadcast_in_dim3A_69 : vector<1x4096xf32> to vector<1x1x4096xf32>
      %min3A = arith.minimumf %get3A_91, %broadcast_in_dim3A_92 : vector<1x1x4096xf32>
      %swap3A_93 = arith.constant 0 : index
      %swap3A_94 = arith.constant 0 : index
      %swap3A_95 = arith.constant 0 : index
      %swap3A_96 = vector.load %arg3[%swap3A_93, %swap3A_94, %swap3A_95] : memref<1x1x4096xf32, #tpu.memory_space<vmem>>, vector<1x1x4096xf32>
      tpu.vector_store %arg3[%swap3A_93, %swap3A_94, %swap3A_95], %min3A {strides = array<i32>} : memref<1x1x4096xf32, #tpu.memory_space<vmem>>, vector<1x1x4096xf32>,
    } else {
    }
    return
  }
  func.func @transform_0(%arg0: i32) -> (i32, i32, i32) {
    %add3A = arith.constant 4 : i32
    %add3A_0 = arith.addi %arg0, %add3A : i32
    %jit3A = arith.constant 4 : i32
    %div3A = arith.divsi %add3A_0, %jit3A : i32
    %sign3A = arith.constant 0 : i32
    %sign3A_1 = arith.cmpi sgt, %add3A_0, %sign3A : i32
    %sign3A_2 = arith.extui %sign3A_1 : i1 to i32
    %sign3A_3 = arith.constant 0 : i32
    %sign3A_4 = arith.cmpi slt, %add3A_0, %sign3A_3 : i32
    %sign3A_5 = arith.extui %sign3A_4 : i1 to i32
    %sign3A_6 = arith.subi %sign3A_2, %sign3A_5 : i32
    %sign3A_7 = arith.constant 0 : i32
    %sign3A_8 = arith.cmpi sgt, %jit3A, %sign3A_7 : i32
    %sign3A_9 = arith.extui %sign3A_8 : i1 to i32
    %sign3A_10 = arith.constant 0 : i32
    %sign3A_11 = arith.cmpi slt, %jit3A, %sign3A_10 : i32
    %sign3A_12 = arith.extui %sign3A_11 : i1 to i32
    %sign3A_13 = arith.subi %sign3A_9, %sign3A_12 : i32
    %ne3A = arith.cmpi ne, %sign3A_6, %sign3A_13 : i32
    %rem3A = arith.remsi %add3A_0, %jit3A : i32
    %ne3A_14 = arith.constant 0 : i32
    %ne3A_15 = arith.cmpi ne, %rem3A, %ne3A_14 : i32
    %and3A = arith.andi %ne3A, %ne3A_15 : i1
    %sub3A = arith.constant 1 : i32
    %sub3A_16 = arith.subi %div3A, %sub3A : i32
    %select_n3A = arith.select %and3A, %sub3A_16, %div3A : i32
    %add3A_17 = arith.constant 4 : i32
    %add3A_18 = arith.addi %arg0, %add3A_17 : i32
    %jit3A_19 = arith.constant 4 : i32
    %eq3A = arith.constant 0 : i32
    %eq3A_20 = arith.cmpi eq, %jit3A_19, %eq3A : i32
    %jit3A_21 = arith.constant 1 : i32
    %select_n3A_22 = arith.select %eq3A_20, %jit3A_21, %jit3A_19 : i32
    %rem3A_23 = arith.remsi %add3A_18, %select_n3A_22 : i32
    %ne3A_24 = arith.constant 0 : i32
    %ne3A_25 = arith.cmpi ne, %rem3A_23, %ne3A_24 : i32
    %lt3A = arith.constant 0 : i32
    %lt3A_26 = arith.cmpi slt, %rem3A_23, %lt3A : i32
    %lt3A_27 = arith.constant 0 : i32
    %lt3A_28 = arith.cmpi slt, %select_n3A_22, %lt3A_27 : i32
    %ne3A_29 = arith.xori %lt3A_26, %lt3A_28 : i1
    %and3A_30 = arith.andi %ne3A_29, %ne3A_25 : i1
    %add3A_31 = arith.addi %rem3A_23, %select_n3A_22 : i32
    %select_n3A_32 = arith.select %and3A_30, %add3A_31, %rem3A_23 : i32
    %c0_i32 = arith.constant 0 : i32
    %c0_i32_33 = arith.constant 0 : i32
    return %select_n3A, %c0_i32, %select_n3A_32 : i32, i32, i32
  }
  func.func @transform_1(%arg0: i32) -> (i32, i32, i32) {
    %add3A = arith.constant 4 : i32
    %add3A_0 = arith.addi %arg0, %add3A : i32
    %jit3A = arith.constant 4 : i32
    %div3A = arith.divsi %add3A_0, %jit3A : i32
    %sign3A = arith.constant 0 : i32
    %sign3A_1 = arith.cmpi sgt, %add3A_0, %sign3A : i32
    %sign3A_2 = arith.extui %sign3A_1 : i1 to i32
    %sign3A_3 = arith.constant 0 : i32
    %sign3A_4 = arith.cmpi slt, %add3A_0, %sign3A_3 : i32
    %sign3A_5 = arith.extui %sign3A_4 : i1 to i32
    %sign3A_6 = arith.subi %sign3A_2, %sign3A_5 : i32
    %sign3A_7 = arith.constant 0 : i32
    %sign3A_8 = arith.cmpi sgt, %jit3A, %sign3A_7 : i32
    %sign3A_9 = arith.extui %sign3A_8 : i1 to i32
    %sign3A_10 = arith.constant 0 : i32
    %sign3A_11 = arith.cmpi slt, %jit3A, %sign3A_10 : i32
    %sign3A_12 = arith.extui %sign3A_11 : i1 to i32
    %sign3A_13 = arith.subi %sign3A_9, %sign3A_12 : i32
    %ne3A = arith.cmpi ne, %sign3A_6, %sign3A_13 : i32
    %rem3A = arith.remsi %add3A_0, %jit3A : i32
    %ne3A_14 = arith.constant 0 : i32
    %ne3A_15 = arith.cmpi ne, %rem3A, %ne3A_14 : i32
    %and3A = arith.andi %ne3A, %ne3A_15 : i1
    %sub3A = arith.constant 1 : i32
    %sub3A_16 = arith.subi %div3A, %sub3A : i32
    %select_n3A = arith.select %and3A, %sub3A_16, %div3A : i32
    %c0_i32 = arith.constant 0 : i32
    %c0_i32_17 = arith.constant 0 : i32
    %c0_i32_18 = arith.constant 0 : i32
    return %select_n3A, %c0_i32, %c0_i32_17 : i32, i32, i32
  }
  func.func @transform_2(%arg0: i32) -> (i32, i32, i32) {
    %add3A = arith.constant 4 : i32
    %add3A_0 = arith.addi %arg0, %add3A : i32
    %jit3A = arith.constant 4 : i32
    %div3A = arith.divsi %add3A_0, %jit3A : i32
    %sign3A = arith.constant 0 : i32
    %sign3A_1 = arith.cmpi sgt, %add3A_0, %sign3A : i32
    %sign3A_2 = arith.extui %sign3A_1 : i1 to i32
    %sign3A_3 = arith.constant 0 : i32
    %sign3A_4 = arith.cmpi slt, %add3A_0, %sign3A_3 : i32
    %sign3A_5 = arith.extui %sign3A_4 : i1 to i32
    %sign3A_6 = arith.subi %sign3A_2, %sign3A_5 : i32
    %sign3A_7 = arith.constant 0 : i32
    %sign3A_8 = arith.cmpi sgt, %jit3A, %sign3A_7 : i32
    %sign3A_9 = arith.extui %sign3A_8 : i1 to i32
    %sign3A_10 = arith.constant 0 : i32
    %sign3A_11 = arith.cmpi slt, %jit3A, %sign3A_10 : i32
    %sign3A_12 = arith.extui %sign3A_11 : i1 to i32
    %sign3A_13 = arith.subi %sign3A_9, %sign3A_12 : i32
    %ne3A = arith.cmpi ne, %sign3A_6, %sign3A_13 : i32
    %rem3A = arith.remsi %add3A_0, %jit3A : i32
    %ne3A_14 = arith.constant 0 : i32
    %ne3A_15 = arith.cmpi ne, %rem3A, %ne3A_14 : i32
    %and3A = arith.andi %ne3A, %ne3A_15 : i1
    %sub3A = arith.constant 1 : i32
    %sub3A_16 = arith.subi %div3A, %sub3A : i32
    %select_n3A = arith.select %and3A, %sub3A_16, %div3A : i32
    %c0_i32 = arith.constant 0 : i32
    %c0_i32_17 = arith.constant 0 : i32
    %c0_i32_18 = arith.constant 0 : i32
    return %select_n3A, %c0_i32, %c0_i32_17 : i32, i32, i32
  }
  func.func @transform_3(%arg0: i32) -> (i32, i32, i32) {
    %add3A = arith.constant 4 : i32
    %add3A_0 = arith.addi %arg0, %add3A : i32
    %jit3A = arith.constant 4 : i32
    %div3A = arith.divsi %add3A_0, %jit3A : i32
    %sign3A = arith.constant 0 : i32
    %sign3A_1 = arith.cmpi sgt, %add3A_0, %sign3A : i32
    %sign3A_2 = arith.extui %sign3A_1 : i1 to i32
    %sign3A_3 = arith.constant 0 : i32
    %sign3A_4 = arith.cmpi slt, %add3A_0, %sign3A_3 : i32
    %sign3A_5 = arith.extui %sign3A_4 : i1 to i32
    %sign3A_6 = arith.subi %sign3A_2, %sign3A_5 : i32
    %sign3A_7 = arith.constant 0 : i32
    %sign3A_8 = arith.cmpi sgt, %jit3A, %sign3A_7 : i32
    %sign3A_9 = arith.extui %sign3A_8 : i1 to i32
    %sign3A_10 = arith.constant 0 : i32
    %sign3A_11 = arith.cmpi slt, %jit3A, %sign3A_10 : i32
    %sign3A_12 = arith.extui %sign3A_11 : i1 to i32
    %sign3A_13 = arith.subi %sign3A_9, %sign3A_12 : i32
    %ne3A = arith.cmpi ne, %sign3A_6, %sign3A_13 : i32
    %rem3A = arith.remsi %add3A_0, %jit3A : i32
    %ne3A_14 = arith.constant 0 : i32
    %ne3A_15 = arith.cmpi ne, %rem3A, %ne3A_14 : i32
    %and3A = arith.andi %ne3A, %ne3A_15 : i1
    %sub3A = arith.constant 1 : i32
    %sub3A_16 = arith.subi %div3A, %sub3A : i32
    %select_n3A = arith.select %and3A, %sub3A_16, %div3A : i32
    %c0_i32 = arith.constant 0 : i32
    %c0_i32_17 = arith.constant 0 : i32
    %c0_i32_18 = arith.constant 0 : i32
    return %select_n3A, %c0_i32, %c0_i32_17 : i32, i32, i32
  }
}

module attributes {stable_mosaic.version = 14 : i64} {
  func.func @_tc_merge_body(%arg0: memref<4x1x4096xf32, #tpu.memory_space<vmem>>, %arg1: memref<4x1x128xf32, #tpu.memory_space<vmem>>, %arg2: memref<2x4096xf32, #tpu.memory_space<vmem>>, %arg3: memref<32x16xf32, #tpu.memory_space<vmem>>, %arg4: memref<4x128xf32, #tpu.memory_space<vmem>>) attributes {dimension_semantics = [], scalar_prefetch = 0 : i64, scratch_operands = 0 : i64, tpu.core_type = #tpu.core_type<tc>} {
    %get3A = arith.constant 0 : index
    %get3A_0 = arith.constant 0 : index
    %get3A_1 = arith.constant 0 : index
    %get3A_2 = vector.load %arg0[%get3A, %get3A_0, %get3A_1] : memref<4x1x4096xf32, #tpu.memory_space<vmem>>, vector<4x1x4096xf32>
    %get3A_3 = vector.shape_cast %get3A_2 : vector<4x1x4096xf32> to vector<4x4096xf32>
    %reduce_sum3A = arith.constant dense<0.000000e+00> : vector<4xf32>
    %reduce_sum3A_4 = vector.multi_reduction <add>, %get3A_3, %reduce_sum3A [1] : vector<4x4096xf32> to vector<4xf32>
    %div3A = arith.constant 4.096000e+03 : f32
    %div3A_5 = vector.broadcast %div3A : f32 to vector<4xf32>
    %div3A_6 = arith.divf %reduce_sum3A_4, %div3A_5 : vector<4xf32>
    %get3A_7 = arith.constant 0 : index
    %get3A_8 = arith.constant 0 : index
    %get3A_9 = arith.constant 0 : index
    %get3A_10 = vector.load %arg1[%get3A_7, %get3A_8, %get3A_9] : memref<4x1x128xf32, #tpu.memory_space<vmem>>, vector<4x1x1xf32>
    %get3A_11 = vector.shape_cast %get3A_10 : vector<4x1x1xf32> to vector<4xf32>
    %add3A = arith.addf %get3A_11, %div3A_6 : vector<4xf32>
    %get3A_12 = arith.constant 0 : index
    %get3A_13 = arith.constant 0 : index
    %get3A_14 = vector.load %arg2[%get3A_12, %get3A_13] : memref<2x4096xf32, #tpu.memory_space<vmem>>, vector<1x4096xf32>
    %get3A_15 = vector.shape_cast %get3A_14 : vector<1x4096xf32> to vector<4096xf32>
    %get3A_16 = arith.constant 1 : index
    %get3A_17 = arith.constant 0 : index
    %get3A_18 = vector.load %arg2[%get3A_16, %get3A_17] : memref<2x4096xf32, #tpu.memory_space<vmem>>, vector<1x4096xf32>
    %get3A_19 = vector.shape_cast %get3A_18 : vector<1x4096xf32> to vector<4096xf32>
    %min3A = arith.minimumf %get3A_15, %get3A_19 : vector<4096xf32>
    %get3A_20 = arith.constant 0 : index
    %get3A_21 = arith.constant 0 : index
    %get3A_22 = vector.load %arg3[%get3A_20, %get3A_21] : memref<32x16xf32, #tpu.memory_space<vmem>>, vector<32x16xf32>
    %reduce_sum3A_23 = vector.shape_cast %get3A_22 : vector<32x16xf32> to vector<1x32x16xf32>
    %reduce_sum3A_24 = arith.constant dense<0.000000e+00> : vector<1xf32>
    %reduce_sum3A_25 = vector.multi_reduction <add>, %reduce_sum3A_23, %reduce_sum3A_24 [1, 2] : vector<1x32x16xf32> to vector<1xf32>
    %reduce_sum3A_26 = vector.shape_cast %reduce_sum3A_25 : vector<1xf32> to vector<1x1x1xf32>
    %reduce_sum3A_27 = vector.extract %reduce_sum3A_26[0, 0, 0] : f32 from vector<1x1x1xf32>
    %reduce_sum3A_28 = vector.shape_cast %min3A : vector<4096xf32> to vector<1x4096xf32>
    %reduce_sum3A_29 = arith.constant dense<0.000000e+00> : vector<1xf32>
    %reduce_sum3A_30 = vector.multi_reduction <add>, %reduce_sum3A_28, %reduce_sum3A_29 [1] : vector<1x4096xf32> to vector<1xf32>
    %reduce_sum3A_31 = vector.shape_cast %reduce_sum3A_30 : vector<1xf32> to vector<1x1xf32>
    %reduce_sum3A_32 = vector.extract %reduce_sum3A_31[0, 0] : f32 from vector<1x1xf32>
    %div3A_33 = arith.constant 4.096000e+03 : f32
    %div3A_34 = arith.divf %reduce_sum3A_32, %div3A_33 : f32
    %add3A_35 = arith.addf %reduce_sum3A_27, %div3A_34 : f32
    %iota3A = tpu.iota {dimensions = array<i32: 1>} : vector<1x4xi32>
    %iota3A_36 = vector.shape_cast %iota3A : vector<1x4xi32> to vector<4xi32>
    %eq3A = arith.constant 0 : i32
    %eq3A_37 = vector.broadcast %eq3A : i32 to vector<4xi32>
    %eq3A_38 = arith.cmpi eq, %iota3A_36, %eq3A_37 : vector<4xi32>
    %broadcast_in_dim3A = vector.broadcast %add3A_35 : f32 to vector<4xf32>
    %select_n3A = arith.select %eq3A_38, %broadcast_in_dim3A, %add3A : vector<4xi1>, vector<4xf32>
    %broadcast_in_dim3A_39 = vector.shape_cast %select_n3A : vector<4xf32> to vector<4x1xf32>
    %broadcast_in_dim3A_40 = vector.shape_cast %broadcast_in_dim3A_39 : vector<4x1xf32> to vector<4x1xf32>
    %broadcast_in_dim3A_41 = vector.broadcast %broadcast_in_dim3A_40 : vector<4x1xf32> to vector<4x128xf32>
    %swap3A = arith.constant 0 : index
    %swap3A_42 = arith.constant 0 : index
    %swap3A_43 = vector.load %arg4[%swap3A, %swap3A_42] : memref<4x128xf32, #tpu.memory_space<vmem>>, vector<4x128xf32>
    tpu.vector_store %arg4[%swap3A, %swap3A_42], %broadcast_in_dim3A_41 {strides = array<i32>} : memref<4x128xf32, #tpu.memory_space<vmem>>, vector<4x128xf32>,
    return
  }
}

</mosaic_0001>

<sc_bundles>
// kernel: kernel.5.cloned.1.call-start
scs
__scs_entry_jumppad:
0x0: {  	(pc) =	sbr.rel $0x88, $3  }
0x1: {  	(tag) =	ssettag $0x0;
	lr =	simm.s32 $0x1  }
0x2: {  	[smem:$0x3F9F] =	sst lr;
	_ =	strace $0xD0000000  }
0x3: {  	_ = 	snop  }
0x4: {  	_ = 	snop  }
0x5: {  	_ = 	snop  }
0x6: {  	_ = 	snop  }
0x7: {  	_ = 	snop  }
__scs_overlays_trampoline_lowered:
0x8: {  	[smem:$0x3FAE] =	sst s0  }
0x9: {  	[smem:$0x3FAF] =	sst s1  }
0xa: {  	[smem:$0x3FB0] =	sst s2  }
0xb: {  	[smem:$0x3FB1] =	sst s3  }
0xc: {  	[smem:$0x3FB2] =	sst s4  }
0xd: {  	[smem:$0x3FB3] =	sst s5  }
0xe: {  	[smem:$0x3FB4] =	sst s6  }
0xf: {  	[smem:$0x3FB5] =	sst s7  }
0x10: {  	[smem:$0x3FB6] =	sst s8  }
0x11: {  	[smem:$0x3FB7] =	sst s9;
	s0 =	simm.s32 @!p0 $0x0  }
0x12: {  	s1 =	sld [smem:$0x3F9D];
	s0 =	simm.s32 @p0 $0x1  }
0x13: {  	[smem:$0x3FB8] =	sst s0;
	s0 =	simm.s32 @!p1 $0x0  }
0x14: {  	s2 =	sld [smem:$0x3F9C];
	s0 =	simm.s32 @p1 $0x1  }
0x15: {  	[smem:$0x3FB9] =	sst s0;
	s0 =	simm.s32 @!p2 $0x0  }
0x16: {  	s3 =	sld [smem:$0x3FDB];
	s0 =	simm.s32 @p2 $0x1  }
0x17: {  	s4 =	simm.s32 $0x1BF5;
	[smem:$0x3FBB] =	sst s0  }
0x18: {  	s0 =	sld [smem:$0x3F9E];
	_ =	swait.ge [sflag:s4], $0x0  }
0x19: {  	s7 =	sld [smem:$0x3F9F]  }
0x1a: {  	s8 =	sadd.s32 $0xFFFFE003, lr  }
0x1b: {  	s9 =	sadd.s32 $0xFFFFFEF7, lr;
	s5 =	simm.s32 $0xFFFFFFFF;
	p2 =	slt.u32 s8, $0xFFFFF086  }
0x1c: {  	p1 =	slt.u32 s9, $0xF7A;
	s5 =	simm.s32 @!p2 $0x0  }
0x1d: {  	s5 =	simm.s32 @p1 $0x1;
	p0 =	seq.s32 s7, s2  }
0x1e: {  	s7 =	smul.u32 @!p0 $0xF7A, s2;
	p2 =	seq.s32 @!p0 s5, $0x0  }
0x1f: {  	s9 =	smul.u32 $0xF7A, s1;
	s8 =	simm.s32 @!p0 $0x1BF5;
	p2 =	por !p2, p0  }
0x20: {  	[sflag:s8] =	ssyncset.s32 @!p0 $0xFFFFF086;
	s6 =	sadd.s32 @!p0 s3, s7;
	s7 =	simm.s32 @!p0 $0x108  }
0x21: {  	s3 =	sadd.s32 s3, s9;
	s6 =	sadd.s32 @!p0 $0x88, s6;
	s7 =	simm.s32 @p2 $0x1082  }
0x22: {  	[simem:s7], [sflag:s8] =	dma.local @!p0 [hbm:s6], $0xF7A  }
0x23: {  	s9 =	sor.u32 $0xD0000000, s2;
	s6 =	simm.s32 $0x108;
	_ =	swait.ge @!p0 [sflag:s8], $0x0  }
0x24: {  	s3 =	sadd.s32 $0x88, s3;
	s6 =	simm.s32 @!p1 $0x1082;
	[sflag:s4] =	ssyncset.s32 $0xFFFFF086  }
0x25: {  	[simem:s6], [sflag:s4] =	dma.local [hbm:s3], $0xF7A  }
0x26: {  	[smem:$0x3F9F] =	sst s1;
	(tag) =	ssettag s2;
	_ =	strace s9  }
0x27: {  	s1 =	sld [smem:$0x3FAF]  }
0x28: {  	s2 =	sld [smem:$0x3FB0]  }
0x29: {  	s4 =	sld [smem:$0x3FB2]  }
0x2a: {  	p0 =	seq.s32 s5, $0x0;
	s5 =	sld [smem:$0x3FB3]  }
0x2b: {  	s6 =	sld [smem:$0x3FB4]  }
0x2c: {  	s7 =	sld [smem:$0x3FB5]  }
0x2d: {  	s3 =	simm.s32 $0x108;
	s8 =	sld [smem:$0x3FB6]  }
0x2e: {  	s3 =	simm.s32 @!p0 $0x1082;
	s9 =	sld [smem:$0x3FB7]  }
0x2f: {  	lr =	sadd.s32 s0, s3;
	s0 =	sld [smem:$0x3FAE]  }
0x30: {  	s3 =	sld [smem:$0x3FB1]  }
0x31: {  	[smem:$0x3FBA] =	sst s10  }
0x32: {  	s10 =	sld [smem:$0x3FB8];
	_ =	sdelay $0x3  }
0x33: {  	p0 =	seq.s32 s10, $0x1;
	s10 =	sld [smem:$0x3FBA];
	_ =	sdelay $0x3  }
0x34: {  	[smem:$0x3FBA] =	sst s10  }
0x35: {  	s10 =	sld [smem:$0x3FB9];
	_ =	sdelay $0x3  }
0x36: {  	p1 =	seq.s32 s10, $0x1;
	s10 =	sld [smem:$0x3FBA];
	_ =	sdelay $0x3  }
0x37: {  	[smem:$0x3FBA] =	sst s10  }
0x38: {  	s10 =	sld [smem:$0x3FBB]  }
0x39: {  	_ = 	snop;
	(pc) =	sbr.ind lr, $3  }
0x3a: {  	_ = 	snop  }
0x3b: {  	_ = 	snop  }
0x3c: {  	p2 =	seq.s32 s10, $0x1;
	s10 =	sld [smem:$0x3FBA]  }
0x3d: {  	_ =	shalt  }
0x3e: {  	_ =	shalt  }
0x3f: {  	_ =	shalt  }
0x40: {  	_ =	shalt  }
0x41: {  	_ =	shalt  }
0x42: {  	_ =	shalt  }
0x43: {  	_ =	shalt  }
0x44: {  	_ =	shalt  }
0x45: {  	_ =	shalt  }
0x46: {  	_ =	shalt  }
0x47: {  	_ =	shalt  }
0x48: {  	_ =	shalt  }
0x49: {  	_ =	shalt  }
0x4a: {  	_ =	shalt  }
0x4b: {  	_ =	shalt  }
0x4c: {  	_ =	shalt  }
0x4d: {  	_ =	shalt  }
0x4e: {  	_ =	shalt  }
0x4f: {  	_ =	shalt  }
0x50: {  	_ =	shalt  }
0x51: {  	_ =	shalt  }
0x52: {  	_ =	shalt  }
0x53: {  	_ =	shalt  }
0x54: {  	_ =	shalt  }
0x55: {  	_ =	shalt  }
0x56: {  	_ =	shalt  }
0x57: {  	_ =	shalt  }
0x58: {  	_ =	shalt  }
0x59: {  	_ =	shalt  }
0x5a: {  	_ =	shalt  }
0x5b: {  	_ =	shalt  }
0x5c: {  	_ =	shalt  }
0x5d: {  	_ =	shalt  }
0x5e: {  	_ =	shalt  }
0x5f: {  	_ =	shalt  }
0x60: {  	_ =	shalt  }
0x61: {  	_ =	shalt  }
0x62: {  	_ =	shalt  }
0x63: {  	_ =	shalt  }
0x64: {  	_ =	shalt  }
0x65: {  	_ =	shalt  }
0x66: {  	_ =	shalt  }
0x67: {  	_ =	shalt  }
0x68: {  	_ =	shalt  }
0x69: {  	_ =	shalt  }
0x6a: {  	_ =	shalt  }
0x6b: {  	_ =	shalt  }
0x6c: {  	_ =	shalt  }
0x6d: {  	_ =	shalt  }
0x6e: {  	_ =	shalt  }
0x6f: {  	_ =	shalt  }
0x70: {  	_ =	shalt  }
0x71: {  	_ =	shalt  }
0x72: {  	_ =	shalt  }
0x73: {  	_ =	shalt  }
0x74: {  	_ =	shalt  }
0x75: {  	_ =	shalt  }
0x76: {  	_ =	shalt  }
0x77: {  	_ =	shalt  }
0x78: {  	_ =	shalt  }
0x79: {  	_ =	shalt  }
0x7a: {  	_ =	shalt  }
0x7b: {  	_ =	shalt  }
0x7c: {  	_ =	shalt  }
0x7d: {  	_ =	shalt  }
0x7e: {  	_ =	shalt  }
0x7f: {  	_ =	shalt  }
0x80: {  	_ =	shalt  }
0x81: {  	_ =	shalt  }
0x82: {  	_ =	shalt  }
0x83: {  	_ =	shalt  }
0x84: {  	_ =	shalt  }
0x85: {  	_ =	shalt  }
0x86: {  	_ =	shalt  }
0x87: {  	_ =	shalt  }
.Lfunc_end0:
.L_simem_size_0:
called_computation_lowered:
.L_overlay_start_0:
0x88: {  	s2 =	sld [smem:$0x3FD9]  }
0x89: {  	s3 =	sld [smem:$0x3FFE];
	_ =	sdelay $0x1  }
0x8a: {  	s1 =	srdreg.scid  }
0x8b: {  	s0 =	sand.u32 $0x1, s1  }
0x8c: {  	s16 =	sshll.u32 s0, $0xA;
	s2 =	sadd.s32 s3, s2  }
0x8d: {  	s2 =	sadd.s32 s2, s16  }
0x8e: {  	[smem:$0x3FC6] =	sst s2  }
0x8f: {  	_ = 	snop  }
0x90: {  	(tm) =	ssettm $0x1  }
0x91: {  	s17 =	sld [smem:$0x3FFB];
	_ =	sdelay $0x3  }
0x92: {  	_ =	strace s17  }
0x93: {  	s2 =	sld [smem:$0x3FFC];
	_ =	sdelay $0x3  }
0x94: {  	_ =	strace s2  }
0x95: {  	s2 =	sld [smem:$0x3FFD];
	_ =	sdelay $0x3  }
0x96: {  	_ =	strace s2  }
0x97: {  	_ =	strace $0x8FFFFFFF  }
0x98: {  	s18 =	sld [smem:$0x3FDB];
	_ =	sdelay $0x1  }
0x99: {  	s19 =	simm.s32 $_scs_section_size  }
0x9a: {  	s4 =	simm.s32 $_size__tile_overlayer_lowered;
	s5 =	simm.s32 $_tile_overlayer_lowered  }
0x9b: {  	s22 =	simm.s32 $0x1BFF;
	s21 =	sshll.u32 s5, $0x1;
	s2 =	sadd.s32 s19, s18  }
0x9c: {  	s6 =	simm.s32 $0x0;
	s20 =	sshll.u32 s4, $0x1;
	s4 =	sadd.s32 s21, s2  }
0x9d: {  	[timem:s6], [sflag:s22] =	dma.local [hbm:s4], s20  }
0x9e: {  	_ =	swait.ge [sflag:s22], s20  }
0x9f: {  	s3 =	ssub.s32 $0x0, s20;
	[sflag:s22] =	ssyncset.done $0x0  }
0xa0: {  	[sflag:s22] =	ssyncadd.s32 s3;
	_ =	sdelay $0x1  }
0xa1: {  	s23 =	simm.s32 $0x1B8B  }
0xa2: {  	_ =	swait.ge [sflag:s23], $0x1  }
0xa3: {  	[sflag:s23] =	ssyncset.done $0x0  }
0xa4: {  	s25 =	simm.s32 $0x1B8E;
	s24 =	sld [smem:$0x3FFE];
	[sflag:s23] =	ssyncadd.s32 $0xFFFFFFFF  }
0xa5: {  	s26 =	simm.s32 $execute0_lowered;
	[smem:$0x3FD2] =	sst s25  }
0xa6: {  	s4 =	sshll.u32 s26, $0x1;
	_ =	strace $0x80000046;
	[dreg:$0x1] =	wrdreg $0xFFFFFFFF  }
0xa7: {  	s28 =	simm.s32 $_size_execute0_lowered;
	s2 =	sadd.s32 s2, s4;
	[dreg:$0x0] =	wrdreg $0x0  }
0xa8: {  	s4 =	sshll.u32 s28, $0x1;
	[dreg:$0x2] =	wrdreg s2  }
0xa9: {  	[dreg:$0x3] =	wrdreg s4  }
0xaa: {  	[dreg:$0x4] =	wrdreg $0xC0  }
0xab: {  	_ =	task [dreg:s6], $0x5FFFF  }
0xac: {  	[dreg:$0x1] =	wrdreg $0xFFFFFFFF  }
0xad: {  	[dreg:$0x0] =	wrdreg $0x60  }
0xae: {  	[dreg:$0x2] =	wrdreg s24  }
0xaf: {  	[dreg:$0x3] =	wrdreg $0x5B000  }
0xb0: {  	[dreg:$0x4] =	wrdreg $0x9  }
0xb1: {  	_ =	task.clear_ibuf [dreg:s6], $0x5FFFF;
	_ =	strace $0x90000046  }
0xb2: {  	s29 =	simm.s32 $0x9;
	_ =	strace $0x80000048  }
0xb3: {  	_ =	swait.ge [sflag:s29], $0x1  }
0xb4: {  	[sflag:s29] =	ssyncadd.s32 $0xFFFFFFFF  }
0xb5: {  	_ =	strace $0x90000048  }
0xb6: {  	_ =	sfence  }
0xb7: {  	s30 =	sld [smem:$0x0];
	_ =	sdelay $0x2  }
0xb8: {  	s31 =	sshll.u32 s1, $0xD;
	s1 =	sshrl.u32 s1, $0x2  }
0xb9: {  	s3 =	sand.u32 $0x4000, s31;
	s1 =	sadd.s32 s1, s30  }
0xba: {  	s0 =	sor.u32 s3, s0;
	s1 =	sshll.u32 s1, $0x11  }
0xbb: {  	s0 =	sor.u32 s1, s0  }
0xbc: {  	s0 =	sadd.s32 $0x8F2B, s0  }
0xbd: {  	[sflag:s0] =	ssyncadd.remote.s32 $0x1  }
0xbe: {  	_ =	sfence.sel $0xFFFF  }
0xbf: {  	[dreg:$0x0] =	wrdreg $0xFFFFFFFF;
	(pc) =	sbr.abs _section_cstart, $3  }
0xc0: {  	[dreg:$0x1] =	wrdreg $0xFFFFFFFF  }
0xc1: {  	_ =	task.clear_ibuf [dreg:s6], $0x2FFFF;
	_ =	strace $0x9FFFFFFF  }
0xc2: {  	(tm) =	ssettm $0x7FFFFFFF  }
0xc3: {  	_ =	shalt  }
tec
execute0_lowered:
.L_overlay_start_1:
0x0: {  	(tag) =	ssettag $0x1  }
0x1: {  	v0 =	vlaneseq.u32  }
0x2: {  	v0 =	vmul.u32 $0x10, v0;
	_ =	sdelay $0x1  }
0x3: {  	v1 =	vor.u32 $0x1, v0  }
0x4: {  	[tilespmem:$0x1FC00] =	vst v1;
	v1 =	vor.u32 $0x2, v0  }
0x5: {  	[tilespmem:$0x1FC10] =	vst v1;
	v1 =	vor.u32 $0x3, v0  }
0x6: {  	[tilespmem:$0x1FC20] =	vst v1;
	v1 =	vor.u32 $0x4, v0  }
0x7: {  	[tilespmem:$0x1FC30] =	vst v1;
	v1 =	vor.u32 $0x5, v0  }
0x8: {  	[tilespmem:$0x1FC40] =	vst v1;
	v1 =	vor.u32 $0x6, v0  }
0x9: {  	[tilespmem:$0x1FC50] =	vst v1;
	v1 =	vor.u32 $0x7, v0  }
0xa: {  	[tilespmem:$0x1FC60] =	vst v1;
	v1 =	vor.u32 $0x8, v0  }
0xb: {  	[tilespmem:$0x1FC70] =	vst v1;
	v1 =	vor.u32 $0x9, v0  }
0xc: {  	[tilespmem:$0x1FC80] =	vst v1;
	v1 =	vor.u32 $0xA, v0  }
0xd: {  	[tilespmem:$0x1FC90] =	vst v1;
	v1 =	vor.u32 $0xB, v0  }
0xe: {  	[tilespmem:$0x1FCA0] =	vst v1;
	v1 =	vor.u32 $0xC, v0  }
0xf: {  	[tilespmem:$0x1FCB0] =	vst v1;
	v1 =	vor.u32 $0xD, v0  }
0x10: {  	[tilespmem:$0x1FCC0] =	vst v1;
	v1 =	vor.u32 $0xE, v0  }
0x11: {  	[tilespmem:$0x1FCD0] =	vst v1;
	v1 =	vor.u32 $0xF, v0  }
0x12: {  	[tilespmem:$0x1FCE0] =	vst v1;
	v1 =	vor.u32 $0x100, v0  }
0x13: {  	[tilespmem:$0x1FCF0] =	vst v1;
	v1 =	vor.u32 $0x101, v0  }
0x14: {  	[tilespmem:$0x1FD00] =	vst v1;
	v1 =	vor.u32 $0x102, v0  }
0x15: {  	s0 =	rddreg [dreg:$0x0];
	s1 =	simm.s32 $0x0;
	[tilespmem:$0x1FD10] =	vst v1;
	v1 =	vor.u32 $0x103, v0  }
0x16: {  	[smem:$0x7FF] =	sst s1;
	[tilespmem:$0x1FD20] =	vst v1;
	v1 =	vor.u32 $0x104, v0  }
0x17: {  	s11 =	rddreg [dreg:$0x1];
	_ =	strace $0x80000047;
	[tilespmem:$0x1FD30] =	vst v1  }
0x18: {  	v1 =	vor.u32 $0x105, v0;
	[tilespmem:$0x1FFE0] =	vst v0  }
0x19: {  	[tilespmem:$0x1FD40] =	vst v1;
	v1 =	vor.u32 $0x106, v0  }
0x1a: {  	[tilespmem:$0x1FD50] =	vst v1;
	v1 =	vor.u32 $0x107, v0  }
0x1b: {  	[tilespmem:$0x1FD60] =	vst v1;
	v1 =	vor.u32 $0x108, v0  }
0x1c: {  	[tilespmem:$0x1FD70] =	vst v1;
	v1 =	vor.u32 $0x109, v0  }
0x1d: {  	[tilespmem:$0x1FD80] =	vst v1;
	v1 =	vor.u32 $0x10A, v0  }
0x1e: {  	[tilespmem:$0x1FD90] =	vst v1;
	v1 =	vor.u32 $0x10B, v0  }
0x1f: {  	[tilespmem:$0x1FDA0] =	vst v1;
	v1 =	vor.u32 $0x10C, v0  }
0x20: {  	[tilespmem:$0x1FDB0] =	vst v1;
	v1 =	vor.u32 $0x10D, v0  }
0x21: {  	[tilespmem:$0x1FDC0] =	vst v1;
	v1 =	vor.u32 $0x10E, v0  }
0x22: {  	[tilespmem:$0x1FDD0] =	vst v1;
	v1 =	vor.u32 $0x10F, v0  }
0x23: {  	[tilespmem:$0x1FDE0] =	vst v1;
	v1 =	vor.u32 $0x200, v0  }
0x24: {  	[tilespmem:$0x1FDF0] =	vst v1;
	v1 =	vor.u32 $0x201, v0  }
0x25: {  	[tilespmem:$0x1FE00] =	vst v1;
	v1 =	vor.u32 $0x202, v0  }
0x26: {  	[tilespmem:$0x1FE10] =	vst v1;
	v1 =	vor.u32 $0x203, v0  }
0x27: {  	[tilespmem:$0x1FE20] =	vst v1;
	v1 =	vor.u32 $0x204, v0  }
0x28: {  	[tilespmem:$0x1FE30] =	vst v1;
	v1 =	vor.u32 $0x205, v0  }
0x29: {  	[tilespmem:$0x1FE40] =	vst v1;
	v1 =	vor.u32 $0x206, v0  }
0x2a: {  	[tilespmem:$0x1FE50] =	vst v1;
	v1 =	vor.u32 $0x207, v0  }
0x2b: {  	[tilespmem:$0x1FE60] =	vst v1;
	v1 =	vor.u32 $0x208, v0  }
0x2c: {  	[tilespmem:$0x1FE70] =	vst v1;
	v1 =	vor.u32 $0x209, v0  }
0x2d: {  	[tilespmem:$0x1FE80] =	vst v1;
	v1 =	vor.u32 $0x20A, v0  }
0x2e: {  	[tilespmem:$0x1FE90] =	vst v1;
	v1 =	vor.u32 $0x20B, v0  }
0x2f: {  	[tilespmem:$0x1FEA0] =	vst v1;
	v1 =	vor.u32 $0x20C, v0  }
0x30: {  	[tilespmem:$0x1FEB0] =	vst v1;
	v1 =	vor.u32 $0x20D, v0  }
0x31: {  	[tilespmem:$0x1FEC0] =	vst v1;
	v1 =	vor.u32 $0x20E, v0  }
0x32: {  	[tilespmem:$0x1FED0] =	vst v1;
	v1 =	vor.u32 $0x20F, v0  }
0x33: {  	[tilespmem:$0x1FEE0] =	vst v1;
	v1 =	vor.u32 $0x300, v0  }
0x34: {  	[tilespmem:$0x1FEF0] =	vst v1;
	v1 =	vor.u32 $0x301, v0  }
0x35: {  	s5 =	srdreg.scid;
	s3 =	stileid.u32;
	[tilespmem:$0x1FF00] =	vst v1;
	v1 =	vor.u32 $0x302, v0  }
0x36: {  	s16 =	simm.s32 $0x100;
	s17 =	simm.s32 $0x180;
	s18 =	simm.s32 $0x1180;
	[tilespmem:$0x1FF10] =	vst v1;
	v1 =	vor.u32 $0x303, v0  }
0x37: {  	s19 =	simm.s32 $0x2180;
	s20 =	simm.s32 $0x4180;
	s21 =	simm.s32 $0x5A80;
	[tilespmem:$0x1FF20] =	vst v1;
	v1 =	vor.u32 $0x304, v0  }
0x38: {  	s22 =	simm.s32 $0x400;
	s23 =	simm.s32 $0x3180;
	s24 =	simm.s32 $0x800;
	[tilespmem:$0x1FF30] =	vst v1;
	v1 =	vor.u32 $0x305, v0  }
0x39: {  	s25 =	simm.s32 $0x8000;
	s26 =	simm.s32 $0x4980;
	s28 =	simm.s32 $0x5980;
	[tilespmem:$0x1FF40] =	vst v1;
	v1 =	vor.u32 $0x306, v0  }
0x3a: {  	s2 =	sadd.s32 $0x1E00, s0;
	s4 =	sadd.s32 $0x1C00, s0;
	s5 =	sand.u32 $0x1, s5;
	[tilespmem:$0x1FF50] =	vst v1;
	v1 =	vor.u32 $0x307, v0  }
0x3b: {  	s6 =	sshll.u32 s3, $0x5;
	s31 =	sshll.u32 s3, $0xC;
	s12 =	sshll.u32 s3, $0x7;
	[tilespmem:$0x1FF60] =	vst v1;
	v1 =	vor.u32 $0x308, v0  }
0x3c: {  	s14 =	sshll.u32 s3, $0x6;
	s15 =	sshll.u32 s3, $0xB;
	s7 =	sshll.u32 s5, $0x4;
	[tilespmem:$0x1FF70] =	vst v1;
	v1 =	vor.u32 $0x309, v0  }
0x3d: {  	s8 =	ssub.s32 $0x2, s5;
	s5 =	sadd.s32 $0x1A00, s0;
	s6 =	sor.u32 s7, s6;
	[tilespmem:$0x1FF80] =	vst v1;
	v1 =	vor.u32 $0x30A, v0  }
0x3e: {  	s12 =	sand.u32 $0x380, s12;
	s9 =	sshrl.u32 s8, $0x1;
	s10 =	sadd.s32 s6, s0;
	[tilespmem:$0x1FF90] =	vst v1;
	v1 =	vor.u32 $0x30B, v0  }
0x3f: {  	s0 =	sadd.s32 s7, s0;
	s13 =	ssub.s32 s8, s9;
	s6 =	sadd.s32 $0x1800, s10;
	[tilespmem:$0x1FFA0] =	vst v1;
	v1 =	vor.u32 $0x30C, v0  }
0x40: {  	s7 =	sadd.s32 $0x1600, s10;
	s8 =	sadd.s32 $0x1400, s10;
	s9 =	sadd.s32 $0x2400, s10;
	[tilespmem:$0x1FFB0] =	vst v1;
	v1 =	vor.u32 $0x30D, v0  }
0x41: {  	s10 =	sand.u32 $0x8000, s31;
	s0 =	sadd.s32 s14, s0;
	s13 =	smax.u32 s13, $0x1;
	[tilespmem:$0x1FFC0] =	vst v1;
	v1 =	vor.u32 $0x30E, v0  }
0x42: {  	s14 =	simm.s32 $0x1;
	s10 =	sadd.s32 s10, s11;
	s11 =	sadd.s32 s15, s11;
	v0 =	vor.u32 $0x30F, v0;
	[tilespmem:$0x1FFD0] =	vst v1  }
0x43: {  	s15 =	simm.s32 $0x80;
	s10 =	sadd.s32 s12, s10;
	s12 =	sadd.s32 $0x2000, s0;
	[tilespmem:$0x1FFF0] =	vst v0;
	v1 =	vimm.f32 $+Inf  }
.LBB2_1:
0x44: {  	v0 =	vld [tilespmem:$0x1FFE0];
	_ =	sdelay $0x4  }
0x45: {  	[tilespmem:$0x4580] =	vst v0;
	v0 =	vld [tilespmem:$0x1FC00];
	_ =	sdelay $0x4  }
0x46: {  	[tilespmem:$0x4590] =	vst v0;
	v0 =	vld [tilespmem:$0x1FC10];
	_ =	sdelay $0x4  }
0x47: {  	[tilespmem:$0x45A0] =	vst v0;
	v0 =	vld [tilespmem:$0x1FC20];
	_ =	sdelay $0x4  }
0x48: {  	[tilespmem:$0x45B0] =	vst v0;
	v0 =	vld [tilespmem:$0x1FC30];
	_ =	sdelay $0x4  }
0x49: {  	[tilespmem:$0x45C0] =	vst v0;
	v0 =	vld [tilespmem:$0x1FC40];
	_ =	sdelay $0x4  }
0x4a: {  	[tilespmem:$0x45D0] =	vst v0;
	v0 =	vld [tilespmem:$0x1FC50];
	_ =	sdelay $0x4  }
0x4b: {  	[tilespmem:$0x45E0] =	vst v0;
	v0 =	vld [tilespmem:$0x1FC60];
	_ =	sdelay $0x4  }
0x4c: {  	[tilespmem:$0x45F0] =	vst v0;
	v0 =	vld [tilespmem:$0x1FC70];
	_ =	sdelay $0x4  }
0x4d: {  	[tilespmem:$0x4600] =	vst v0;
	v0 =	vld [tilespmem:$0x1FC80];
	_ =	sdelay $0x4  }
0x4e: {  	[tilespmem:$0x4610] =	vst v0;
	v0 =	vld [tilespmem:$0x1FC90];
	_ =	sdelay $0x4  }
0x4f: {  	[tilespmem:$0x4620] =	vst v0;
	v0 =	vld [tilespmem:$0x1FCA0];
	_ =	sdelay $0x4  }
0x50: {  	[tilespmem:$0x4630] =	vst v0;
	v0 =	vld [tilespmem:$0x1FCB0];
	_ =	sdelay $0x4  }
0x51: {  	[tilespmem:$0x4640] =	vst v0;
	v0 =	vld [tilespmem:$0x1FCC0];
	_ =	sdelay $0x4  }
0x52: {  	[tilespmem:$0x4650] =	vst v0;
	v0 =	vld [tilespmem:$0x1FCD0];
	_ =	sdelay $0x4  }
0x53: {  	[tilespmem:$0x4660] =	vst v0;
	v0 =	vld [tilespmem:$0x1FCE0];
	_ =	sdelay $0x4  }
0x54: {  	[tilespmem:$0x4670] =	vst v0;
	v0 =	vld [tilespmem:$0x1FCF0];
	_ =	sdelay $0x4  }
0x55: {  	[tilespmem:$0x4680] =	vst v0;
	v0 =	vld [tilespmem:$0x1FD00];
	_ =	sdelay $0x4  }
0x56: {  	[tilespmem:$0x4690] =	vst v0;
	v0 =	vld [tilespmem:$0x1FD10];
	_ =	sdelay $0x4  }
0x57: {  	[tilespmem:$0x46A0] =	vst v0;
	v0 =	vld [tilespmem:$0x1FD20];
	_ =	sdelay $0x4  }
0x58: {  	[tilespmem:$0x46B0] =	vst v0;
	v0 =	vld [tilespmem:$0x1FD30];
	_ =	sdelay $0x4  }
0x59: {  	[tilespmem:$0x46C0] =	vst v0;
	v0 =	vld [tilespmem:$0x1FD40];
	_ =	sdelay $0x4  }
0x5a: {  	[tilespmem:$0x46D0] =	vst v0;
	v0 =	vld [tilespmem:$0x1FD50];
	_ =	sdelay $0x4  }
0x5b: {  	[tilespmem:$0x46E0] =	vst v0;
	v0 =	vld [tilespmem:$0x1FD60];
	_ =	sdelay $0x4  }
0x5c: {  	[tilespmem:$0x46F0] =	vst v0;
	v0 =	vld [tilespmem:$0x1FD70];
	_ =	sdelay $0x4  }
0x5d: {  	[tilespmem:$0x4700] =	vst v0;
	v0 =	vld [tilespmem:$0x1FD80];
	_ =	sdelay $0x4  }
0x5e: {  	[tilespmem:$0x4710] =	vst v0;
	v0 =	vld [tilespmem:$0x1FD90];
	_ =	sdelay $0x4  }
0x5f: {  	[tilespmem:$0x4720] =	vst v0;
	v0 =	vld [tilespmem:$0x1FDA0];
	_ =	sdelay $0x4  }
0x60: {  	[tilespmem:$0x4730] =	vst v0;
	v0 =	vld [tilespmem:$0x1FDB0];
	_ =	sdelay $0x4  }
0x61: {  	[tilespmem:$0x4740] =	vst v0;
	v0 =	vld [tilespmem:$0x1FDC0];
	_ =	sdelay $0x4  }
0x62: {  	[tilespmem:$0x4750] =	vst v0;
	v0 =	vld [tilespmem:$0x1FDD0];
	_ =	sdelay $0x4  }
0x63: {  	[tilespmem:$0x4760] =	vst v0;
	v0 =	vld [tilespmem:$0x1FDE0];
	_ =	sdelay $0x4  }
0x64: {  	[tilespmem:$0x4770] =	vst v0;
	v0 =	vld [tilespmem:$0x1FDF0];
	_ =	sdelay $0x4  }
0x65: {  	[tilespmem:$0x4780] =	vst v0;
	v0 =	vld [tilespmem:$0x1FE00];
	_ =	sdelay $0x4  }
0x66: {  	[tilespmem:$0x4790] =	vst v0;
	v0 =	vld [tilespmem:$0x1FE10];
	_ =	sdelay $0x4  }
0x67: {  	[tilespmem:$0x47A0] =	vst v0;
	v0 =	vld [tilespmem:$0x1FE20];
	_ =	sdelay $0x4  }
0x68: {  	[tilespmem:$0x47B0] =	vst v0;
	v0 =	vld [tilespmem:$0x1FE30];
	_ =	sdelay $0x4  }
0x69: {  	[tilespmem:$0x47C0] =	vst v0;
	v0 =	vld [tilespmem:$0x1FE40];
	_ =	sdelay $0x4  }
0x6a: {  	[tilespmem:$0x47D0] =	vst v0;
	v0 =	vld [tilespmem:$0x1FE50];
	_ =	sdelay $0x4  }
0x6b: {  	[tilespmem:$0x47E0] =	vst v0;
	v0 =	vld [tilespmem:$0x1FE60];
	_ =	sdelay $0x4  }
0x6c: {  	[tilespmem:$0x47F0] =	vst v0;
	v0 =	vld [tilespmem:$0x1FE70];
	_ =	sdelay $0x4  }
0x6d: {  	[tilespmem:$0x4800] =	vst v0;
	v0 =	vld [tilespmem:$0x1FE80];
	_ =	sdelay $0x4  }
0x6e: {  	[tilespmem:$0x4810] =	vst v0;
	v0 =	vld [tilespmem:$0x1FE90];
	_ =	sdelay $0x4  }
0x6f: {  	[tilespmem:$0x4820] =	vst v0;
	v0 =	vld [tilespmem:$0x1FEA0];
	_ =	sdelay $0x4  }
0x70: {  	[tilespmem:$0x4830] =	vst v0;
	v0 =	vld [tilespmem:$0x1FEB0];
	_ =	sdelay $0x4  }
0x71: {  	[tilespmem:$0x4840] =	vst v0;
	v0 =	vld [tilespmem:$0x1FEC0];
	_ =	sdelay $0x4  }
0x72: {  	[tilespmem:$0x4850] =	vst v0;
	v0 =	vld [tilespmem:$0x1FED0];
	_ =	sdelay $0x4  }
0x73: {  	[tilespmem:$0x4860] =	vst v0;
	v0 =	vld [tilespmem:$0x1FEE0];
	_ =	sdelay $0x4  }
0x74: {  	[tilespmem:$0x4870] =	vst v0;
	v0 =	vld [tilespmem:$0x1FEF0];
	_ =	sdelay $0x4  }
0x75: {  	[tilespmem:$0x4880] =	vst v0;
	v0 =	vld [tilespmem:$0x1FF00];
	_ =	sdelay $0x4  }
0x76: {  	[tilespmem:$0x4890] =	vst v0;
	v0 =	vld [tilespmem:$0x1FF10];
	_ =	sdelay $0x4  }
0x77: {  	[tilespmem:$0x48A0] =	vst v0;
	v0 =	vld [tilespmem:$0x1FF20];
	_ =	sdelay $0x4  }
0x78: {  	[tilespmem:$0x48B0] =	vst v0;
	v0 =	vld [tilespmem:$0x1FF30];
	_ =	sdelay $0x4  }
0x79: {  	[tilespmem:$0x48C0] =	vst v0;
	v0 =	vld [tilespmem:$0x1FF40];
	_ =	sdelay $0x4  }
0x7a: {  	[tilespmem:$0x48D0] =	vst v0;
	v0 =	vld [tilespmem:$0x1FF50];
	_ =	sdelay $0x4  }
0x7b: {  	[tilespmem:$0x48E0] =	vst v0;
	v0 =	vld [tilespmem:$0x1FF60];
	_ =	sdelay $0x4  }
0x7c: {  	[tilespmem:$0x48F0] =	vst v0;
	v0 =	vld [tilespmem:$0x1FF70];
	_ =	sdelay $0x4  }
0x7d: {  	[tilespmem:$0x4900] =	vst v0;
	v0 =	vld [tilespmem:$0x1FF80];
	_ =	sdelay $0x4  }
0x7e: {  	[tilespmem:$0x4910] =	vst v0;
	v0 =	vld [tilespmem:$0x1FF90];
	_ =	sdelay $0x4  }
0x7f: {  	[tilespmem:$0x4920] =	vst v0;
	v0 =	vld [tilespmem:$0x1FFA0];
	_ =	sdelay $0x4  }
0x80: {  	[tilespmem:$0x4930] =	vst v0;
	v0 =	vld [tilespmem:$0x1FFB0];
	_ =	sdelay $0x4  }
0x81: {  	[tilespmem:$0x4940] =	vst v0;
	v0 =	vld [tilespmem:$0x1FFC0];
	_ =	sdelay $0x4  }
0x82: {  	[tilespmem:$0x4950] =	vst v0;
	v0 =	vld [tilespmem:$0x1FFD0];
	_ =	sdelay $0x4  }
0x83: {  	[tilespmem:$0x4960] =	vst v0;
	v0 =	vld [tilespmem:$0x1FFF0];
	_ =	sdelay $0x4  }
0x84: {  	s0 =	simm.s32 $0x40;
	s29 =	simm.s32 $0x0;
	[tilespmem:$0x4970] =	vst v0  }
.LBB2_2:
0x85: {  	p0 =	sne.s32 s0, $0x3FC0;
	[tilespmem:s29+$0x3180] =	vst v1;
	s29 =	smov.u32 s0;
	s0 =	sadd.s32 $0x40, s0  }
.Ltmp0:
0x86: {  	(pc) =	sbr.rel @p0 .LBB2_2-.Ltmp0, $2  }
0x87: {  	_ =	sdelay $0x2  }
0x88: {  	s29 =	sshra.s32 s29, $0x2  }
0x89: {  	[tilespmem:s29+$0x3180] =	vst v1;
	s29 =	simm.s32 $0x0  }
0x8a: {  	[tilespmem:s29], [sflag:$0x1] =	stream.linear.gather [hbm4b:s6+s29], $0x80, $0x38;
	[tilespmem:$0x6B00] =	vst v63  }
0x8b: {  	_ =	swait.ge [sflag:s14], $0x80  }
0x8c: {  	[sflag:s14] =	ssyncset.done $0x0  }
0x8d: {  	[sflag:s14] =	ssyncadd.s32 $0xFFFFFF80  }
0x8e: {  	[tilespmem:s15], [sflag:$0x1] =	stream.linear.gather [hbm4b:s7+s29], $0x80, $0x38;
	[tilespmem:$0x6B00] =	vst v63  }
0x8f: {  	_ =	swait.ge [sflag:s14], $0x80  }
0x90: {  	[sflag:s14] =	ssyncset.done $0x0  }
0x91: {  	[sflag:s14] =	ssyncadd.s32 $0xFFFFFF80  }
0x92: {  	[tilespmem:s16], [sflag:$0x1] =	stream.linear.gather [hbm4b:s8+s29], $0x80, $0x38;
	[tilespmem:$0x6B00] =	vst v63  }
0x93: {  	_ =	swait.ge [sflag:s14], $0x80  }
0x94: {  	[sflag:s14] =	ssyncset.done $0x0  }
0x95: {  	[sflag:s14] =	ssyncadd.s32 $0xFFFFFF80  }
0x96: {  	[tilespmem:s17], [sflag:$0x1] =	stream.linear.gather [hbm4b:s2+s29], $0x1000, $0x38;
	[tilespmem:$0x6B00] =	vst v63  }
0x97: {  	_ =	swait.ge [sflag:s14], $0x1000  }
0x98: {  	[sflag:s14] =	ssyncset.done $0x0  }
0x99: {  	[sflag:s14] =	ssyncadd.s32 $0xFFFFF000  }
0x9a: {  	[tilespmem:s18], [sflag:$0x1] =	stream.linear.gather [hbm4b:s4+s29], $0x1000, $0x38;
	[tilespmem:$0x6B00] =	vst v63  }
0x9b: {  	_ =	swait.ge [sflag:s14], $0x1000  }
0x9c: {  	[sflag:s14] =	ssyncset.done $0x0  }
0x9d: {  	[sflag:s14] =	ssyncadd.s32 $0xFFFFF000  }
0x9e: {  	[tilespmem:s19], [sflag:$0x1] =	stream.linear.gather [hbm4b:s5+s29], $0x1000, $0x38;
	[tilespmem:$0x6B00] =	vst v63  }
0x9f: {  	_ =	swait.ge [sflag:s14], $0x1000  }
0xa0: {  	[sflag:s14] =	ssyncset.done $0x0  }
0xa1: {  	v0 =	vimm.f32 $0.0e+00;
	[sflag:s14] =	ssyncadd.s32 $0xFFFFF000  }
.LBB2_4:
0xa2: {  	s0 =	sshll.u32 s29, $0x5  }
0xa3: {  	[tilespmem:$0x1FB90] =	vst v0;
	v0 =	vld [tilespmem:s0+$0x0];
	_ =	sdelay $0x4  }
0xa4: {  	[tilespmem:$0x1FBA0] =	vst v0;
	v0 =	vld [tilespmem:s0+$0x10];
	_ =	sdelay $0x4  }
0xa5: {  	[tilespmem:$0x1FBB0] =	vst v0;
	v0 =	vld [tilespmem:s0+$0x80];
	_ =	sdelay $0x4  }
0xa6: {  	[tilespmem:$0x1FBC0] =	vst v0;
	v0 =	vld [tilespmem:s0+$0x90];
	_ =	sdelay $0x4  }
0xa7: {  	[tilespmem:$0x1FBD0] =	vst v0;
	v0 =	vld [tilespmem:s0+$0x100];
	_ =	sdelay $0x4  }
0xa8: {  	[tilespmem:$0x1FBE0] =	vst v0;
	v0 =	vld [tilespmem:s0+$0x110];
	_ =	sdelay $0x3  }
0xa9: {  	v1 =	vimm.f32 $+Inf  }
0xaa: {  	s30 =	simm.s32 $0x0;
	v4 =	vimm.f32 $+Inf;
	v3 =	vimm.f32 $+Inf;
	v6 =	vimm.f32 $+Inf;
	[tilespmem:$0x1FBF0] =	vst v0  }
.LBB2_5:
0xab: {  	s31 =	sshra.s32 s30, $0x2  }
0xac: {  	v23 =	vld [tilespmem:s31+$0x180]  }
0xad: {  	v24 =	vld [tilespmem:s31+$0x1180]  }
0xae: {  	v20 =	vld [tilespmem:s31+$0x2180]  }
0xaf: {  	v0 =	vld [tilespmem:$0x1FBA0]  }
0xb0: {  	v2 =	vld [tilespmem:$0x1FBC0]  }
0xb1: {  	[tilespmem:$0x1FB60] =	vst v4;
	v4 =	vld [tilespmem:$0x1FBE0]  }
0xb2: {  	[tilespmem:$0x1FB70] =	vst v1;
	v1 =	vld [tilespmem:$0x1FBB0];
	v13 =	vbroadcast v23, $0x0  }
0xb3: {  	[tilespmem:$0x1FB50] =	vst v3;
	v3 =	vld [tilespmem:$0x1FBD0];
	v14 =	vbroadcast v24, $0x0;
	v17 =	vbroadcast v20, $0x0  }
0xb4: {  	v5 =	vld [tilespmem:$0x1FBF0];
	v19 =	vbroadcast v23, $0x1;
	v38 =	vbroadcast v24, $0x1  }
0xb5: {  	v21 =	vbroadcast v20, $0x1;
	v43 =	vbroadcast v23, $0x2  }
0xb6: {  	v26 =	vbroadcast v24, $0x2;
	v47 =	vbroadcast v20, $0x2;
	v15 =	vsub.f32 v0, v13  }
0xb7: {  	v27 =	vbroadcast v23, $0x3;
	v16 =	vsub.f32 v2, v14;
	v18 =	vsub.f32 v4, v17  }
0xb8: {  	v28 =	vbroadcast v24, $0x3;
	v13 =	vsub.f32 v1, v13;
	v14 =	vsub.f32 v3, v14  }
0xb9: {  	v31 =	vbroadcast v20, $0x3;
	v39 =	vsub.f32 v5, v17;
	v40 =	vsub.f32 v0, v19  }
0xba: {  	v55 =	vbroadcast v23, $0x4;
	v41 =	vsub.f32 v2, v38;
	v22 =	vsub.f32 v4, v21  }
0xbb: {  	v56 =	vbroadcast v24, $0x4;
	v19 =	vsub.f32 v1, v19;
	v21 =	vsub.f32 v5, v21  }
0xbc: {  	v59 =	vbroadcast v20, $0x4;
	v25 =	vsub.f32 v0, v43;
	v49 =	vsub.f32 v2, v26  }
0xbd: {  	v33 =	vbroadcast v24, $0x5;
	v51 =	vsub.f32 v4, v47;
	v26 =	vsub.f32 v3, v26  }
0xbe: {  	v29 =	vsub.f32 v0, v27;
	v15 =	vmul.f32 v15, v15;
	v16 =	vmul.f32 v16, v16  }
0xbf: {  	v30 =	vsub.f32 v2, v28;
	v36 =	vmul.f32 v18, v18;
	v37 =	vmul.f32 v13, v13  }
0xc0: {  	v32 =	vsub.f32 v4, v31;
	v14 =	vmul.f32 v14, v14;
	v17 =	vmul.f32 v40, v40  }
0xc1: {  	v54 =	vsub.f32 v1, v27;
	v18 =	vmul.f32 v41, v41;
	v42 =	vmul.f32 v22, v22  }
0xc2: {  	v57 =	vsub.f32 v3, v28;
	v44 =	vmul.f32 v19, v19;
	v48 =	vmul.f32 v21, v21  }
0xc3: {  	v58 =	vsub.f32 v5, v31;
	v50 =	vmul.f32 v25, v25;
	v19 =	vmul.f32 v49, v49  }
0xc4: {  	v62 =	vsub.f32 v4, v59;
	v26 =	vmul.f32 v26, v26;
	v29 =	vmul.f32 v29, v29  }
0xc5: {  	v28 =	vsub.f32 v5, v59;
	v30 =	vmul.f32 v30, v30;
	v25 =	vmul.f32 v51, v51  }
0xc6: {  	v60 =	vsub.f32 v0, v55;
	v53 =	vmul.f32 v32, v32;
	v63 =	vmul.f32 v58, v58  }
0xc7: {  	v61 =	vsub.f32 v2, v56;
	v11 =	vmul.f32 v62, v62;
	v34 =	vmul.f32 v28, v28  }
0xc8: {  	v22 =	vsub.f32 v1, v43;
	v40 =	vbroadcast v23, $0x6;
	v41 =	vbroadcast v24, $0x6  }
0xc9: {  	v43 =	vbroadcast v20, $0x6;
	v58 =	vbroadcast v20, $0x8;
	v15 =	vadd.f32 v16, v15  }
0xca: {  	v14 =	vadd.f32 v14, v37;
	v16 =	vmul.f32 v39, v39;
	v17 =	vadd.f32 v18, v17  }
0xcb: {  	v22 =	vmul.f32 v22, v22;
	v21 =	vadd.f32 v19, v50;
	v52 =	vadd.f32 v30, v29  }
0xcc: {  	v29 =	vmul.f32 v60, v60;
	v32 =	vsub.f32 v1, v40;
	v9 =	vadd.f32 v36, v15  }
0xcd: {  	v30 =	vmul.f32 v61, v61;
	v15 =	vsub.f32 v3, v38;
	v7 =	vadd.f32 v16, v14  }
0xce: {  	v37 =	vbroadcast v20, $0x5;
	v8 =	vadd.f32 v42, v17;
	v17 =	vsub.f32 v5, v47  }
0xcf: {  	v60 =	vbroadcast v23, $0x9;
	v22 =	vadd.f32 v26, v22;
	v12 =	vadd.f32 v25, v21  }
0xd0: {  	v14 =	vadd.f32 v53, v52;
	v21 =	vmul.f32 v54, v54;
	v25 =	vsub.f32 v3, v56  }
0xd1: {  	v26 =	vmul.f32 v57, v57;
	v10 =	vadd.f32 v30, v29;
	v36 =	vsub.f32 v2, v33  }
0xd2: {  	v39 =	vsub.f32 v4, v37;
	v30 =	vsub.f32 v5, v37;
	v37 =	vbroadcast v20, $0x7  }
0xd3: {  	v42 =	vsub.f32 v2, v41;
	v53 =	vbroadcast v23, $0x8;
	v54 =	vbroadcast v24, $0x8  }
0xd4: {  	v45 =	vmul.f32 v15, v15;
	v17 =	vmul.f32 v17, v17;
	v21 =	vadd.f32 v26, v21  }
0xd5: {  	v25 =	vmul.f32 v25, v25;
	v47 =	vadd.f32 v11, v10;
	v26 =	vsub.f32 v3, v33  }
0xd6: {  	v29 =	vmul.f32 v36, v36;
	v33 =	vsub.f32 v0, v40;
	v50 =	vsub.f32 v4, v37  }
0xd7: {  	v28 =	vmul.f32 v39, v39;
	v56 =	vsub.f32 v0, v53;
	v57 =	vsub.f32 v2, v54  }
0xd8: {  	v30 =	vmul.f32 v30, v30;
	v46 =	vadd.f32 v45, v44;
	v13 =	vadd.f32 v17, v22  }
0xd9: {  	v10 =	vbroadcast v24, $0x9;
	v22 =	vsub.f32 v1, v55;
	v15 =	vadd.f32 v63, v21  }
0xda: {  	[tilespmem:$0x1FB80] =	vst v12;
	v40 =	vbroadcast v20, $0x9;
	v45 =	vsub.f32 v4, v43;
	v55 =	vsub.f32 v5, v37  }
0xdb: {  	[tilespmem:$0x41A0] =	vst v12;
	v12 =	vbroadcast v20, $0xC;
	v37 =	vsub.f32 v5, v58;
	v63 =	vsub.f32 v0, v60  }
0xdc: {  	v11 =	vsub.f32 v2, v10;
	v18 =	vmul.f32 v22, v22;
	v22 =	vbroadcast v23, $0x5  }
0xdd: {  	v26 =	vmul.f32 v26, v26;
	v16 =	vsub.f32 v4, v40;
	v19 =	vadd.f32 v48, v46  }
0xde: {  	v44 =	vmul.f32 v33, v33;
	v35 =	vsub.f32 v0, v22;
	v31 =	vsub.f32 v1, v22  }
0xdf: {  	v46 =	vmul.f32 v32, v32;
	v33 =	vmul.f32 v45, v45;
	v25 =	vadd.f32 v25, v18  }
0xe0: {  	v40 =	vsub.f32 v5, v40;
	v38 =	vmul.f32 v35, v35;
	v31 =	vmul.f32 v31, v31  }
0xe1: {  	v37 =	vmul.f32 v37, v37;
	v49 =	vadd.f32 v34, v25;
	v34 =	vbroadcast v23, $0x7  }
0xe2: {  	v35 =	vbroadcast v24, $0x7;
	v27 =	vadd.f32 v29, v38;
	v31 =	vadd.f32 v26, v31  }
0xe3: {  	v45 =	vbroadcast v24, $0xC;
	v29 =	vsub.f32 v3, v41;
	v48 =	vsub.f32 v0, v34  }
0xe4: {  	v36 =	vsub.f32 v2, v35;
	v34 =	vsub.f32 v1, v34;
	v26 =	vmul.f32 v63, v63  }
0xe5: {  	v38 =	vsub.f32 v4, v58;
	v41 =	vbroadcast v24, $0xA;
	v58 =	vbroadcast v20, $0xB  }
0xe6: {  	v25 =	vadd.f32 v28, v27;
	v28 =	vmul.f32 v42, v42;
	v29 =	vmul.f32 v29, v29  }
0xe7: {  	v35 =	vsub.f32 v3, v35;
	v32 =	vmul.f32 v48, v48;
	v36 =	vmul.f32 v36, v36  }
0xe8: {  	v22 =	vadd.f32 v30, v31;
	v31 =	vmul.f32 v50, v50;
	v51 =	vmul.f32 v34, v34  }
0xe9: {  	v30 =	vsub.f32 v5, v43;
	v52 =	vmul.f32 v35, v35;
	v35 =	vmul.f32 v55, v55  }
0xea: {  	v34 =	vmul.f32 v56, v56;
	v61 =	vmul.f32 v38, v38;
	v43 =	vsub.f32 v2, v41  }
0xeb: {  	v27 =	vbroadcast v23, $0xA;
	v41 =	vsub.f32 v3, v41;
	v28 =	vadd.f32 v28, v44  }
0xec: {  	v29 =	vadd.f32 v29, v46;
	v30 =	vmul.f32 v30, v30;
	v32 =	vadd.f32 v36, v32  }
0xed: {  	v50 =	vmul.f32 v40, v40;
	v38 =	vsub.f32 v1, v27;
	v21 =	vadd.f32 v33, v28  }
0xee: {  	v36 =	vmul.f32 v57, v57;
	v18 =	vadd.f32 v30, v29;
	v17 =	vadd.f32 v31, v32  }
0xef: {  	v43 =	vmul.f32 v43, v43;
	v33 =	vadd.f32 v52, v51;
	v31 =	vsub.f32 v1, v53  }
0xf0: {  	v55 =	vmul.f32 v41, v41;
	v32 =	vsub.f32 v3, v54;
	v59 =	vadd.f32 v36, v34  }
0xf1: {  	v34 =	vsub.f32 v1, v60;
	v36 =	vmul.f32 v16, v16;
	v30 =	vbroadcast v20, $0xA  }
0xf2: {  	v28 =	vsub.f32 v0, v27;
	v53 =	vbroadcast v23, $0xB;
	v54 =	vbroadcast v24, $0xB  }
0xf3: {  	v38 =	vmul.f32 v38, v38;
	v60 =	vsub.f32 v5, v58;
	v39 =	vmul.f32 v31, v31  }
0xf4: {  	v32 =	vmul.f32 v32, v32;
	v31 =	vadd.f32 v35, v33;
	v35 =	vmul.f32 v11, v11  }
0xf5: {  	v42 =	vmul.f32 v34, v34;
	v46 =	vsub.f32 v4, v30;
	v56 =	vsub.f32 v0, v53  }
0xf6: {  	[tilespmem:$0x4180] =	vst v9;
	v44 =	vmul.f32 v28, v28;
	v57 =	vsub.f32 v2, v54;
	v38 =	vadd.f32 v55, v38  }
0xf7: {  	v16 =	vmovc v9;
	v9 =	vmul.f32 v60, v60;
	v11 =	vsub.f32 v2, v45;
	v62 =	vadd.f32 v32, v39  }
0xf8: {  	v60 =	vbroadcast v23, $0xE;
	v32 =	vadd.f32 v61, v59;
	v39 =	vsub.f32 v3, v10  }
0xf9: {  	v35 =	vadd.f32 v35, v26;
	v51 =	vadd.f32 v43, v44;
	v52 =	vmul.f32 v46, v46  }
0xfa: {  	v59 =	vsub.f32 v4, v58;
	v41 =	vmul.f32 v56, v56;
	v43 =	vsub.f32 v3, v54  }
0xfb: {  	v46 =	vbroadcast v23, $0xD;
	v33 =	vadd.f32 v37, v62;
	v34 =	vadd.f32 v36, v35  }
0xfc: {  	v29 =	vmul.f32 v39, v39;
	v36 =	vadd.f32 v52, v51;
	v39 =	vsub.f32 v5, v30  }
0xfd: {  	v37 =	vsub.f32 v1, v53;
	v40 =	vmul.f32 v59, v59;
	v43 =	vmul.f32 v43, v43  }
0xfe: {  	[tilespmem:$0x42A0] =	vst v13;
	v62 =	vbroadcast v23, $0xC;
	v30 =	vmovc v13;
	v13 =	vsub.f32 v3, v45;
	v54 =	vsub.f32 v0, v46  }
0xff: {  	v53 =	vbroadcast v24, $0xD;
	v46 =	vsub.f32 v1, v46;
	v48 =	vadd.f32 v29, v42  }
0x100: {  	v42 =	vmul.f32 v57, v57;
	v39 =	vmul.f32 v39, v39;
	v10 =	vsub.f32 v0, v62  }
0x101: {  	[tilespmem:$0x41C0] =	vst v47;
	v61 =	vmul.f32 v37, v37;
	v55 =	vsub.f32 v2, v53;
	v44 =	vsub.f32 v3, v53  }
0x102: {  	v27 =	vmovc v47;
	v47 =	vmul.f32 v54, v54;
	v35 =	vadd.f32 v50, v48;
	v41 =	vadd.f32 v42, v41  }
0x103: {  	v58 =	vmul.f32 v46, v46;
	v37 =	vadd.f32 v39, v38;
	v63 =	vadd.f32 v43, v61  }
0x104: {  	v39 =	vsub.f32 v1, v62;
	v42 =	vmul.f32 v10, v10;
	v43 =	vmul.f32 v11, v11  }
0x105: {  	[tilespmem:$0x41B0] =	vst v14;
	v29 =	vmovc v14;
	v14 =	vsub.f32 v4, v12;
	v48 =	vbroadcast v20, $0xD;
	v44 =	vmul.f32 v44, v44  }
0x106: {  	v61 =	vbroadcast v24, $0xE;
	v38 =	vadd.f32 v40, v41;
	v40 =	vadd.f32 v9, v63  }
0x107: {  	[tilespmem:$0x4280] =	vst v7;
	v51 =	vld [tilespmem:$0x4580];
	v11 =	vbroadcast v20, $0xE;
	v42 =	vadd.f32 v43, v42;
	v50 =	vsub.f32 v4, v48  }
0x108: {  	[tilespmem:$0x4190] =	vst v8;
	v54 =	vld [tilespmem:$0x4590];
	v20 =	vbroadcast v20, $0xF;
	v59 =	vsub.f32 v5, v48;
	v9 =	vsub.f32 v0, v60  }
0x109: {  	[tilespmem:$0x42B0] =	vst v15;
	v45 =	vmul.f32 v14, v14;
	v10 =	vsub.f32 v2, v61;
	v48 =	vsub.f32 v3, v61;
	v61 =	vld [tilespmem:$0x45A0]  }
0x10a: {  	[tilespmem:$0x4290] =	vst v19;
	v43 =	vmul.f32 v55, v55;
	v14 =	vsub.f32 v4, v11;
	v55 =	vsub.f32 v5, v11;
	v11 =	vld [tilespmem:$0x45D0]  }
0x10b: {  	[tilespmem:$0x42C0] =	vst v49;
	v62 =	vadd.f32 v44, v58;
	v58 =	vsub.f32 v4, v20;
	v4 =	vld [tilespmem:$0x4760]  }
0x10c: {  	[tilespmem:$0x41D0] =	vst v25;
	v41 =	vsub.f32 v5, v12;
	v12 =	vmul.f32 v9, v9;
	v9 =	vld [tilespmem:$0x45B0]  }
0x10d: {  	[tilespmem:$0x42D0] =	vst v22;
	v52 =	vmul.f32 v13, v13;
	v13 =	vmul.f32 v10, v10;
	v10 =	vld [tilespmem:$0x45C0]  }
0x10e: {  	[tilespmem:$0x41E0] =	vst v21;
	v28 =	vmov v15;
	v15 =	vmul.f32 v14, v14;
	v14 =	vld [tilespmem:$0x4600]  }
0x10f: {  	[tilespmem:$0x42E0] =	vst v18;
	v39 =	vmul.f32 v39, v39;
	v46 =	vmul.f32 v55, v55;
	v55 =	vld [tilespmem:$0x4620]  }
0x110: {  	[tilespmem:$0x41F0] =	vst v17;
	v43 =	vadd.f32 v43, v47;
	v47 =	vsub.f32 v1, v60;
	v60 =	vmul.f32 v58, v58;
	v58 =	vld [tilespmem:$0x4650]  }
0x111: {  	[tilespmem:$0x42F0] =	vst v31;
	v39 =	vadd.f32 v52, v39;
	v52 =	vsub.f32 v5, v20;
	v5 =	vmin.f32 v6, v16;
	v6 =	vld [tilespmem:$0x4770]  }
0x112: {  	[tilespmem:$0x4200] =	vst v32;
	v16 =	vld [tilespmem:$0x1FB50]  }
0x113: {  	v23 =	vbroadcast v23, $0xF;
	[tilespmem:$0x4300] =	vst v33;
	v56 =	vmul.f32 v41, v41;
	v44 =	vadd.f32 v13, v12;
	v12 =	vld [tilespmem:$0x45E0]  }
0x114: {  	[tilespmem:$0x4210] =	vst v34;
	v24 =	vbroadcast v24, $0xF;
	v41 =	vadd.f32 v45, v42;
	v57 =	vmul.f32 v50, v50;
	v13 =	vld [tilespmem:$0x45F0]  }
0x115: {  	[tilespmem:$0x4220] =	vst v36;
	v48 =	vmul.f32 v48, v48;
	v39 =	vadd.f32 v56, v39;
	v56 =	vsub.f32 v0, v23;
	v0 =	vld [tilespmem:$0x46B0]  }
0x116: {  	[tilespmem:$0x4310] =	vst v35;
	v42 =	vadd.f32 v57, v43;
	v47 =	vmul.f32 v47, v47;
	v57 =	vsub.f32 v2, v24;
	v2 =	vld [tilespmem:$0x46C0]  }
0x117: {  	v26 =	vmov v49;
	[tilespmem:$0x4320] =	vst v37;
	v23 =	vsub.f32 v1, v23;
	v1 =	vld [tilespmem:$0x46D0]  }
0x118: {  	v63 =	vmul.f32 v59, v59;
	[tilespmem:$0x4230] =	vst v38;
	v24 =	vsub.f32 v3, v24;
	v3 =	vld [tilespmem:$0x4750];
	v47 =	vadd.f32 v48, v47  }
0x119: {  	[tilespmem:$0x4330] =	vst v40;
	v48 =	vmul.f32 v56, v56;
	v49 =	vmul.f32 v57, v57;
	v20 =	vadd.f32 v15, v44;
	v15 =	vld [tilespmem:$0x4610]  }
0x11a: {  	v43 =	vadd.f32 v63, v62;
	[tilespmem:$0x4240] =	vst v41;
	v56 =	vld [tilespmem:$0x4630]  }
0x11b: {  	[tilespmem:$0x4340] =	vst v39;
	v53 =	vmul.f32 v23, v23;
	v24 =	vmul.f32 v24, v24;
	v57 =	vld [tilespmem:$0x4640];
	v59 =	vadd.f32 v49, v48  }
0x11c: {  	[tilespmem:$0x4250] =	vst v42;
	v7 =	vmin.f32 v16, v7;
	v16 =	vld [tilespmem:$0x1FB60];
	v23 =	vadd.f32 v46, v47  }
0x11d: {  	v63 =	vmul.f32 v52, v52;
	[tilespmem:$0x4350] =	vst v43;
	v62 =	vadd.f32 v24, v53;
	v24 =	vadd.f32 v60, v59;
	v59 =	vld [tilespmem:$0x4660]  }
0x11e: {  	[tilespmem:$0x4260] =	vst v20;
	v60 =	vld [tilespmem:$0x4670]  }
0x11f: {  	[tilespmem:$0x4360] =	vst v23;
	v45 =	vadd.f32 v63, v62;
	v62 =	vld [tilespmem:$0x4690]  }
0x120: {  	v63 =	vld [tilespmem:$0x46A0];
	[tilespmem:$0x4270] =	vst v24  }
0x121: {  	[tilespmem:$0x4370] =	vst v45;
	v8 =	vmin.f32 v16, v8;
	v16 =	vld [tilespmem:$0x1FB70]  }
0x122: {  	v51 =	vld.idx.msk [tilespmem:v51+s20+$0x0], $0xffff  }
0x123: {  	v52 =	vld.idx.msk [tilespmem:v54+s20+$0x0], $0xffff  }
0x124: {  	v48 =	vld.idx.msk [tilespmem:v61+s20+$0x0], $0xffff  }
0x125: {  	v49 =	vld.idx.msk [tilespmem:v9+s20+$0x0], $0xffff  }
0x126: {  	v44 =	vld.idx.msk [tilespmem:v10+s20+$0x0], $0xffff  }
0x127: {  	v46 =	vld.idx.msk [tilespmem:v11+s20+$0x0], $0xffff  }
0x128: {  	v47 =	vld.idx.msk [tilespmem:v12+s20+$0x0], $0xffff  }
0x129: {  	v50 =	vld.idx.msk [tilespmem:v13+s20+$0x0], $0xffff  }
0x12a: {  	v53 =	vld.idx.msk [tilespmem:v14+s20+$0x0], $0xffff  }
0x12b: {  	v55 =	vld.idx.msk [tilespmem:v55+s20+$0x0], $0xffff  }
0x12c: {  	v58 =	vld.idx.msk [tilespmem:v58+s20+$0x0], $0xffff  }
0x12d: {  	v61 =	vld [tilespmem:$0x4680]  }
0x12e: {  	v9 =	vld [tilespmem:$0x46E0]  }
0x12f: {  	v10 =	vld [tilespmem:$0x46F0]  }
0x130: {  	v14 =	vld.idx.msk [tilespmem:v2+s20+$0x0], $0xffff  }
0x131: {  	v13 =	vld.idx.msk [tilespmem:v1+s20+$0x0], $0xffff  }
0x132: {  	v11 =	vld [tilespmem:$0x4700]  }
0x133: {  	v12 =	vld [tilespmem:$0x4710]  }
0x134: {  	v1 =	vld [tilespmem:$0x4730]  }
0x135: {  	v2 =	vld [tilespmem:$0x4740]  }
0x136: {  	v3 =	vld.idx.msk [tilespmem:v3+s20+$0x0], $0xffff  }
0x137: {  	v4 =	vld.idx.msk [tilespmem:v4+s20+$0x0], $0xffff  }
0x138: {  	v54 =	vld.idx.msk [tilespmem:v15+s20+$0x0], $0xffff  }
0x139: {  	v56 =	vld.idx.msk [tilespmem:v56+s20+$0x0], $0xffff  }
0x13a: {  	v57 =	vld.idx.msk [tilespmem:v57+s20+$0x0], $0xffff  }
0x13b: {  	v15 =	vld.idx.msk [tilespmem:v0+s20+$0x0], $0xffff  }
0x13c: {  	v0 =	vld [tilespmem:$0x4720]  }
0x13d: {  	v19 =	vmin.f32 v16, v19;
	v16 =	vld [tilespmem:$0x1FB80]  }
0x13e: {  	v59 =	vld.idx.msk [tilespmem:v59+s20+$0x0], $0xffff  }
0x13f: {  	v60 =	vld.idx.msk [tilespmem:v60+s20+$0x0], $0xffff  }
0x140: {  	v62 =	vld.idx.msk [tilespmem:v62+s20+$0x0], $0xffff  }
0x141: {  	v7 =	vmin.f32 v7, v30;
	v63 =	vld.idx.msk [tilespmem:v63+s20+$0x0], $0xffff  }
0x142: {  	v7 =	vmin.f32 v7, v26;
	v8 =	vmin.f32 v8, v29;
	v61 =	vld.idx.msk [tilespmem:v61+s20+$0x0], $0xffff  }
0x143: {  	v7 =	vmin.f32 v7, v18;
	v8 =	vmin.f32 v8, v25;
	v9 =	vld.idx.msk [tilespmem:v9+s20+$0x0], $0xffff  }
0x144: {  	v7 =	vmin.f32 v7, v33;
	v8 =	vmin.f32 v8, v17;
	v10 =	vld.idx.msk [tilespmem:v10+s20+$0x0], $0xffff  }
0x145: {  	v7 =	vmin.f32 v7, v37;
	v8 =	vmin.f32 v8, v34;
	v11 =	vld.idx.msk [tilespmem:v11+s20+$0x0], $0xffff  }
0x146: {  	v8 =	vmin.f32 v8, v38;
	v30 =	vmin.f32 v19, v28;
	v49 =	vmin.f32 v48, v49;
	v12 =	vld.idx.msk [tilespmem:v12+s20+$0x0], $0xffff  }
0x147: {  	v13 =	vmin.f32 v14, v13;
	v54 =	vmin.f32 v53, v54;
	v56 =	vmin.f32 v55, v56;
	v1 =	vld.idx.msk [tilespmem:v1+s20+$0x0], $0xffff  }
0x148: {  	v57 =	vmin.f32 v57, v58;
	v2 =	vld.idx.msk [tilespmem:v2+s20+$0x0], $0xffff;
	v5 =	vmin.f32 v5, v16;
	v16 =	vmin.f32 v30, v22  }
0x149: {  	v0 =	vld.idx.msk [tilespmem:v0+s20+$0x0], $0xffff;
	v5 =	vmin.f32 v5, v27;
	v16 =	vmin.f32 v16, v31;
	v58 =	vmin.f32 v59, v60  }
0x14a: {  	v6 =	vld.idx.msk [tilespmem:v6+s20+$0x0], $0xffff;
	v15 =	vmin.f32 v63, v15;
	v5 =	vmin.f32 v5, v21;
	v16 =	vmin.f32 v16, v35  }
0x14b: {  	v5 =	vmin.f32 v5, v32;
	v16 =	vmin.f32 v16, v40;
	v40 =	vmin.f32 v51, v52  }
0x14c: {  	v51 =	vmin.f32 v44, v46;
	v52 =	vmin.f32 v47, v50;
	v5 =	vmin.f32 v5, v36  }
0x14d: {  	v59 =	vmin.f32 v61, v62;
	v9 =	vmin.f32 v9, v10;
	v60 =	vmin.f32 v11, v12  }
0x14e: {  	v61 =	vmin.f32 v57, v58;
	v0 =	vmin.f32 v0, v1;
	v1 =	vmin.f32 v2, v3  }
0x14f: {  	v2 =	vmin.f32 v4, v6;
	v3 =	vmin.f32 v40, v49;
	v4 =	vmin.f32 v51, v52  }
0x150: {  	v63 =	vld [tilespmem:s31+$0x3180];
	v6 =	vmin.f32 v54, v56;
	v62 =	vmin.f32 v59, v15;
	v9 =	vmin.f32 v13, v9  }
0x151: {  	p0 =	sne.s32 s30, $0x3FC0;
	v0 =	vmin.f32 v60, v0;
	v1 =	vmin.f32 v1, v2;
	v2 =	vmin.f32 v3, v4  }
.Ltmp1:
0x152: {  	v3 =	vmin.f32 v6, v61;
	v4 =	vmin.f32 v62, v9;
	v0 =	vmin.f32 v0, v1;
	(pc) =	sbr.rel @p0 .LBB2_5-.Ltmp1, $4  }
0x153: {  	v1 =	vmin.f32 v5, v41;
	v2 =	vmin.f32 v2, v3;
	v0 =	vmin.f32 v4, v0  }
0x154: {  	v3 =	vmin.f32 v7, v39;
	v4 =	vmin.f32 v8, v42;
	v0 =	vmin.f32 v2, v0  }
0x155: {  	v6 =	vmin.f32 v1, v20;
	v2 =	vmin.f32 v16, v43;
	v0 =	vmin.f32 v63, v0  }
0x156: {  	s30 =	sadd.s32 $0x40, s30;
	v3 =	vmin.f32 v3, v23;
	v4 =	vmin.f32 v4, v24;
	v1 =	vmin.f32 v2, v45;
	[tilespmem:s31+$0x3180] =	vst v0  }
0x157: {  	v0 =	vmin.f32 v6, v4;
	v1 =	vmin.f32 v3, v1;
	s29 =	sadd.s32 $0x1, s29  }
0x158: {  	v0 =	vadd.f32 v1, v0;
	p0 =	sne.s32 s29, $0x4;
	v1 =	vld [tilespmem:$0x1FB90]  }
.Ltmp2:
0x159: {  	_ = 	snop;
	(pc) =	sbr.rel @p0 .LBB2_4-.Ltmp2, $2  }
0x15a: {  	_ =	sdelay $0x2  }
0x15b: {  	v0 =	vadd.f32 v0, v1  }
0x15c: {  	_ = 	snop  }
0x15d: {  	v0 =	vmul.f32 $2.441406250e-04, v0;
	_ =	sdelay $0x1  }
0x15e: {  	s0 =	simm.s32 $0x0;
	[tilespmem:$0x5A80] =	vst v0  }
0x15f: {  	[hbm4b:s9+s0] =	stream.linear.scatter [tilespmem:s21], [sflag:$0x1], $0x80, $0x38;
	[tilespmem:$0x6B00] =	vst v63  }
0x160: {  	_ =	swait.ge [sflag:s14], $0x80  }
0x161: {  	[sflag:s14] =	ssyncset.done $0x0  }
0x162: {  	[sflag:s14] =	ssyncadd.s32 $0xFFFFFF80  }
0x163: {  	[spmem:s10] =	stream.strided.scatter [tilespmem:s23], [sflag:$0x1], $0x1000, s22, s15, $0x38;
	[tilespmem:$0x6B00] =	vst v63  }
0x164: {  	_ =	swait.ge [sflag:s14], $0x1000  }
0x165: {  	[sflag:s14] =	ssyncset.done $0x0  }
0x166: {  	[sflag:s14] =	ssyncadd.s32 $0xFFFFF000  }
0x167: {  	[bflag:$0x0] =	sbarrier.arrive $0xFFFF  }
0x168: {  	[tilespmem:s26], [sflag:$0x1] =	stream.strided.gather [spmem:s11], $0x1000, s25, s24, $0x38;
	[tilespmem:$0x6B00] =	vst v63  }
0x169: {  	_ =	swait.ge [sflag:s14], $0x1000  }
0x16a: {  	s29 =	sand.u32 $0x70, s0;
	s0 =	sand.u32 $0x400, s0;
	[sflag:s14] =	ssyncset.done $0x0  }
0x16b: {  	s0 =	sor.u32 s29, s0;
	[sflag:s14] =	ssyncadd.s32 $0xFFFFF000  }
0x16c: {  	v53 =	vld [tilespmem:s0+$0x4A00]  }
0x16d: {  	v1 =	vld [tilespmem:s0+$0x4980]  }
0x16e: {  	v2 =	vld [tilespmem:s0+$0x4A80]  }
0x16f: {  	v3 =	vld [tilespmem:s0+$0x4B00]  }
0x170: {  	v4 =	vld [tilespmem:s0+$0x4B80]  }
0x171: {  	v5 =	vld [tilespmem:s0+$0x4C00]  }
0x172: {  	v54 =	vld [tilespmem:s0+$0x4C80];
	v0 =	vmin.f32 v1, v53  }
0x173: {  	v55 =	vld [tilespmem:s0+$0x4D00];
	v0 =	vmin.f32 v0, v2  }
0x174: {  	v56 =	vld [tilespmem:s0+$0x5180];
	v0 =	vmin.f32 v0, v3  }
0x175: {  	v57 =	vld [tilespmem:s0+$0x5200];
	v0 =	vmin.f32 v0, v4  }
0x176: {  	v58 =	vld [tilespmem:s0+$0x5280];
	v0 =	vmin.f32 v0, v5  }
0x177: {  	v59 =	vld [tilespmem:s0+$0x5300];
	v0 =	vmin.f32 v0, v54  }
0x178: {  	v60 =	vld [tilespmem:s0+$0x5380];
	v0 =	vmin.f32 v0, v55  }
0x179: {  	v61 =	vld [tilespmem:s0+$0x5400];
	v0 =	vmin.f32 v0, v56  }
0x17a: {  	v62 =	vld [tilespmem:s0+$0x5480];
	v0 =	vmin.f32 v0, v57  }
0x17b: {  	v63 =	vld [tilespmem:s0+$0x5500];
	v0 =	vmin.f32 v0, v58  }
0x17c: {  	v0 =	vmin.f32 v0, v59  }
0x17d: {  	v0 =	vmin.f32 v0, v60  }
0x17e: {  	v0 =	vmin.f32 v0, v61  }
0x17f: {  	s3 =	simm.s32 $0x10;
	s31 =	simm.s32 $0x80;
	v0 =	vmin.f32 v0, v62  }
0x180: {  	s30 =	sand.u32 $0x400, s31;
	s29 =	simm.s32 $0x5980;
	s0 =	sand.u32 $0x70, s3;
	v0 =	vmin.f32 v0, v63  }
0x181: {  	s30 =	sor.u32 s0, s30;
	s0 =	simm.s32 $0x20;
	[tilespmem:s29+$0x0] =	vst v0  }
.LBB2_8:
0x182: {  	p0 =	sne.s32 s0, $0xF0;
	v0 =	vld [tilespmem:s30+$0x4A00]  }
0x183: {  	v1 =	vld [tilespmem:s30+$0x4980]  }
0x184: {  	v2 =	vld [tilespmem:s30+$0x4A80]  }
0x185: {  	v3 =	vld [tilespmem:s30+$0x4B00]  }
0x186: {  	v4 =	vld [tilespmem:s30+$0x4B80]  }
0x187: {  	v5 =	vld [tilespmem:s30+$0x4C00]  }
0x188: {  	v0 =	vmin.f32 v1, v0;
	v1 =	vld [tilespmem:s30+$0x4C80]  }
0x189: {  	v0 =	vmin.f32 v0, v2;
	v2 =	vld [tilespmem:s30+$0x4D00]  }
0x18a: {  	v0 =	vmin.f32 v0, v3;
	v3 =	vld [tilespmem:s30+$0x5180]  }
0x18b: {  	v0 =	vmin.f32 v0, v4;
	v4 =	vld [tilespmem:s30+$0x5200]  }
0x18c: {  	v0 =	vmin.f32 v0, v5;
	v5 =	vld [tilespmem:s30+$0x5280]  }
0x18d: {  	v0 =	vmin.f32 v0, v1;
	v1 =	vld [tilespmem:s30+$0x5300]  }
0x18e: {  	v0 =	vmin.f32 v0, v2;
	v2 =	vld [tilespmem:s30+$0x5380]  }
0x18f: {  	v0 =	vmin.f32 v0, v3;
	v3 =	vld [tilespmem:s30+$0x5400]  }
0x190: {  	v0 =	vmin.f32 v0, v4;
	v4 =	vld [tilespmem:s30+$0x5480]  }
0x191: {  	v0 =	vmin.f32 v0, v5;
	v5 =	vld [tilespmem:s30+$0x5500]  }
0x192: {  	v0 =	vmin.f32 v0, v1  }
.Ltmp3:
0x193: {  	v0 =	vmin.f32 v0, v2;
	(pc) =	sbr.rel @p0 .LBB2_8-.Ltmp3, $4  }
0x194: {  	v0 =	vmin.f32 v0, v3  }
0x195: {  	s31 =	sadd.s32 $0x80, s31;
	v0 =	vmin.f32 v0, v4  }
0x196: {  	s29 =	sadd.s32 $0x10, s29;
	s3 =	sand.u32 $0x400, s31;
	s30 =	sand.u32 $0x70, s0;
	v0 =	vmin.f32 v0, v5  }
0x197: {  	s0 =	sadd.s32 $0x10, s0;
	s30 =	sor.u32 s30, s3;
	[tilespmem:s29+$0x0] =	vst v0  }
0x198: {  	v0 =	vld [tilespmem:s30+$0x4A00]  }
0x199: {  	v1 =	vld [tilespmem:s30+$0x4980]  }
0x19a: {  	v2 =	vld [tilespmem:s30+$0x4A80]  }
0x19b: {  	v3 =	vld [tilespmem:s30+$0x4B00]  }
0x19c: {  	v4 =	vld [tilespmem:s30+$0x4B80]  }
0x19d: {  	v5 =	vld [tilespmem:s30+$0x4C00]  }
0x19e: {  	v0 =	vmin.f32 v1, v0;
	v1 =	vld [tilespmem:s30+$0x4C80]  }
0x19f: {  	v0 =	vmin.f32 v0, v2;
	v2 =	vld [tilespmem:s30+$0x4D00]  }
0x1a0: {  	v0 =	vmin.f32 v0, v3;
	v3 =	vld [tilespmem:s30+$0x5180]  }
0x1a1: {  	v60 =	vld [tilespmem:s30+$0x5200];
	v0 =	vmin.f32 v0, v4  }
0x1a2: {  	v61 =	vld [tilespmem:s30+$0x5280];
	v0 =	vmin.f32 v0, v5  }
0x1a3: {  	v0 =	vmin.f32 v0, v1;
	v1 =	vld [tilespmem:s30+$0x5300]  }
0x1a4: {  	v0 =	vmin.f32 v0, v2;
	v2 =	vld [tilespmem:s30+$0x5380]  }
0x1a5: {  	v0 =	vmin.f32 v0, v3;
	v3 =	vld [tilespmem:s30+$0x5400]  }
0x1a6: {  	v62 =	vld [tilespmem:s30+$0x5480];
	v0 =	vmin.f32 v0, v60  }
0x1a7: {  	v63 =	vld [tilespmem:s30+$0x5500];
	v0 =	vmin.f32 v0, v61  }
0x1a8: {  	v0 =	vmin.f32 v0, v1  }
0x1a9: {  	v0 =	vmin.f32 v0, v2  }
0x1aa: {  	v0 =	vmin.f32 v0, v3  }
0x1ab: {  	s1 =	sadd.s32 $0x1, s1;
	v0 =	vmin.f32 v0, v62  }
0x1ac: {  	s0 =	sadd.s32 $0x10, s29;
	p0 =	sne.s32 s1, s13;
	v0 =	vmin.f32 v0, v63  }
.Ltmp4:
0x1ad: {  	[tilespmem:s0+$0x0] =	vst v0;
	(pc) =	sbr.rel @p0 .LBB2_1-.Ltmp4, $4  }
0x1ae: {  	[hbm4b:s12+s15] =	stream.strided.scatter [tilespmem:s28], [sflag:$0x1], $0x100, s16, s15, $0x38;
	[tilespmem:$0x6B00] =	vst v63  }
0x1af: {  	_ =	swait.ge [sflag:s14], $0x100  }
0x1b0: {  	[sflag:s14] =	ssyncset.done $0x0  }
0x1b1: {  	v1 =	vimm.f32 $+Inf;
	[sflag:s14] =	ssyncadd.s32 $0xFFFFFF00  }
0x1b2: {  	_ =	sfence.sel $0x180000  }
0x1b3: {  	[bflag:$0x0] =	sbarrier.arrive $0xFFFF  }
0x1b4: {  	_ =	strace $0x90000047  }
0x1b5: {  	s0 =	stileid.u32;
	[bflag:$0x2] =	sbarrier.arrive $0xFFFF  }
0x1b6: {  	p0 =	sne.s32 s0, $0x0;
	s0 =	rddreg [dreg:$0x2]  }
0x1b7: {  	s0 =	sadd.s32 @!p0 $0x100000, s0  }
0x1b8: {  	[sflag:s0] =	ssyncadd.tile.s32 @!p0 $0x1;
	_ =	shalt  }
.Lfunc_end2:
_tile_overlayer_lowered:
.L_overlay_start_2:
0x1b9: {  	(tag) =	ssettag $0x2  }
0x1ba: {  	s0 =	rddreg [dreg:$0x0];
	s2 =	stileid.u32  }
0x1bb: {  	s1 =	rddreg [dreg:$0x1];
	p0 =	sne.s32 s2, $0x0  }
0x1bc: {  	s3 =	rddreg [dreg:$0x2];
	[bflag:$0x3] =	sbarrier.arrive $0xFFFF;
	s2 =	simm.s32 @!p0 $0x1C01  }
0x1bd: {  	[timem:s3], [sflag:s2] =	dma.local @!p0 [hbm:s0], s1  }
0x1be: {  	s0 =	simm.s32 @!p0 $0x1  }
0x1bf: {  	_ =	swait.ge @!p0 [sflag:s0], s1  }
0x1c0: {  	s1 =	ssub.s32 @!p0 $0x0, s1;
	[sflag:s0] =	ssyncset.done @!p0 $0x0  }
0x1c1: {  	[sflag:s0] =	ssyncadd.s32 @!p0 s1  }
0x1c2: {  	[bflag:$0x3] =	sbarrier.arrive $0xFFFF  }
0x1c3: {  	_ =	shalt  }

</sc_bundles>
